<compile_context>
chip_gen: v7x
topology: tpu7x:2x2x1
jax: 0.10.2.dev20260603
libtpu: 0.0.44.dev20260713+nightly
codegen_flags: <defaults>
</compile_context>

<pallas_src>
import functools

import jax
import jax.numpy as jnp
from jax import lax
from jax.experimental import pallas as pl
from jax.experimental.pallas import tpu as pltpu
from jax.experimental.pallas import tpu_sc as plsc

NUM_GROUP = 1000000
EMBED_DIM = 32
BATCH = 16384

_NC = 2
_NS = 16
_NW = _NC * _NS
_B_PER_W = BATCH // _NW
_CHUNK = 16
_NCHUNKS = _B_PER_W // _CHUNK
_LANES = 128


def _issue_fetch(tab_hbm, stage_v, sem, i, slot):
    blk = pl.multiple_of((i // _LANES) * _LANES, _LANES)
    pltpu.async_copy(
        tab_hbm.at[:, pl.ds(blk, _LANES)], stage_v.at[slot], sem
    )


def _sc_gather(idx_hbm, tab_hbm, out_hbm, idx_v, stage_v, slab_v, sem):
    wid = lax.axis_index("s") * _NC + lax.axis_index("c")
    base = wid * _B_PER_W
    pltpu.sync_copy(idx_hbm.at[pl.ds(base, _B_PER_W)], idx_v)

    rows_lo = lax.iota(jnp.int32, 16)
    rows_hi = rows_lo + 16

    chunk0 = idx_v[pl.ds(0, _CHUNK)]
    for t in range(_CHUNK):
        _issue_fetch(tab_hbm, stage_v, sem, chunk0[t], t)

    def body(c, carry):
        cb = pl.multiple_of(c * _CHUNK, 8)
        chunk = idx_v[pl.ds(cb, _CHUNK)]
        nb = pl.multiple_of((c + 1) * _CHUNK, 8)
        nxt = idx_v[pl.ds(jnp.minimum(nb, _B_PER_W - _CHUNK), _CHUNK)]
        lanes = chunk % _LANES
        has_next = (c + 1) * _CHUNK < _B_PER_W
        for t in range(_CHUNK):
            pltpu.make_async_copy(
                tab_hbm.at[:, pl.ds(0, _LANES)], stage_v.at[t], sem
            ).wait()
            lane = jnp.full((16,), lanes[t], jnp.int32)
            col = jnp.full((16,), cb + t, jnp.int32)
            lo = plsc.load_gather(stage_v.at[t], [rows_lo, lane])
            hi = plsc.load_gather(stage_v.at[t], [rows_hi, lane])
            plsc.store_scatter(slab_v, [rows_lo, col], lo)
            plsc.store_scatter(slab_v, [rows_hi, col], hi)

            @pl.when(has_next)
            def _():
                _issue_fetch(tab_hbm, stage_v, sem, nxt[t], t)

        return carry

    lax.fori_loop(0, _NCHUNKS, body, 0)
    pltpu.sync_copy(slab_v, out_hbm.at[:, pl.ds(base, _B_PER_W)])


def kernel(num_group, table):
    mesh = plsc.VectorSubcoreMesh(core_axis_name="c", subcore_axis_name="s")
    run = functools.partial(
        pl.kernel,
        mesh=mesh,
        out_type=jax.ShapeDtypeStruct((EMBED_DIM, BATCH), jnp.float32),
        scratch_types=[
            pltpu.VMEM((_B_PER_W,), jnp.int32),
            pltpu.VMEM((_CHUNK, EMBED_DIM, _LANES), jnp.float32),
            pltpu.VMEM((EMBED_DIM, _B_PER_W), jnp.float32),
            pltpu.SemaphoreType.DMA,
        ],
        compiler_params=pltpu.CompilerParams(needs_layout_passes=False),
    )(_sc_gather)
    out_t = run(num_group.astype(jnp.int32), table.T)
    return out_t.T

# --- scband reference (transcript-rebuilt; emitter-appended) ---
"""Pipeline reference for scband-group-embedding-layer-20091857010798 (READ-ONLY COPY).

The authoritative reference and input builder live on the scoring server;
editing this copy changes nothing except your own understanding.
"""

import jax, jax.numpy as jnp
import numpy as np

NUM_GROUP = 1000000
EMBED_DIM = 32
BATCH = 16384

def setup_inputs(seed: int = 0) -> dict:
    key = jax.random.key(seed)
    k_idx, k_tab = jax.random.split(key)
    num_group = jax.random.randint(k_idx, (BATCH,), 0, NUM_GROUP, dtype=jnp.int64 if jax.config.jax_enable_x64 else jnp.int32)
    table = jax.random.normal(k_tab, (NUM_GROUP, EMBED_DIM), dtype=jnp.float32)
    return {"num_group": num_group, "table": table}

def reference(num_group, table):
    # nn.Embedding lookup: table[num_group]
    group_embeds = jnp.take(table, num_group, axis=0)
    return group_embeds

if __name__ == "__main__":
    import jax
    _d = setup_inputs()
    print(jax.jit(kernel)(*tuple(_d.values())))

</pallas_src>

<mosaic_0001>
#map = affine_map<(d0, d1) -> (0)>
#map1 = affine_map<(d0, d1) -> (0, 0)>
module attributes {stable_mosaic.version = 14 : i64} {
  func.func @_sc_gather(%arg0: i32, %arg1: i32, %arg2: memref<16384xi32, #tpu.memory_space<hbm>>, %arg3: memref<32x1000000xf32, #tpu.memory_space<hbm>>, %arg4: memref<32x16384xf32, #tpu.memory_space<hbm>>, %arg5: memref<512xi32, #tpu.memory_space<vmem>>, %arg6: memref<16x32x128xf32, #tpu.memory_space<vmem>>, %arg7: memref<32x512xf32, #tpu.memory_space<vmem>>, %arg8: memref<!tpu.dma_semaphore, #tpu.memory_space<semaphore_mem>>) attributes {dimension_semantics = [#tpu.dimension_semantics<core_parallel>, #tpu.dimension_semantics<subcore_parallel>], iteration_bounds = array<i64: 2, 16>, scalar_prefetch = 0 : i64, scratch_operands = 4 : i64, tpu.core_type = #tpu.core_type<sc_vector_subcore>, window_params = [{transform_indices = #map}, {transform_indices = #map1}, {transform_indices = #map1}]} {
    %mul3A = arith.constant 2 : i32
    %mul3A_0 = arith.muli %arg1, %mul3A : i32
    %add3A = arith.addi %mul3A_0, %arg0 : i32
    %mul3A_1 = arith.constant 512 : i32
    %mul3A_2 = arith.muli %add3A, %mul3A_1 : i32
    "tpu.region"() ({
      %run_scoped3A = tpu.sem_alloc : memref<!tpu.dma_semaphore, #tpu.memory_space<semaphore_mem>>
      %dma_start3A_672 = tpu.memref_slice %arg2[%mul3A_2] : memref<16384xi32, #tpu.memory_space<hbm>> -> memref<512xi32, #tpu.memory_space<hbm>>
      %dma_start3A_673 = tpu.memref_slice %arg2[%mul3A_2] : memref<16384xi32, #tpu.memory_space<hbm>> -> memref<512xi32, #tpu.memory_space<hbm>>
      tpu.enqueue_dma source(%dma_start3A_673 : memref<512xi32, #tpu.memory_space<hbm>>) target(%arg5 : memref<512xi32, #tpu.memory_space<vmem>>) target_semaphore(%run_scoped3A : memref<!tpu.dma_semaphore, #tpu.memory_space<semaphore_mem>>)
      %dma_wait3A = tpu.memref_slice %arg2[%mul3A_2] : memref<16384xi32, #tpu.memory_space<hbm>> -> memref<512xi32, #tpu.memory_space<hbm>>
      %dma_wait3A_674 = tpu.memref_slice %arg2[%mul3A_2] : memref<16384xi32, #tpu.memory_space<hbm>> -> memref<512xi32, #tpu.memory_space<hbm>>
      tpu.wait_dma2 semaphore(%run_scoped3A : memref<!tpu.dma_semaphore, #tpu.memory_space<semaphore_mem>>) src(%dma_wait3A_674 : memref<512xi32, #tpu.memory_space<hbm>>) dst(%arg5 : memref<512xi32, #tpu.memory_space<vmem>>)
      tpu.yield
    }) : () -> ()
    %iota3A = tpu.iota {dimensions = array<i32: 0>} : vector<16xi32>
    %add3A_3 = arith.constant 16 : i32
    %add3A_4 = vector.broadcast %add3A_3 : i32 to vector<16xi32>
    %add3A_5 = arith.addi %iota3A, %add3A_4 : vector<16xi32>
    %get3A = arith.constant 0 : index
    %get3A_6 = tpu.vector_load %arg5[%get3A] {strides = array<i32>} : memref<512xi32, #tpu.memory_space<vmem>>, vector<16xi32>,
    %slice3A = vector.extract_strided_slice %get3A_6 {offsets = [0], sizes = [1], strides = [1]} : vector<16xi32> to vector<1xi32>
    %squeeze3A = vector.extract %slice3A[0] : i32 from vector<1xi32>
    %jit3A = arith.constant 128 : i32
    %div3A = arith.divsi %squeeze3A, %jit3A : i32
    %sign3A = arith.constant 0 : i32
    %sign3A_7 = arith.cmpi sgt, %squeeze3A, %sign3A : i32
    %sign3A_8 = arith.extui %sign3A_7 : i1 to i32
    %sign3A_9 = arith.constant 0 : i32
    %sign3A_10 = arith.cmpi slt, %squeeze3A, %sign3A_9 : i32
    %sign3A_11 = arith.extui %sign3A_10 : i1 to i32
    %sign3A_12 = arith.subi %sign3A_8, %sign3A_11 : i32
    %sign3A_13 = arith.constant 0 : i32
    %sign3A_14 = arith.cmpi sgt, %jit3A, %sign3A_13 : i32
    %sign3A_15 = arith.extui %sign3A_14 : i1 to i32
    %sign3A_16 = arith.constant 0 : i32
    %sign3A_17 = arith.cmpi slt, %jit3A, %sign3A_16 : i32
    %sign3A_18 = arith.extui %sign3A_17 : i1 to i32
    %sign3A_19 = arith.subi %sign3A_15, %sign3A_18 : i32
    %ne3A = arith.cmpi ne, %sign3A_12, %sign3A_19 : i32
    %rem3A = arith.remsi %squeeze3A, %jit3A : i32
    %ne3A_20 = arith.constant 0 : i32
    %ne3A_21 = arith.cmpi ne, %rem3A, %ne3A_20 : i32
    %and3A = arith.andi %ne3A, %ne3A_21 : i1
    %sub3A = arith.constant 1 : i32
    %sub3A_22 = arith.subi %div3A, %sub3A : i32
    %select_n3A = arith.select %and3A, %sub3A_22, %div3A : i32
    %mul3A_23 = arith.constant 128 : i32
    %mul3A_24 = arith.muli %select_n3A, %mul3A_23 : i32
    %multiple_of3A = tpu.assume_multiple %mul3A_24, 128 : i32
    %dma_start3A = arith.constant 0 : i32
    %dma_start3A_25 = arith.constant 0 : i32
    %dma_start3A_26 = arith.constant 0 : i32
    %dma_start3A_27 = tpu.memref_slice %arg6[%dma_start3A, %dma_start3A_25, %dma_start3A_26] : memref<16x32x128xf32, #tpu.memory_space<vmem>> -> memref<1x32x128xf32, #tpu.memory_space<vmem>>
    %dma_start3A_28 = tpu.memref_squeeze %dma_start3A_27 : memref<1x32x128xf32, #tpu.memory_space<vmem>> -> memref<32x128xf32, #tpu.memory_space<vmem>>
    %dma_start3A_29 = arith.constant 0 : i32
    %dma_start3A_30 = tpu.memref_slice %arg3[%dma_start3A_29, %multiple_of3A] : memref<32x1000000xf32, #tpu.memory_space<hbm>> -> memref<32x128xf32, #tpu.memory_space<hbm>>
    %dma_start3A_31 = arith.constant 0 : i32
    %dma_start3A_32 = arith.constant 0 : i32
    %dma_start3A_33 = tpu.memref_slice %arg6[%dma_start3A, %dma_start3A_31, %dma_start3A_32] : memref<16x32x128xf32, #tpu.memory_space<vmem>> -> memref<1x32x128xf32, #tpu.memory_space<vmem>>
    %dma_start3A_34 = tpu.memref_squeeze %dma_start3A_33 : memref<1x32x128xf32, #tpu.memory_space<vmem>> -> memref<32x128xf32, #tpu.memory_space<vmem>>
    %dma_start3A_35 = arith.constant 0 : i32
    %dma_start3A_36 = tpu.memref_slice %arg3[%dma_start3A_35, %multiple_of3A] : memref<32x1000000xf32, #tpu.memory_space<hbm>> -> memref<32x128xf32, #tpu.memory_space<hbm>>
    tpu.enqueue_dma source(%dma_start3A_36 : memref<32x128xf32, #tpu.memory_space<hbm>>) target(%dma_start3A_34 : memref<32x128xf32, #tpu.memory_space<vmem>>) target_semaphore(%arg8 : memref<!tpu.dma_semaphore, #tpu.memory_space<semaphore_mem>>)
    %slice3A_37 = vector.extract_strided_slice %get3A_6 {offsets = [1], sizes = [1], strides = [1]} : vector<16xi32> to vector<1xi32>
    %squeeze3A_38 = vector.extract %slice3A_37[0] : i32 from vector<1xi32>
    %jit3A_39 = arith.constant 128 : i32
    %div3A_40 = arith.divsi %squeeze3A_38, %jit3A_39 : i32
    %sign3A_41 = arith.constant 0 : i32
    %sign3A_42 = arith.cmpi sgt, %squeeze3A_38, %sign3A_41 : i32
    %sign3A_43 = arith.extui %sign3A_42 : i1 to i32
    %sign3A_44 = arith.constant 0 : i32
    %sign3A_45 = arith.cmpi slt, %squeeze3A_38, %sign3A_44 : i32
    %sign3A_46 = arith.extui %sign3A_45 : i1 to i32
    %sign3A_47 = arith.subi %sign3A_43, %sign3A_46 : i32
    %sign3A_48 = arith.constant 0 : i32
    %sign3A_49 = arith.cmpi sgt, %jit3A_39, %sign3A_48 : i32
    %sign3A_50 = arith.extui %sign3A_49 : i1 to i32
    %sign3A_51 = arith.constant 0 : i32
    %sign3A_52 = arith.cmpi slt, %jit3A_39, %sign3A_51 : i32
    %sign3A_53 = arith.extui %sign3A_52 : i1 to i32
    %sign3A_54 = arith.subi %sign3A_50, %sign3A_53 : i32
    %ne3A_55 = arith.cmpi ne, %sign3A_47, %sign3A_54 : i32
    %rem3A_56 = arith.remsi %squeeze3A_38, %jit3A_39 : i32
    %ne3A_57 = arith.constant 0 : i32
    %ne3A_58 = arith.cmpi ne, %rem3A_56, %ne3A_57 : i32
    %and3A_59 = arith.andi %ne3A_55, %ne3A_58 : i1
    %sub3A_60 = arith.constant 1 : i32
    %sub3A_61 = arith.subi %div3A_40, %sub3A_60 : i32
    %select_n3A_62 = arith.select %and3A_59, %sub3A_61, %div3A_40 : i32
    %mul3A_63 = arith.constant 128 : i32
    %mul3A_64 = arith.muli %select_n3A_62, %mul3A_63 : i32
    %multiple_of3A_65 = tpu.assume_multiple %mul3A_64, 128 : i32
    %dma_start3A_66 = arith.constant 1 : i32
    %dma_start3A_67 = arith.constant 0 : i32
    %dma_start3A_68 = arith.constant 0 : i32
    %dma_start3A_69 = tpu.memref_slice %arg6[%dma_start3A_66, %dma_start3A_67, %dma_start3A_68] : memref<16x32x128xf32, #tpu.memory_space<vmem>> -> memref<1x32x128xf32, #tpu.memory_space<vmem>>
    %dma_start3A_70 = tpu.memref_squeeze %dma_start3A_69 : memref<1x32x128xf32, #tpu.memory_space<vmem>> -> memref<32x128xf32, #tpu.memory_space<vmem>>
    %dma_start3A_71 = arith.constant 0 : i32
    %dma_start3A_72 = tpu.memref_slice %arg3[%dma_start3A_71, %multiple_of3A_65] : memref<32x1000000xf32, #tpu.memory_space<hbm>> -> memref<32x128xf32, #tpu.memory_space<hbm>>
    %dma_start3A_73 = arith.constant 0 : i32
    %dma_start3A_74 = arith.constant 0 : i32
    %dma_start3A_75 = tpu.memref_slice %arg6[%dma_start3A_66, %dma_start3A_73, %dma_start3A_74] : memref<16x32x128xf32, #tpu.memory_space<vmem>> -> memref<1x32x128xf32, #tpu.memory_space<vmem>>
    %dma_start3A_76 = tpu.memref_squeeze %dma_start3A_75 : memref<1x32x128xf32, #tpu.memory_space<vmem>> -> memref<32x128xf32, #tpu.memory_space<vmem>>
    %dma_start3A_77 = arith.constant 0 : i32
    %dma_start3A_78 = tpu.memref_slice %arg3[%dma_start3A_77, %multiple_of3A_65] : memref<32x1000000xf32, #tpu.memory_space<hbm>> -> memref<32x128xf32, #tpu.memory_space<hbm>>
    tpu.enqueue_dma source(%dma_start3A_78 : memref<32x128xf32, #tpu.memory_space<hbm>>) target(%dma_start3A_76 : memref<32x128xf32, #tpu.memory_space<vmem>>) target_semaphore(%arg8 : memref<!tpu.dma_semaphore, #tpu.memory_space<semaphore_mem>>)
    %slice3A_79 = vector.extract_strided_slice %get3A_6 {offsets = [2], sizes = [1], strides = [1]} : vector<16xi32> to vector<1xi32>
    %squeeze3A_80 = vector.extract %slice3A_79[0] : i32 from vector<1xi32>
    %jit3A_81 = arith.constant 128 : i32
    %div3A_82 = arith.divsi %squeeze3A_80, %jit3A_81 : i32
    %sign3A_83 = arith.constant 0 : i32
    %sign3A_84 = arith.cmpi sgt, %squeeze3A_80, %sign3A_83 : i32
    %sign3A_85 = arith.extui %sign3A_84 : i1 to i32
    %sign3A_86 = arith.constant 0 : i32
    %sign3A_87 = arith.cmpi slt, %squeeze3A_80, %sign3A_86 : i32
    %sign3A_88 = arith.extui %sign3A_87 : i1 to i32
    %sign3A_89 = arith.subi %sign3A_85, %sign3A_88 : i32
    %sign3A_90 = arith.constant 0 : i32
    %sign3A_91 = arith.cmpi sgt, %jit3A_81, %sign3A_90 : i32
    %sign3A_92 = arith.extui %sign3A_91 : i1 to i32
    %sign3A_93 = arith.constant 0 : i32
    %sign3A_94 = arith.cmpi slt, %jit3A_81, %sign3A_93 : i32
    %sign3A_95 = arith.extui %sign3A_94 : i1 to i32
    %sign3A_96 = arith.subi %sign3A_92, %sign3A_95 : i32
    %ne3A_97 = arith.cmpi ne, %sign3A_89, %sign3A_96 : i32
    %rem3A_98 = arith.remsi %squeeze3A_80, %jit3A_81 : i32
    %ne3A_99 = arith.constant 0 : i32
    %ne3A_100 = arith.cmpi ne, %rem3A_98, %ne3A_99 : i32
    %and3A_101 = arith.andi %ne3A_97, %ne3A_100 : i1
    %sub3A_102 = arith.constant 1 : i32
    %sub3A_103 = arith.subi %div3A_82, %sub3A_102 : i32
    %select_n3A_104 = arith.select %and3A_101, %sub3A_103, %div3A_82 : i32
    %mul3A_105 = arith.constant 128 : i32
    %mul3A_106 = arith.muli %select_n3A_104, %mul3A_105 : i32
    %multiple_of3A_107 = tpu.assume_multiple %mul3A_106, 128 : i32
    %dma_start3A_108 = arith.constant 2 : i32
    %dma_start3A_109 = arith.constant 0 : i32
    %dma_start3A_110 = arith.constant 0 : i32
    %dma_start3A_111 = tpu.memref_slice %arg6[%dma_start3A_108, %dma_start3A_109, %dma_start3A_110] : memref<16x32x128xf32, #tpu.memory_space<vmem>> -> memref<1x32x128xf32, #tpu.memory_space<vmem>>
    %dma_start3A_112 = tpu.memref_squeeze %dma_start3A_111 : memref<1x32x128xf32, #tpu.memory_space<vmem>> -> memref<32x128xf32, #tpu.memory_space<vmem>>
    %dma_start3A_113 = arith.constant 0 : i32
    %dma_start3A_114 = tpu.memref_slice %arg3[%dma_start3A_113, %multiple_of3A_107] : memref<32x1000000xf32, #tpu.memory_space<hbm>> -> memref<32x128xf32, #tpu.memory_space<hbm>>
    %dma_start3A_115 = arith.constant 0 : i32
    %dma_start3A_116 = arith.constant 0 : i32
    %dma_start3A_117 = tpu.memref_slice %arg6[%dma_start3A_108, %dma_start3A_115, %dma_start3A_116] : memref<16x32x128xf32, #tpu.memory_space<vmem>> -> memref<1x32x128xf32, #tpu.memory_space<vmem>>
    %dma_start3A_118 = tpu.memref_squeeze %dma_start3A_117 : memref<1x32x128xf32, #tpu.memory_space<vmem>> -> memref<32x128xf32, #tpu.memory_space<vmem>>
    %dma_start3A_119 = arith.constant 0 : i32
    %dma_start3A_120 = tpu.memref_slice %arg3[%dma_start3A_119, %multiple_of3A_107] : memref<32x1000000xf32, #tpu.memory_space<hbm>> -> memref<32x128xf32, #tpu.memory_space<hbm>>
    tpu.enqueue_dma source(%dma_start3A_120 : memref<32x128xf32, #tpu.memory_space<hbm>>) target(%dma_start3A_118 : memref<32x128xf32, #tpu.memory_space<vmem>>) target_semaphore(%arg8 : memref<!tpu.dma_semaphore, #tpu.memory_space<semaphore_mem>>)
    %slice3A_121 = vector.extract_strided_slice %get3A_6 {offsets = [3], sizes = [1], strides = [1]} : vector<16xi32> to vector<1xi32>
    %squeeze3A_122 = vector.extract %slice3A_121[0] : i32 from vector<1xi32>
    %jit3A_123 = arith.constant 128 : i32
    %div3A_124 = arith.divsi %squeeze3A_122, %jit3A_123 : i32
    %sign3A_125 = arith.constant 0 : i32
    %sign3A_126 = arith.cmpi sgt, %squeeze3A_122, %sign3A_125 : i32
    %sign3A_127 = arith.extui %sign3A_126 : i1 to i32
    %sign3A_128 = arith.constant 0 : i32
    %sign3A_129 = arith.cmpi slt, %squeeze3A_122, %sign3A_128 : i32
    %sign3A_130 = arith.extui %sign3A_129 : i1 to i32
    %sign3A_131 = arith.subi %sign3A_127, %sign3A_130 : i32
    %sign3A_132 = arith.constant 0 : i32
    %sign3A_133 = arith.cmpi sgt, %jit3A_123, %sign3A_132 : i32
    %sign3A_134 = arith.extui %sign3A_133 : i1 to i32
    %sign3A_135 = arith.constant 0 : i32
    %sign3A_136 = arith.cmpi slt, %jit3A_123, %sign3A_135 : i32
    %sign3A_137 = arith.extui %sign3A_136 : i1 to i32
    %sign3A_138 = arith.subi %sign3A_134, %sign3A_137 : i32
    %ne3A_139 = arith.cmpi ne, %sign3A_131, %sign3A_138 : i32
    %rem3A_140 = arith.remsi %squeeze3A_122, %jit3A_123 : i32
    %ne3A_141 = arith.constant 0 : i32
    %ne3A_142 = arith.cmpi ne, %rem3A_140, %ne3A_141 : i32
    %and3A_143 = arith.andi %ne3A_139, %ne3A_142 : i1
    %sub3A_144 = arith.constant 1 : i32
    %sub3A_145 = arith.subi %div3A_124, %sub3A_144 : i32
    %select_n3A_146 = arith.select %and3A_143, %sub3A_145, %div3A_124 : i32
    %mul3A_147 = arith.constant 128 : i32
    %mul3A_148 = arith.muli %select_n3A_146, %mul3A_147 : i32
    %multiple_of3A_149 = tpu.assume_multiple %mul3A_148, 128 : i32
    %dma_start3A_150 = arith.constant 3 : i32
    %dma_start3A_151 = arith.constant 0 : i32
    %dma_start3A_152 = arith.constant 0 : i32
    %dma_start3A_153 = tpu.memref_slice %arg6[%dma_start3A_150, %dma_start3A_151, %dma_start3A_152] : memref<16x32x128xf32, #tpu.memory_space<vmem>> -> memref<1x32x128xf32, #tpu.memory_space<vmem>>
    %dma_start3A_154 = tpu.memref_squeeze %dma_start3A_153 : memref<1x32x128xf32, #tpu.memory_space<vmem>> -> memref<32x128xf32, #tpu.memory_space<vmem>>
    %dma_start3A_155 = arith.constant 0 : i32
    %dma_start3A_156 = tpu.memref_slice %arg3[%dma_start3A_155, %multiple_of3A_149] : memref<32x1000000xf32, #tpu.memory_space<hbm>> -> memref<32x128xf32, #tpu.memory_space<hbm>>
    %dma_start3A_157 = arith.constant 0 : i32
    %dma_start3A_158 = arith.constant 0 : i32
    %dma_start3A_159 = tpu.memref_slice %arg6[%dma_start3A_150, %dma_start3A_157, %dma_start3A_158] : memref<16x32x128xf32, #tpu.memory_space<vmem>> -> memref<1x32x128xf32, #tpu.memory_space<vmem>>
    %dma_start3A_160 = tpu.memref_squeeze %dma_start3A_159 : memref<1x32x128xf32, #tpu.memory_space<vmem>> -> memref<32x128xf32, #tpu.memory_space<vmem>>
    %dma_start3A_161 = arith.constant 0 : i32
    %dma_start3A_162 = tpu.memref_slice %arg3[%dma_start3A_161, %multiple_of3A_149] : memref<32x1000000xf32, #tpu.memory_space<hbm>> -> memref<32x128xf32, #tpu.memory_space<hbm>>
    tpu.enqueue_dma source(%dma_start3A_162 : memref<32x128xf32, #tpu.memory_space<hbm>>) target(%dma_start3A_160 : memref<32x128xf32, #tpu.memory_space<vmem>>) target_semaphore(%arg8 : memref<!tpu.dma_semaphore, #tpu.memory_space<semaphore_mem>>)
    %slice3A_163 = vector.extract_strided_slice %get3A_6 {offsets = [4], sizes = [1], strides = [1]} : vector<16xi32> to vector<1xi32>
    %squeeze3A_164 = vector.extract %slice3A_163[0] : i32 from vector<1xi32>
    %jit3A_165 = arith.constant 128 : i32
    %div3A_166 = arith.divsi %squeeze3A_164, %jit3A_165 : i32
    %sign3A_167 = arith.constant 0 : i32
    %sign3A_168 = arith.cmpi sgt, %squeeze3A_164, %sign3A_167 : i32
    %sign3A_169 = arith.extui %sign3A_168 : i1 to i32
    %sign3A_170 = arith.constant 0 : i32
    %sign3A_171 = arith.cmpi slt, %squeeze3A_164, %sign3A_170 : i32
    %sign3A_172 = arith.extui %sign3A_171 : i1 to i32
    %sign3A_173 = arith.subi %sign3A_169, %sign3A_172 : i32
    %sign3A_174 = arith.constant 0 : i32
    %sign3A_175 = arith.cmpi sgt, %jit3A_165, %sign3A_174 : i32
    %sign3A_176 = arith.extui %sign3A_175 : i1 to i32
    %sign3A_177 = arith.constant 0 : i32
    %sign3A_178 = arith.cmpi slt, %jit3A_165, %sign3A_177 : i32
    %sign3A_179 = arith.extui %sign3A_178 : i1 to i32
    %sign3A_180 = arith.subi %sign3A_176, %sign3A_179 : i32
    %ne3A_181 = arith.cmpi ne, %sign3A_173, %sign3A_180 : i32
    %rem3A_182 = arith.remsi %squeeze3A_164, %jit3A_165 : i32
    %ne3A_183 = arith.constant 0 : i32
    %ne3A_184 = arith.cmpi ne, %rem3A_182, %ne3A_183 : i32
    %and3A_185 = arith.andi %ne3A_181, %ne3A_184 : i1
    %sub3A_186 = arith.constant 1 : i32
    %sub3A_187 = arith.subi %div3A_166, %sub3A_186 : i32
    %select_n3A_188 = arith.select %and3A_185, %sub3A_187, %div3A_166 : i32
    %mul3A_189 = arith.constant 128 : i32
    %mul3A_190 = arith.muli %select_n3A_188, %mul3A_189 : i32
    %multiple_of3A_191 = tpu.assume_multiple %mul3A_190, 128 : i32
    %dma_start3A_192 = arith.constant 4 : i32
    %dma_start3A_193 = arith.constant 0 : i32
    %dma_start3A_194 = arith.constant 0 : i32
    %dma_start3A_195 = tpu.memref_slice %arg6[%dma_start3A_192, %dma_start3A_193, %dma_start3A_194] : memref<16x32x128xf32, #tpu.memory_space<vmem>> -> memref<1x32x128xf32, #tpu.memory_space<vmem>>
    %dma_start3A_196 = tpu.memref_squeeze %dma_start3A_195 : memref<1x32x128xf32, #tpu.memory_space<vmem>> -> memref<32x128xf32, #tpu.memory_space<vmem>>
    %dma_start3A_197 = arith.constant 0 : i32
    %dma_start3A_198 = tpu.memref_slice %arg3[%dma_start3A_197, %multiple_of3A_191] : memref<32x1000000xf32, #tpu.memory_space<hbm>> -> memref<32x128xf32, #tpu.memory_space<hbm>>
    %dma_start3A_199 = arith.constant 0 : i32
    %dma_start3A_200 = arith.constant 0 : i32
    %dma_start3A_201 = tpu.memref_slice %arg6[%dma_start3A_192, %dma_start3A_199, %dma_start3A_200] : memref<16x32x128xf32, #tpu.memory_space<vmem>> -> memref<1x32x128xf32, #tpu.memory_space<vmem>>
    %dma_start3A_202 = tpu.memref_squeeze %dma_start3A_201 : memref<1x32x128xf32, #tpu.memory_space<vmem>> -> memref<32x128xf32, #tpu.memory_space<vmem>>
    %dma_start3A_203 = arith.constant 0 : i32
    %dma_start3A_204 = tpu.memref_slice %arg3[%dma_start3A_203, %multiple_of3A_191] : memref<32x1000000xf32, #tpu.memory_space<hbm>> -> memref<32x128xf32, #tpu.memory_space<hbm>>
    tpu.enqueue_dma source(%dma_start3A_204 : memref<32x128xf32, #tpu.memory_space<hbm>>) target(%dma_start3A_202 : memref<32x128xf32, #tpu.memory_space<vmem>>) target_semaphore(%arg8 : memref<!tpu.dma_semaphore, #tpu.memory_space<semaphore_mem>>)
    %slice3A_205 = vector.extract_strided_slice %get3A_6 {offsets = [5], sizes = [1], strides = [1]} : vector<16xi32> to vector<1xi32>
    %squeeze3A_206 = vector.extract %slice3A_205[0] : i32 from vector<1xi32>
    %jit3A_207 = arith.constant 128 : i32
    %div3A_208 = arith.divsi %squeeze3A_206, %jit3A_207 : i32
    %sign3A_209 = arith.constant 0 : i32
    %sign3A_210 = arith.cmpi sgt, %squeeze3A_206, %sign3A_209 : i32
    %sign3A_211 = arith.extui %sign3A_210 : i1 to i32
    %sign3A_212 = arith.constant 0 : i32
    %sign3A_213 = arith.cmpi slt, %squeeze3A_206, %sign3A_212 : i32
    %sign3A_214 = arith.extui %sign3A_213 : i1 to i32
    %sign3A_215 = arith.subi %sign3A_211, %sign3A_214 : i32
    %sign3A_216 = arith.constant 0 : i32
    %sign3A_217 = arith.cmpi sgt, %jit3A_207, %sign3A_216 : i32
    %sign3A_218 = arith.extui %sign3A_217 : i1 to i32
    %sign3A_219 = arith.constant 0 : i32
    %sign3A_220 = arith.cmpi slt, %jit3A_207, %sign3A_219 : i32
    %sign3A_221 = arith.extui %sign3A_220 : i1 to i32
    %sign3A_222 = arith.subi %sign3A_218, %sign3A_221 : i32
    %ne3A_223 = arith.cmpi ne, %sign3A_215, %sign3A_222 : i32
    %rem3A_224 = arith.remsi %squeeze3A_206, %jit3A_207 : i32
    %ne3A_225 = arith.constant 0 : i32
    %ne3A_226 = arith.cmpi ne, %rem3A_224, %ne3A_225 : i32
    %and3A_227 = arith.andi %ne3A_223, %ne3A_226 : i1
    %sub3A_228 = arith.constant 1 : i32
    %sub3A_229 = arith.subi %div3A_208, %sub3A_228 : i32
    %select_n3A_230 = arith.select %and3A_227, %sub3A_229, %div3A_208 : i32
    %mul3A_231 = arith.constant 128 : i32
    %mul3A_232 = arith.muli %select_n3A_230, %mul3A_231 : i32
    %multiple_of3A_233 = tpu.assume_multiple %mul3A_232, 128 : i32
    %dma_start3A_234 = arith.constant 5 : i32
    %dma_start3A_235 = arith.constant 0 : i32
    %dma_start3A_236 = arith.constant 0 : i32
    %dma_start3A_237 = tpu.memref_slice %arg6[%dma_start3A_234, %dma_start3A_235, %dma_start3A_236] : memref<16x32x128xf32, #tpu.memory_space<vmem>> -> memref<1x32x128xf32, #tpu.memory_space<vmem>>
    %dma_start3A_238 = tpu.memref_squeeze %dma_start3A_237 : memref<1x32x128xf32, #tpu.memory_space<vmem>> -> memref<32x128xf32, #tpu.memory_space<vmem>>
    %dma_start3A_239 = arith.constant 0 : i32
    %dma_start3A_240 = tpu.memref_slice %arg3[%dma_start3A_239, %multiple_of3A_233] : memref<32x1000000xf32, #tpu.memory_space<hbm>> -> memref<32x128xf32, #tpu.memory_space<hbm>>
    %dma_start3A_241 = arith.constant 0 : i32
    %dma_start3A_242 = arith.constant 0 : i32
    %dma_start3A_243 = tpu.memref_slice %arg6[%dma_start3A_234, %dma_start3A_241, %dma_start3A_242] : memref<16x32x128xf32, #tpu.memory_space<vmem>> -> memref<1x32x128xf32, #tpu.memory_space<vmem>>
    %dma_start3A_244 = tpu.memref_squeeze %dma_start3A_243 : memref<1x32x128xf32, #tpu.memory_space<vmem>> -> memref<32x128xf32, #tpu.memory_space<vmem>>
    %dma_start3A_245 = arith.constant 0 : i32
    %dma_start3A_246 = tpu.memref_slice %arg3[%dma_start3A_245, %multiple_of3A_233] : memref<32x1000000xf32, #tpu.memory_space<hbm>> -> memref<32x128xf32, #tpu.memory_space<hbm>>
    tpu.enqueue_dma source(%dma_start3A_246 : memref<32x128xf32, #tpu.memory_space<hbm>>) target(%dma_start3A_244 : memref<32x128xf32, #tpu.memory_space<vmem>>) target_semaphore(%arg8 : memref<!tpu.dma_semaphore, #tpu.memory_space<semaphore_mem>>)
    %slice3A_247 = vector.extract_strided_slice %get3A_6 {offsets = [6], sizes = [1], strides = [1]} : vector<16xi32> to vector<1xi32>
    %squeeze3A_248 = vector.extract %slice3A_247[0] : i32 from vector<1xi32>
    %jit3A_249 = arith.constant 128 : i32
    %div3A_250 = arith.divsi %squeeze3A_248, %jit3A_249 : i32
    %sign3A_251 = arith.constant 0 : i32
    %sign3A_252 = arith.cmpi sgt, %squeeze3A_248, %sign3A_251 : i32
    %sign3A_253 = arith.extui %sign3A_252 : i1 to i32
    %sign3A_254 = arith.constant 0 : i32
    %sign3A_255 = arith.cmpi slt, %squeeze3A_248, %sign3A_254 : i32
    %sign3A_256 = arith.extui %sign3A_255 : i1 to i32
    %sign3A_257 = arith.subi %sign3A_253, %sign3A_256 : i32
    %sign3A_258 = arith.constant 0 : i32
    %sign3A_259 = arith.cmpi sgt, %jit3A_249, %sign3A_258 : i32
    %sign3A_260 = arith.extui %sign3A_259 : i1 to i32
    %sign3A_261 = arith.constant 0 : i32
    %sign3A_262 = arith.cmpi slt, %jit3A_249, %sign3A_261 : i32
    %sign3A_263 = arith.extui %sign3A_262 : i1 to i32
    %sign3A_264 = arith.subi %sign3A_260, %sign3A_263 : i32
    %ne3A_265 = arith.cmpi ne, %sign3A_257, %sign3A_264 : i32
    %rem3A_266 = arith.remsi %squeeze3A_248, %jit3A_249 : i32
    %ne3A_267 = arith.constant 0 : i32
    %ne3A_268 = arith.cmpi ne, %rem3A_266, %ne3A_267 : i32
    %and3A_269 = arith.andi %ne3A_265, %ne3A_268 : i1
    %sub3A_270 = arith.constant 1 : i32
    %sub3A_271 = arith.subi %div3A_250, %sub3A_270 : i32
    %select_n3A_272 = arith.select %and3A_269, %sub3A_271, %div3A_250 : i32
    %mul3A_273 = arith.constant 128 : i32
    %mul3A_274 = arith.muli %select_n3A_272, %mul3A_273 : i32
    %multiple_of3A_275 = tpu.assume_multiple %mul3A_274, 128 : i32
    %dma_start3A_276 = arith.constant 6 : i32
    %dma_start3A_277 = arith.constant 0 : i32
    %dma_start3A_278 = arith.constant 0 : i32
    %dma_start3A_279 = tpu.memref_slice %arg6[%dma_start3A_276, %dma_start3A_277, %dma_start3A_278] : memref<16x32x128xf32, #tpu.memory_space<vmem>> -> memref<1x32x128xf32, #tpu.memory_space<vmem>>
    %dma_start3A_280 = tpu.memref_squeeze %dma_start3A_279 : memref<1x32x128xf32, #tpu.memory_space<vmem>> -> memref<32x128xf32, #tpu.memory_space<vmem>>
    %dma_start3A_281 = arith.constant 0 : i32
    %dma_start3A_282 = tpu.memref_slice %arg3[%dma_start3A_281, %multiple_of3A_275] : memref<32x1000000xf32, #tpu.memory_space<hbm>> -> memref<32x128xf32, #tpu.memory_space<hbm>>
    %dma_start3A_283 = arith.constant 0 : i32
    %dma_start3A_284 = arith.constant 0 : i32
    %dma_start3A_285 = tpu.memref_slice %arg6[%dma_start3A_276, %dma_start3A_283, %dma_start3A_284] : memref<16x32x128xf32, #tpu.memory_space<vmem>> -> memref<1x32x128xf32, #tpu.memory_space<vmem>>
    %dma_start3A_286 = tpu.memref_squeeze %dma_start3A_285 : memref<1x32x128xf32, #tpu.memory_space<vmem>> -> memref<32x128xf32, #tpu.memory_space<vmem>>
    %dma_start3A_287 = arith.constant 0 : i32
    %dma_start3A_288 = tpu.memref_slice %arg3[%dma_start3A_287, %multiple_of3A_275] : memref<32x1000000xf32, #tpu.memory_space<hbm>> -> memref<32x128xf32, #tpu.memory_space<hbm>>
    tpu.enqueue_dma source(%dma_start3A_288 : memref<32x128xf32, #tpu.memory_space<hbm>>) target(%dma_start3A_286 : memref<32x128xf32, #tpu.memory_space<vmem>>) target_semaphore(%arg8 : memref<!tpu.dma_semaphore, #tpu.memory_space<semaphore_mem>>)
    %slice3A_289 = vector.extract_strided_slice %get3A_6 {offsets = [7], sizes = [1], strides = [1]} : vector<16xi32> to vector<1xi32>
    %squeeze3A_290 = vector.extract %slice3A_289[0] : i32 from vector<1xi32>
    %jit3A_291 = arith.constant 128 : i32
    %div3A_292 = arith.divsi %squeeze3A_290, %jit3A_291 : i32
    %sign3A_293 = arith.constant 0 : i32
    %sign3A_294 = arith.cmpi sgt, %squeeze3A_290, %sign3A_293 : i32
    %sign3A_295 = arith.extui %sign3A_294 : i1 to i32
    %sign3A_296 = arith.constant 0 : i32
    %sign3A_297 = arith.cmpi slt, %squeeze3A_290, %sign3A_296 : i32
    %sign3A_298 = arith.extui %sign3A_297 : i1 to i32
    %sign3A_299 = arith.subi %sign3A_295, %sign3A_298 : i32
    %sign3A_300 = arith.constant 0 : i32
    %sign3A_301 = arith.cmpi sgt, %jit3A_291, %sign3A_300 : i32
    %sign3A_302 = arith.extui %sign3A_301 : i1 to i32
    %sign3A_303 = arith.constant 0 : i32
    %sign3A_304 = arith.cmpi slt, %jit3A_291, %sign3A_303 : i32
    %sign3A_305 = arith.extui %sign3A_304 : i1 to i32
    %sign3A_306 = arith.subi %sign3A_302, %sign3A_305 : i32
    %ne3A_307 = arith.cmpi ne, %sign3A_299, %sign3A_306 : i32
    %rem3A_308 = arith.remsi %squeeze3A_290, %jit3A_291 : i32
    %ne3A_309 = arith.constant 0 : i32
    %ne3A_310 = arith.cmpi ne, %rem3A_308, %ne3A_309 : i32
    %and3A_311 = arith.andi %ne3A_307, %ne3A_310 : i1
    %sub3A_312 = arith.constant 1 : i32
    %sub3A_313 = arith.subi %div3A_292, %sub3A_312 : i32
    %select_n3A_314 = arith.select %and3A_311, %sub3A_313, %div3A_292 : i32
    %mul3A_315 = arith.constant 128 : i32
    %mul3A_316 = arith.muli %select_n3A_314, %mul3A_315 : i32
    %multiple_of3A_317 = tpu.assume_multiple %mul3A_316, 128 : i32
    %dma_start3A_318 = arith.constant 7 : i32
    %dma_start3A_319 = arith.constant 0 : i32
    %dma_start3A_320 = arith.constant 0 : i32
    %dma_start3A_321 = tpu.memref_slice %arg6[%dma_start3A_318, %dma_start3A_319, %dma_start3A_320] : memref<16x32x128xf32, #tpu.memory_space<vmem>> -> memref<1x32x128xf32, #tpu.memory_space<vmem>>
    %dma_start3A_322 = tpu.memref_squeeze %dma_start3A_321 : memref<1x32x128xf32, #tpu.memory_space<vmem>> -> memref<32x128xf32, #tpu.memory_space<vmem>>
    %dma_start3A_323 = arith.constant 0 : i32
    %dma_start3A_324 = tpu.memref_slice %arg3[%dma_start3A_323, %multiple_of3A_317] : memref<32x1000000xf32, #tpu.memory_space<hbm>> -> memref<32x128xf32, #tpu.memory_space<hbm>>
    %dma_start3A_325 = arith.constant 0 : i32
    %dma_start3A_326 = arith.constant 0 : i32
    %dma_start3A_327 = tpu.memref_slice %arg6[%dma_start3A_318, %dma_start3A_325, %dma_start3A_326] : memref<16x32x128xf32, #tpu.memory_space<vmem>> -> memref<1x32x128xf32, #tpu.memory_space<vmem>>
    %dma_start3A_328 = tpu.memref_squeeze %dma_start3A_327 : memref<1x32x128xf32, #tpu.memory_space<vmem>> -> memref<32x128xf32, #tpu.memory_space<vmem>>
    %dma_start3A_329 = arith.constant 0 : i32
    %dma_start3A_330 = tpu.memref_slice %arg3[%dma_start3A_329, %multiple_of3A_317] : memref<32x1000000xf32, #tpu.memory_space<hbm>> -> memref<32x128xf32, #tpu.memory_space<hbm>>
    tpu.enqueue_dma source(%dma_start3A_330 : memref<32x128xf32, #tpu.memory_space<hbm>>) target(%dma_start3A_328 : memref<32x128xf32, #tpu.memory_space<vmem>>) target_semaphore(%arg8 : memref<!tpu.dma_semaphore, #tpu.memory_space<semaphore_mem>>)
    %slice3A_331 = vector.extract_strided_slice %get3A_6 {offsets = [8], sizes = [1], strides = [1]} : vector<16xi32> to vector<1xi32>
    %squeeze3A_332 = vector.extract %slice3A_331[0] : i32 from vector<1xi32>
    %jit3A_333 = arith.constant 128 : i32
    %div3A_334 = arith.divsi %squeeze3A_332, %jit3A_333 : i32
    %sign3A_335 = arith.constant 0 : i32
    %sign3A_336 = arith.cmpi sgt, %squeeze3A_332, %sign3A_335 : i32
    %sign3A_337 = arith.extui %sign3A_336 : i1 to i32
    %sign3A_338 = arith.constant 0 : i32
    %sign3A_339 = arith.cmpi slt, %squeeze3A_332, %sign3A_338 : i32
    %sign3A_340 = arith.extui %sign3A_339 : i1 to i32
    %sign3A_341 = arith.subi %sign3A_337, %sign3A_340 : i32
    %sign3A_342 = arith.constant 0 : i32
    %sign3A_343 = arith.cmpi sgt, %jit3A_333, %sign3A_342 : i32
    %sign3A_344 = arith.extui %sign3A_343 : i1 to i32
    %sign3A_345 = arith.constant 0 : i32
    %sign3A_346 = arith.cmpi slt, %jit3A_333, %sign3A_345 : i32
    %sign3A_347 = arith.extui %sign3A_346 : i1 to i32
    %sign3A_348 = arith.subi %sign3A_344, %sign3A_347 : i32
    %ne3A_349 = arith.cmpi ne, %sign3A_341, %sign3A_348 : i32
    %rem3A_350 = arith.remsi %squeeze3A_332, %jit3A_333 : i32
    %ne3A_351 = arith.constant 0 : i32
    %ne3A_352 = arith.cmpi ne, %rem3A_350, %ne3A_351 : i32
    %and3A_353 = arith.andi %ne3A_349, %ne3A_352 : i1
    %sub3A_354 = arith.constant 1 : i32
    %sub3A_355 = arith.subi %div3A_334, %sub3A_354 : i32
    %select_n3A_356 = arith.select %and3A_353, %sub3A_355, %div3A_334 : i32
    %mul3A_357 = arith.constant 128 : i32
    %mul3A_358 = arith.muli %select_n3A_356, %mul3A_357 : i32
    %multiple_of3A_359 = tpu.assume_multiple %mul3A_358, 128 : i32
    %dma_start3A_360 = arith.constant 8 : i32
    %dma_start3A_361 = arith.constant 0 : i32
    %dma_start3A_362 = arith.constant 0 : i32
    %dma_start3A_363 = tpu.memref_slice %arg6[%dma_start3A_360, %dma_start3A_361, %dma_start3A_362] : memref<16x32x128xf32, #tpu.memory_space<vmem>> -> memref<1x32x128xf32, #tpu.memory_space<vmem>>
    %dma_start3A_364 = tpu.memref_squeeze %dma_start3A_363 : memref<1x32x128xf32, #tpu.memory_space<vmem>> -> memref<32x128xf32, #tpu.memory_space<vmem>>
    %dma_start3A_365 = arith.constant 0 : i32
    %dma_start3A_366 = tpu.memref_slice %arg3[%dma_start3A_365, %multiple_of3A_359] : memref<32x1000000xf32, #tpu.memory_space<hbm>> -> memref<32x128xf32, #tpu.memory_space<hbm>>
    %dma_start3A_367 = arith.constant 0 : i32
    %dma_start3A_368 = arith.constant 0 : i32
    %dma_start3A_369 = tpu.memref_slice %arg6[%dma_start3A_360, %dma_start3A_367, %dma_start3A_368] : memref<16x32x128xf32, #tpu.memory_space<vmem>> -> memref<1x32x128xf32, #tpu.memory_space<vmem>>
    %dma_start3A_370 = tpu.memref_squeeze %dma_start3A_369 : memref<1x32x128xf32, #tpu.memory_space<vmem>> -> memref<32x128xf32, #tpu.memory_space<vmem>>
    %dma_start3A_371 = arith.constant 0 : i32
    %dma_start3A_372 = tpu.memref_slice %arg3[%dma_start3A_371, %multiple_of3A_359] : memref<32x1000000xf32, #tpu.memory_space<hbm>> -> memref<32x128xf32, #tpu.memory_space<hbm>>
    tpu.enqueue_dma source(%dma_start3A_372 : memref<32x128xf32, #tpu.memory_space<hbm>>) target(%dma_start3A_370 : memref<32x128xf32, #tpu.memory_space<vmem>>) target_semaphore(%arg8 : memref<!tpu.dma_semaphore, #tpu.memory_space<semaphore_mem>>)
    %slice3A_373 = vector.extract_strided_slice %get3A_6 {offsets = [9], sizes = [1], strides = [1]} : vector<16xi32> to vector<1xi32>
    %squeeze3A_374 = vector.extract %slice3A_373[0] : i32 from vector<1xi32>
    %jit3A_375 = arith.constant 128 : i32
    %div3A_376 = arith.divsi %squeeze3A_374, %jit3A_375 : i32
    %sign3A_377 = arith.constant 0 : i32
    %sign3A_378 = arith.cmpi sgt, %squeeze3A_374, %sign3A_377 : i32
    %sign3A_379 = arith.extui %sign3A_378 : i1 to i32
    %sign3A_380 = arith.constant 0 : i32
    %sign3A_381 = arith.cmpi slt, %squeeze3A_374, %sign3A_380 : i32
    %sign3A_382 = arith.extui %sign3A_381 : i1 to i32
    %sign3A_383 = arith.subi %sign3A_379, %sign3A_382 : i32
    %sign3A_384 = arith.constant 0 : i32
    %sign3A_385 = arith.cmpi sgt, %jit3A_375, %sign3A_384 : i32
    %sign3A_386 = arith.extui %sign3A_385 : i1 to i32
    %sign3A_387 = arith.constant 0 : i32
    %sign3A_388 = arith.cmpi slt, %jit3A_375, %sign3A_387 : i32
    %sign3A_389 = arith.extui %sign3A_388 : i1 to i32
    %sign3A_390 = arith.subi %sign3A_386, %sign3A_389 : i32
    %ne3A_391 = arith.cmpi ne, %sign3A_383, %sign3A_390 : i32
    %rem3A_392 = arith.remsi %squeeze3A_374, %jit3A_375 : i32
    %ne3A_393 = arith.constant 0 : i32
    %ne3A_394 = arith.cmpi ne, %rem3A_392, %ne3A_393 : i32
    %and3A_395 = arith.andi %ne3A_391, %ne3A_394 : i1
    %sub3A_396 = arith.constant 1 : i32
    %sub3A_397 = arith.subi %div3A_376, %sub3A_396 : i32
    %select_n3A_398 = arith.select %and3A_395, %sub3A_397, %div3A_376 : i32
    %mul3A_399 = arith.constant 128 : i32
    %mul3A_400 = arith.muli %select_n3A_398, %mul3A_399 : i32
    %multiple_of3A_401 = tpu.assume_multiple %mul3A_400, 128 : i32
    %dma_start3A_402 = arith.constant 9 : i32
    %dma_start3A_403 = arith.constant 0 : i32
    %dma_start3A_404 = arith.constant 0 : i32
    %dma_start3A_405 = tpu.memref_slice %arg6[%dma_start3A_402, %dma_start3A_403, %dma_start3A_404] : memref<16x32x128xf32, #tpu.memory_space<vmem>> -> memref<1x32x128xf32, #tpu.memory_space<vmem>>
    %dma_start3A_406 = tpu.memref_squeeze %dma_start3A_405 : memref<1x32x128xf32, #tpu.memory_space<vmem>> -> memref<32x128xf32, #tpu.memory_space<vmem>>
    %dma_start3A_407 = arith.constant 0 : i32
    %dma_start3A_408 = tpu.memref_slice %arg3[%dma_start3A_407, %multiple_of3A_401] : memref<32x1000000xf32, #tpu.memory_space<hbm>> -> memref<32x128xf32, #tpu.memory_space<hbm>>
    %dma_start3A_409 = arith.constant 0 : i32
    %dma_start3A_410 = arith.constant 0 : i32
    %dma_start3A_411 = tpu.memref_slice %arg6[%dma_start3A_402, %dma_start3A_409, %dma_start3A_410] : memref<16x32x128xf32, #tpu.memory_space<vmem>> -> memref<1x32x128xf32, #tpu.memory_space<vmem>>
    %dma_start3A_412 = tpu.memref_squeeze %dma_start3A_411 : memref<1x32x128xf32, #tpu.memory_space<vmem>> -> memref<32x128xf32, #tpu.memory_space<vmem>>
    %dma_start3A_413 = arith.constant 0 : i32
    %dma_start3A_414 = tpu.memref_slice %arg3[%dma_start3A_413, %multiple_of3A_401] : memref<32x1000000xf32, #tpu.memory_space<hbm>> -> memref<32x128xf32, #tpu.memory_space<hbm>>
    tpu.enqueue_dma source(%dma_start3A_414 : memref<32x128xf32, #tpu.memory_space<hbm>>) target(%dma_start3A_412 : memref<32x128xf32, #tpu.memory_space<vmem>>) target_semaphore(%arg8 : memref<!tpu.dma_semaphore, #tpu.memory_space<semaphore_mem>>)
    %slice3A_415 = vector.extract_strided_slice %get3A_6 {offsets = [10], sizes = [1], strides = [1]} : vector<16xi32> to vector<1xi32>
    %squeeze3A_416 = vector.extract %slice3A_415[0] : i32 from vector<1xi32>
    %jit3A_417 = arith.constant 128 : i32
    %div3A_418 = arith.divsi %squeeze3A_416, %jit3A_417 : i32
    %sign3A_419 = arith.constant 0 : i32
    %sign3A_420 = arith.cmpi sgt, %squeeze3A_416, %sign3A_419 : i32
    %sign3A_421 = arith.extui %sign3A_420 : i1 to i32
    %sign3A_422 = arith.constant 0 : i32
    %sign3A_423 = arith.cmpi slt, %squeeze3A_416, %sign3A_422 : i32
    %sign3A_424 = arith.extui %sign3A_423 : i1 to i32
    %sign3A_425 = arith.subi %sign3A_421, %sign3A_424 : i32
    %sign3A_426 = arith.constant 0 : i32
    %sign3A_427 = arith.cmpi sgt, %jit3A_417, %sign3A_426 : i32
    %sign3A_428 = arith.extui %sign3A_427 : i1 to i32
    %sign3A_429 = arith.constant 0 : i32
    %sign3A_430 = arith.cmpi slt, %jit3A_417, %sign3A_429 : i32
    %sign3A_431 = arith.extui %sign3A_430 : i1 to i32
    %sign3A_432 = arith.subi %sign3A_428, %sign3A_431 : i32
    %ne3A_433 = arith.cmpi ne, %sign3A_425, %sign3A_432 : i32
    %rem3A_434 = arith.remsi %squeeze3A_416, %jit3A_417 : i32
    %ne3A_435 = arith.constant 0 : i32
    %ne3A_436 = arith.cmpi ne, %rem3A_434, %ne3A_435 : i32
    %and3A_437 = arith.andi %ne3A_433, %ne3A_436 : i1
    %sub3A_438 = arith.constant 1 : i32
    %sub3A_439 = arith.subi %div3A_418, %sub3A_438 : i32
    %select_n3A_440 = arith.select %and3A_437, %sub3A_439, %div3A_418 : i32
    %mul3A_441 = arith.constant 128 : i32
    %mul3A_442 = arith.muli %select_n3A_440, %mul3A_441 : i32
    %multiple_of3A_443 = tpu.assume_multiple %mul3A_442, 128 : i32
    %dma_start3A_444 = arith.constant 10 : i32
    %dma_start3A_445 = arith.constant 0 : i32
    %dma_start3A_446 = arith.constant 0 : i32
    %dma_start3A_447 = tpu.memref_slice %arg6[%dma_start3A_444, %dma_start3A_445, %dma_start3A_446] : memref<16x32x128xf32, #tpu.memory_space<vmem>> -> memref<1x32x128xf32, #tpu.memory_space<vmem>>
    %dma_start3A_448 = tpu.memref_squeeze %dma_start3A_447 : memref<1x32x128xf32, #tpu.memory_space<vmem>> -> memref<32x128xf32, #tpu.memory_space<vmem>>
    %dma_start3A_449 = arith.constant 0 : i32
    %dma_start3A_450 = tpu.memref_slice %arg3[%dma_start3A_449, %multiple_of3A_443] : memref<32x1000000xf32, #tpu.memory_space<hbm>> -> memref<32x128xf32, #tpu.memory_space<hbm>>
    %dma_start3A_451 = arith.constant 0 : i32
    %dma_start3A_452 = arith.constant 0 : i32
    %dma_start3A_453 = tpu.memref_slice %arg6[%dma_start3A_444, %dma_start3A_451, %dma_start3A_452] : memref<16x32x128xf32, #tpu.memory_space<vmem>> -> memref<1x32x128xf32, #tpu.memory_space<vmem>>
    %dma_start3A_454 = tpu.memref_squeeze %dma_start3A_453 : memref<1x32x128xf32, #tpu.memory_space<vmem>> -> memref<32x128xf32, #tpu.memory_space<vmem>>
    %dma_start3A_455 = arith.constant 0 : i32
    %dma_start3A_456 = tpu.memref_slice %arg3[%dma_start3A_455, %multiple_of3A_443] : memref<32x1000000xf32, #tpu.memory_space<hbm>> -> memref<32x128xf32, #tpu.memory_space<hbm>>
    tpu.enqueue_dma source(%dma_start3A_456 : memref<32x128xf32, #tpu.memory_space<hbm>>) target(%dma_start3A_454 : memref<32x128xf32, #tpu.memory_space<vmem>>) target_semaphore(%arg8 : memref<!tpu.dma_semaphore, #tpu.memory_space<semaphore_mem>>)
    %slice3A_457 = vector.extract_strided_slice %get3A_6 {offsets = [11], sizes = [1], strides = [1]} : vector<16xi32> to vector<1xi32>
    %squeeze3A_458 = vector.extract %slice3A_457[0] : i32 from vector<1xi32>
    %jit3A_459 = arith.constant 128 : i32
    %div3A_460 = arith.divsi %squeeze3A_458, %jit3A_459 : i32
    %sign3A_461 = arith.constant 0 : i32
    %sign3A_462 = arith.cmpi sgt, %squeeze3A_458, %sign3A_461 : i32
    %sign3A_463 = arith.extui %sign3A_462 : i1 to i32
    %sign3A_464 = arith.constant 0 : i32
    %sign3A_465 = arith.cmpi slt, %squeeze3A_458, %sign3A_464 : i32
    %sign3A_466 = arith.extui %sign3A_465 : i1 to i32
    %sign3A_467 = arith.subi %sign3A_463, %sign3A_466 : i32
    %sign3A_468 = arith.constant 0 : i32
    %sign3A_469 = arith.cmpi sgt, %jit3A_459, %sign3A_468 : i32
    %sign3A_470 = arith.extui %sign3A_469 : i1 to i32
    %sign3A_471 = arith.constant 0 : i32
    %sign3A_472 = arith.cmpi slt, %jit3A_459, %sign3A_471 : i32
    %sign3A_473 = arith.extui %sign3A_472 : i1 to i32
    %sign3A_474 = arith.subi %sign3A_470, %sign3A_473 : i32
    %ne3A_475 = arith.cmpi ne, %sign3A_467, %sign3A_474 : i32
    %rem3A_476 = arith.remsi %squeeze3A_458, %jit3A_459 : i32
    %ne3A_477 = arith.constant 0 : i32
    %ne3A_478 = arith.cmpi ne, %rem3A_476, %ne3A_477 : i32
    %and3A_479 = arith.andi %ne3A_475, %ne3A_478 : i1
    %sub3A_480 = arith.constant 1 : i32
    %sub3A_481 = arith.subi %div3A_460, %sub3A_480 : i32
    %select_n3A_482 = arith.select %and3A_479, %sub3A_481, %div3A_460 : i32
    %mul3A_483 = arith.constant 128 : i32
    %mul3A_484 = arith.muli %select_n3A_482, %mul3A_483 : i32
    %multiple_of3A_485 = tpu.assume_multiple %mul3A_484, 128 : i32
    %dma_start3A_486 = arith.constant 11 : i32
    %dma_start3A_487 = arith.constant 0 : i32
    %dma_start3A_488 = arith.constant 0 : i32
    %dma_start3A_489 = tpu.memref_slice %arg6[%dma_start3A_486, %dma_start3A_487, %dma_start3A_488] : memref<16x32x128xf32, #tpu.memory_space<vmem>> -> memref<1x32x128xf32, #tpu.memory_space<vmem>>
    %dma_start3A_490 = tpu.memref_squeeze %dma_start3A_489 : memref<1x32x128xf32, #tpu.memory_space<vmem>> -> memref<32x128xf32, #tpu.memory_space<vmem>>
    %dma_start3A_491 = arith.constant 0 : i32
    %dma_start3A_492 = tpu.memref_slice %arg3[%dma_start3A_491, %multiple_of3A_485] : memref<32x1000000xf32, #tpu.memory_space<hbm>> -> memref<32x128xf32, #tpu.memory_space<hbm>>
    %dma_start3A_493 = arith.constant 0 : i32
    %dma_start3A_494 = arith.constant 0 : i32
    %dma_start3A_495 = tpu.memref_slice %arg6[%dma_start3A_486, %dma_start3A_493, %dma_start3A_494] : memref<16x32x128xf32, #tpu.memory_space<vmem>> -> memref<1x32x128xf32, #tpu.memory_space<vmem>>
    %dma_start3A_496 = tpu.memref_squeeze %dma_start3A_495 : memref<1x32x128xf32, #tpu.memory_space<vmem>> -> memref<32x128xf32, #tpu.memory_space<vmem>>
    %dma_start3A_497 = arith.constant 0 : i32
    %dma_start3A_498 = tpu.memref_slice %arg3[%dma_start3A_497, %multiple_of3A_485] : memref<32x1000000xf32, #tpu.memory_space<hbm>> -> memref<32x128xf32, #tpu.memory_space<hbm>>
    tpu.enqueue_dma source(%dma_start3A_498 : memref<32x128xf32, #tpu.memory_space<hbm>>) target(%dma_start3A_496 : memref<32x128xf32, #tpu.memory_space<vmem>>) target_semaphore(%arg8 : memref<!tpu.dma_semaphore, #tpu.memory_space<semaphore_mem>>)
    %slice3A_499 = vector.extract_strided_slice %get3A_6 {offsets = [12], sizes = [1], strides = [1]} : vector<16xi32> to vector<1xi32>
    %squeeze3A_500 = vector.extract %slice3A_499[0] : i32 from vector<1xi32>
    %jit3A_501 = arith.constant 128 : i32
    %div3A_502 = arith.divsi %squeeze3A_500, %jit3A_501 : i32
    %sign3A_503 = arith.constant 0 : i32
    %sign3A_504 = arith.cmpi sgt, %squeeze3A_500, %sign3A_503 : i32
    %sign3A_505 = arith.extui %sign3A_504 : i1 to i32
    %sign3A_506 = arith.constant 0 : i32
    %sign3A_507 = arith.cmpi slt, %squeeze3A_500, %sign3A_506 : i32
    %sign3A_508 = arith.extui %sign3A_507 : i1 to i32
    %sign3A_509 = arith.subi %sign3A_505, %sign3A_508 : i32
    %sign3A_510 = arith.constant 0 : i32
    %sign3A_511 = arith.cmpi sgt, %jit3A_501, %sign3A_510 : i32
    %sign3A_512 = arith.extui %sign3A_511 : i1 to i32
    %sign3A_513 = arith.constant 0 : i32
    %sign3A_514 = arith.cmpi slt, %jit3A_501, %sign3A_513 : i32
    %sign3A_515 = arith.extui %sign3A_514 : i1 to i32
    %sign3A_516 = arith.subi %sign3A_512, %sign3A_515 : i32
    %ne3A_517 = arith.cmpi ne, %sign3A_509, %sign3A_516 : i32
    %rem3A_518 = arith.remsi %squeeze3A_500, %jit3A_501 : i32
    %ne3A_519 = arith.constant 0 : i32
    %ne3A_520 = arith.cmpi ne, %rem3A_518, %ne3A_519 : i32
    %and3A_521 = arith.andi %ne3A_517, %ne3A_520 : i1
    %sub3A_522 = arith.constant 1 : i32
    %sub3A_523 = arith.subi %div3A_502, %sub3A_522 : i32
    %select_n3A_524 = arith.select %and3A_521, %sub3A_523, %div3A_502 : i32
    %mul3A_525 = arith.constant 128 : i32
    %mul3A_526 = arith.muli %select_n3A_524, %mul3A_525 : i32
    %multiple_of3A_527 = tpu.assume_multiple %mul3A_526, 128 : i32
    %dma_start3A_528 = arith.constant 12 : i32
    %dma_start3A_529 = arith.constant 0 : i32
    %dma_start3A_530 = arith.constant 0 : i32
    %dma_start3A_531 = tpu.memref_slice %arg6[%dma_start3A_528, %dma_start3A_529, %dma_start3A_530] : memref<16x32x128xf32, #tpu.memory_space<vmem>> -> memref<1x32x128xf32, #tpu.memory_space<vmem>>
    %dma_start3A_532 = tpu.memref_squeeze %dma_start3A_531 : memref<1x32x128xf32, #tpu.memory_space<vmem>> -> memref<32x128xf32, #tpu.memory_space<vmem>>
    %dma_start3A_533 = arith.constant 0 : i32
    %dma_start3A_534 = tpu.memref_slice %arg3[%dma_start3A_533, %multiple_of3A_527] : memref<32x1000000xf32, #tpu.memory_space<hbm>> -> memref<32x128xf32, #tpu.memory_space<hbm>>
    %dma_start3A_535 = arith.constant 0 : i32
    %dma_start3A_536 = arith.constant 0 : i32
    %dma_start3A_537 = tpu.memref_slice %arg6[%dma_start3A_528, %dma_start3A_535, %dma_start3A_536] : memref<16x32x128xf32, #tpu.memory_space<vmem>> -> memref<1x32x128xf32, #tpu.memory_space<vmem>>
    %dma_start3A_538 = tpu.memref_squeeze %dma_start3A_537 : memref<1x32x128xf32, #tpu.memory_space<vmem>> -> memref<32x128xf32, #tpu.memory_space<vmem>>
    %dma_start3A_539 = arith.constant 0 : i32
    %dma_start3A_540 = tpu.memref_slice %arg3[%dma_start3A_539, %multiple_of3A_527] : memref<32x1000000xf32, #tpu.memory_space<hbm>> -> memref<32x128xf32, #tpu.memory_space<hbm>>
    tpu.enqueue_dma source(%dma_start3A_540 : memref<32x128xf32, #tpu.memory_space<hbm>>) target(%dma_start3A_538 : memref<32x128xf32, #tpu.memory_space<vmem>>) target_semaphore(%arg8 : memref<!tpu.dma_semaphore, #tpu.memory_space<semaphore_mem>>)
    %slice3A_541 = vector.extract_strided_slice %get3A_6 {offsets = [13], sizes = [1], strides = [1]} : vector<16xi32> to vector<1xi32>
    %squeeze3A_542 = vector.extract %slice3A_541[0] : i32 from vector<1xi32>
    %jit3A_543 = arith.constant 128 : i32
    %div3A_544 = arith.divsi %squeeze3A_542, %jit3A_543 : i32
    %sign3A_545 = arith.constant 0 : i32
    %sign3A_546 = arith.cmpi sgt, %squeeze3A_542, %sign3A_545 : i32
    %sign3A_547 = arith.extui %sign3A_546 : i1 to i32
    %sign3A_548 = arith.constant 0 : i32
    %sign3A_549 = arith.cmpi slt, %squeeze3A_542, %sign3A_548 : i32
    %sign3A_550 = arith.extui %sign3A_549 : i1 to i32
    %sign3A_551 = arith.subi %sign3A_547, %sign3A_550 : i32
    %sign3A_552 = arith.constant 0 : i32
    %sign3A_553 = arith.cmpi sgt, %jit3A_543, %sign3A_552 : i32
    %sign3A_554 = arith.extui %sign3A_553 : i1 to i32
    %sign3A_555 = arith.constant 0 : i32
    %sign3A_556 = arith.cmpi slt, %jit3A_543, %sign3A_555 : i32
    %sign3A_557 = arith.extui %sign3A_556 : i1 to i32
    %sign3A_558 = arith.subi %sign3A_554, %sign3A_557 : i32
    %ne3A_559 = arith.cmpi ne, %sign3A_551, %sign3A_558 : i32
    %rem3A_560 = arith.remsi %squeeze3A_542, %jit3A_543 : i32
    %ne3A_561 = arith.constant 0 : i32
    %ne3A_562 = arith.cmpi ne, %rem3A_560, %ne3A_561 : i32
    %and3A_563 = arith.andi %ne3A_559, %ne3A_562 : i1
    %sub3A_564 = arith.constant 1 : i32
    %sub3A_565 = arith.subi %div3A_544, %sub3A_564 : i32
    %select_n3A_566 = arith.select %and3A_563, %sub3A_565, %div3A_544 : i32
    %mul3A_567 = arith.constant 128 : i32
    %mul3A_568 = arith.muli %select_n3A_566, %mul3A_567 : i32
    %multiple_of3A_569 = tpu.assume_multiple %mul3A_568, 128 : i32
    %dma_start3A_570 = arith.constant 13 : i32
    %dma_start3A_571 = arith.constant 0 : i32
    %dma_start3A_572 = arith.constant 0 : i32
    %dma_start3A_573 = tpu.memref_slice %arg6[%dma_start3A_570, %dma_start3A_571, %dma_start3A_572] : memref<16x32x128xf32, #tpu.memory_space<vmem>> -> memref<1x32x128xf32, #tpu.memory_space<vmem>>
    %dma_start3A_574 = tpu.memref_squeeze %dma_start3A_573 : memref<1x32x128xf32, #tpu.memory_space<vmem>> -> memref<32x128xf32, #tpu.memory_space<vmem>>
    %dma_start3A_575 = arith.constant 0 : i32
    %dma_start3A_576 = tpu.memref_slice %arg3[%dma_start3A_575, %multiple_of3A_569] : memref<32x1000000xf32, #tpu.memory_space<hbm>> -> memref<32x128xf32, #tpu.memory_space<hbm>>
    %dma_start3A_577 = arith.constant 0 : i32
    %dma_start3A_578 = arith.constant 0 : i32
    %dma_start3A_579 = tpu.memref_slice %arg6[%dma_start3A_570, %dma_start3A_577, %dma_start3A_578] : memref<16x32x128xf32, #tpu.memory_space<vmem>> -> memref<1x32x128xf32, #tpu.memory_space<vmem>>
    %dma_start3A_580 = tpu.memref_squeeze %dma_start3A_579 : memref<1x32x128xf32, #tpu.memory_space<vmem>> -> memref<32x128xf32, #tpu.memory_space<vmem>>
    %dma_start3A_581 = arith.constant 0 : i32
    %dma_start3A_582 = tpu.memref_slice %arg3[%dma_start3A_581, %multiple_of3A_569] : memref<32x1000000xf32, #tpu.memory_space<hbm>> -> memref<32x128xf32, #tpu.memory_space<hbm>>
    tpu.enqueue_dma source(%dma_start3A_582 : memref<32x128xf32, #tpu.memory_space<hbm>>) target(%dma_start3A_580 : memref<32x128xf32, #tpu.memory_space<vmem>>) target_semaphore(%arg8 : memref<!tpu.dma_semaphore, #tpu.memory_space<semaphore_mem>>)
    %slice3A_583 = vector.extract_strided_slice %get3A_6 {offsets = [14], sizes = [1], strides = [1]} : vector<16xi32> to vector<1xi32>
    %squeeze3A_584 = vector.extract %slice3A_583[0] : i32 from vector<1xi32>
    %jit3A_585 = arith.constant 128 : i32
    %div3A_586 = arith.divsi %squeeze3A_584, %jit3A_585 : i32
    %sign3A_587 = arith.constant 0 : i32
    %sign3A_588 = arith.cmpi sgt, %squeeze3A_584, %sign3A_587 : i32
    %sign3A_589 = arith.extui %sign3A_588 : i1 to i32
    %sign3A_590 = arith.constant 0 : i32
    %sign3A_591 = arith.cmpi slt, %squeeze3A_584, %sign3A_590 : i32
    %sign3A_592 = arith.extui %sign3A_591 : i1 to i32
    %sign3A_593 = arith.subi %sign3A_589, %sign3A_592 : i32
    %sign3A_594 = arith.constant 0 : i32
    %sign3A_595 = arith.cmpi sgt, %jit3A_585, %sign3A_594 : i32
    %sign3A_596 = arith.extui %sign3A_595 : i1 to i32
    %sign3A_597 = arith.constant 0 : i32
    %sign3A_598 = arith.cmpi slt, %jit3A_585, %sign3A_597 : i32
    %sign3A_599 = arith.extui %sign3A_598 : i1 to i32
    %sign3A_600 = arith.subi %sign3A_596, %sign3A_599 : i32
    %ne3A_601 = arith.cmpi ne, %sign3A_593, %sign3A_600 : i32
    %rem3A_602 = arith.remsi %squeeze3A_584, %jit3A_585 : i32
    %ne3A_603 = arith.constant 0 : i32
    %ne3A_604 = arith.cmpi ne, %rem3A_602, %ne3A_603 : i32
    %and3A_605 = arith.andi %ne3A_601, %ne3A_604 : i1
    %sub3A_606 = arith.constant 1 : i32
    %sub3A_607 = arith.subi %div3A_586, %sub3A_606 : i32
    %select_n3A_608 = arith.select %and3A_605, %sub3A_607, %div3A_586 : i32
    %mul3A_609 = arith.constant 128 : i32
    %mul3A_610 = arith.muli %select_n3A_608, %mul3A_609 : i32
    %multiple_of3A_611 = tpu.assume_multiple %mul3A_610, 128 : i32
    %dma_start3A_612 = arith.constant 14 : i32
    %dma_start3A_613 = arith.constant 0 : i32
    %dma_start3A_614 = arith.constant 0 : i32
    %dma_start3A_615 = tpu.memref_slice %arg6[%dma_start3A_612, %dma_start3A_613, %dma_start3A_614] : memref<16x32x128xf32, #tpu.memory_space<vmem>> -> memref<1x32x128xf32, #tpu.memory_space<vmem>>
    %dma_start3A_616 = tpu.memref_squeeze %dma_start3A_615 : memref<1x32x128xf32, #tpu.memory_space<vmem>> -> memref<32x128xf32, #tpu.memory_space<vmem>>
    %dma_start3A_617 = arith.constant 0 : i32
    %dma_start3A_618 = tpu.memref_slice %arg3[%dma_start3A_617, %multiple_of3A_611] : memref<32x1000000xf32, #tpu.memory_space<hbm>> -> memref<32x128xf32, #tpu.memory_space<hbm>>
    %dma_start3A_619 = arith.constant 0 : i32
    %dma_start3A_620 = arith.constant 0 : i32
    %dma_start3A_621 = tpu.memref_slice %arg6[%dma_start3A_612, %dma_start3A_619, %dma_start3A_620] : memref<16x32x128xf32, #tpu.memory_space<vmem>> -> memref<1x32x128xf32, #tpu.memory_space<vmem>>
    %dma_start3A_622 = tpu.memref_squeeze %dma_start3A_621 : memref<1x32x128xf32, #tpu.memory_space<vmem>> -> memref<32x128xf32, #tpu.memory_space<vmem>>
    %dma_start3A_623 = arith.constant 0 : i32
    %dma_start3A_624 = tpu.memref_slice %arg3[%dma_start3A_623, %multiple_of3A_611] : memref<32x1000000xf32, #tpu.memory_space<hbm>> -> memref<32x128xf32, #tpu.memory_space<hbm>>
    tpu.enqueue_dma source(%dma_start3A_624 : memref<32x128xf32, #tpu.memory_space<hbm>>) target(%dma_start3A_622 : memref<32x128xf32, #tpu.memory_space<vmem>>) target_semaphore(%arg8 : memref<!tpu.dma_semaphore, #tpu.memory_space<semaphore_mem>>)
    %slice3A_625 = vector.extract_strided_slice %get3A_6 {offsets = [15], sizes = [1], strides = [1]} : vector<16xi32> to vector<1xi32>
    %squeeze3A_626 = vector.extract %slice3A_625[0] : i32 from vector<1xi32>
    %jit3A_627 = arith.constant 128 : i32
    %div3A_628 = arith.divsi %squeeze3A_626, %jit3A_627 : i32
    %sign3A_629 = arith.constant 0 : i32
    %sign3A_630 = arith.cmpi sgt, %squeeze3A_626, %sign3A_629 : i32
    %sign3A_631 = arith.extui %sign3A_630 : i1 to i32
    %sign3A_632 = arith.constant 0 : i32
    %sign3A_633 = arith.cmpi slt, %squeeze3A_626, %sign3A_632 : i32
    %sign3A_634 = arith.extui %sign3A_633 : i1 to i32
    %sign3A_635 = arith.subi %sign3A_631, %sign3A_634 : i32
    %sign3A_636 = arith.constant 0 : i32
    %sign3A_637 = arith.cmpi sgt, %jit3A_627, %sign3A_636 : i32
    %sign3A_638 = arith.extui %sign3A_637 : i1 to i32
    %sign3A_639 = arith.constant 0 : i32
    %sign3A_640 = arith.cmpi slt, %jit3A_627, %sign3A_639 : i32
    %sign3A_641 = arith.extui %sign3A_640 : i1 to i32
    %sign3A_642 = arith.subi %sign3A_638, %sign3A_641 : i32
    %ne3A_643 = arith.cmpi ne, %sign3A_635, %sign3A_642 : i32
    %rem3A_644 = arith.remsi %squeeze3A_626, %jit3A_627 : i32
    %ne3A_645 = arith.constant 0 : i32
    %ne3A_646 = arith.cmpi ne, %rem3A_644, %ne3A_645 : i32
    %and3A_647 = arith.andi %ne3A_643, %ne3A_646 : i1
    %sub3A_648 = arith.constant 1 : i32
    %sub3A_649 = arith.subi %div3A_628, %sub3A_648 : i32
    %select_n3A_650 = arith.select %and3A_647, %sub3A_649, %div3A_628 : i32
    %mul3A_651 = arith.constant 128 : i32
    %mul3A_652 = arith.muli %select_n3A_650, %mul3A_651 : i32
    %multiple_of3A_653 = tpu.assume_multiple %mul3A_652, 128 : i32
    %dma_start3A_654 = arith.constant 15 : i32
    %dma_start3A_655 = arith.constant 0 : i32
    %dma_start3A_656 = arith.constant 0 : i32
    %dma_start3A_657 = tpu.memref_slice %arg6[%dma_start3A_654, %dma_start3A_655, %dma_start3A_656] : memref<16x32x128xf32, #tpu.memory_space<vmem>> -> memref<1x32x128xf32, #tpu.memory_space<vmem>>
    %dma_start3A_658 = tpu.memref_squeeze %dma_start3A_657 : memref<1x32x128xf32, #tpu.memory_space<vmem>> -> memref<32x128xf32, #tpu.memory_space<vmem>>
    %dma_start3A_659 = arith.constant 0 : i32
    %dma_start3A_660 = tpu.memref_slice %arg3[%dma_start3A_659, %multiple_of3A_653] : memref<32x1000000xf32, #tpu.memory_space<hbm>> -> memref<32x128xf32, #tpu.memory_space<hbm>>
    %dma_start3A_661 = arith.constant 0 : i32
    %dma_start3A_662 = arith.constant 0 : i32
    %dma_start3A_663 = tpu.memref_slice %arg6[%dma_start3A_654, %dma_start3A_661, %dma_start3A_662] : memref<16x32x128xf32, #tpu.memory_space<vmem>> -> memref<1x32x128xf32, #tpu.memory_space<vmem>>
    %dma_start3A_664 = tpu.memref_squeeze %dma_start3A_663 : memref<1x32x128xf32, #tpu.memory_space<vmem>> -> memref<32x128xf32, #tpu.memory_space<vmem>>
    %dma_start3A_665 = arith.constant 0 : i32
    %dma_start3A_666 = tpu.memref_slice %arg3[%dma_start3A_665, %multiple_of3A_653] : memref<32x1000000xf32, #tpu.memory_space<hbm>> -> memref<32x128xf32, #tpu.memory_space<hbm>>
    tpu.enqueue_dma source(%dma_start3A_666 : memref<32x128xf32, #tpu.memory_space<hbm>>) target(%dma_start3A_664 : memref<32x128xf32, #tpu.memory_space<vmem>>) target_semaphore(%arg8 : memref<!tpu.dma_semaphore, #tpu.memory_space<semaphore_mem>>)
    %scan3A = arith.constant 0 : i32
    %scan3A_667 = arith.constant 0 : i32
    %scan3A_668 = arith.constant 32 : i32
    %scan3A_669 = arith.addi %scan3A_667, %scan3A_668 : i32
    %scan3A_670 = arith.constant 1 : i32
    scf.for %scan3A_672 = %scan3A_667 to %scan3A_669 step %scan3A_670  : i32 {
      %mul3A_673 = arith.constant 16 : i32
      %mul3A_674 = arith.muli %scan3A_672, %mul3A_673 : i32
      %multiple_of3A_675 = tpu.assume_multiple %mul3A_674, 8 : i32
      %get3A_676 = arith.index_cast %multiple_of3A_675 : i32 to index
      %get3A_677 = tpu.vector_load %arg5[%get3A_676] {strides = array<i32>} : memref<512xi32, #tpu.memory_space<vmem>>, vector<16xi32>,
      %add3A_678 = arith.constant 1 : i32
      %add3A_679 = arith.addi %scan3A_672, %add3A_678 : i32
      %mul3A_680 = arith.constant 16 : i32
      %mul3A_681 = arith.muli %add3A_679, %mul3A_680 : i32
      %multiple_of3A_682 = tpu.assume_multiple %mul3A_681, 8 : i32
      %min3A = arith.constant 496 : i32
      %min3A_683 = arith.minsi %multiple_of3A_682, %min3A : i32
      %get3A_684 = arith.index_cast %min3A_683 : i32 to index
      %get3A_685 = tpu.vector_load %arg5[%get3A_684] {strides = array<i32>} : memref<512xi32, #tpu.memory_space<vmem>>, vector<16xi32>,
      %jit3A_686 = arith.constant 128 : i32
      %eq3A = arith.constant 0 : i32
      %eq3A_687 = arith.cmpi eq, %jit3A_686, %eq3A : i32
      %jit3A_688 = arith.constant 1 : i32
      %select_n3A_689 = arith.select %eq3A_687, %jit3A_688, %jit3A_686 : i32
      %rem3A_690 = vector.broadcast %select_n3A_689 : i32 to vector<16xi32>
      %rem3A_691 = arith.remsi %get3A_677, %rem3A_690 : vector<16xi32>
      %ne3A_692 = arith.constant 0 : i32
      %ne3A_693 = vector.broadcast %ne3A_692 : i32 to vector<16xi32>
      %ne3A_694 = arith.cmpi ne, %rem3A_691, %ne3A_693 : vector<16xi32>
      %lt3A = arith.constant 0 : i32
      %lt3A_695 = vector.broadcast %lt3A : i32 to vector<16xi32>
      %lt3A_696 = arith.cmpi slt, %rem3A_691, %lt3A_695 : vector<16xi32>
      %lt3A_697 = arith.constant 0 : i32
      %lt3A_698 = arith.cmpi slt, %select_n3A_689, %lt3A_697 : i32
      %ne3A_699 = vector.broadcast %lt3A_698 : i1 to vector<16xi1>
      %ne3A_700 = vector.broadcast %ne3A_699 : vector<16xi1> to vector<16xi1>
      %ne3A_701 = arith.xori %lt3A_696, %ne3A_700 : vector<16xi1>
      %and3A_702 = arith.andi %ne3A_701, %ne3A_694 : vector<16xi1>
      %add3A_703 = vector.broadcast %select_n3A_689 : i32 to vector<16xi32>
      %add3A_704 = arith.addi %rem3A_691, %add3A_703 : vector<16xi32>
      %select_n3A_705 = arith.select %and3A_702, %add3A_704, %rem3A_691 : vector<16xi1>, vector<16xi32>
      %add3A_706 = arith.constant 1 : i32
      %add3A_707 = arith.addi %scan3A_672, %add3A_706 : i32
      %mul3A_708 = arith.constant 16 : i32
      %mul3A_709 = arith.muli %add3A_707, %mul3A_708 : i32
      %lt3A_710 = arith.constant 512 : i32
      %lt3A_711 = arith.cmpi slt, %mul3A_709, %lt3A_710 : i32
      %dma_wait3A = arith.constant 0 : i32
      %dma_wait3A_712 = arith.constant 0 : i32
      %dma_wait3A_713 = arith.constant 0 : i32
      %dma_wait3A_714 = tpu.memref_slice %arg6[%dma_wait3A, %dma_wait3A_712, %dma_wait3A_713] : memref<16x32x128xf32, #tpu.memory_space<vmem>> -> memref<1x32x128xf32, #tpu.memory_space<vmem>>
      %dma_wait3A_715 = tpu.memref_squeeze %dma_wait3A_714 : memref<1x32x128xf32, #tpu.memory_space<vmem>> -> memref<32x128xf32, #tpu.memory_space<vmem>>
      %dma_wait3A_716 = arith.constant 0 : i32
      %dma_wait3A_717 = arith.constant 0 : i32
      %dma_wait3A_718 = tpu.memref_slice %arg3[%dma_wait3A_716, %dma_wait3A_717] : memref<32x1000000xf32, #tpu.memory_space<hbm>> -> memref<32x128xf32, #tpu.memory_space<hbm>>
      %dma_wait3A_719 = arith.constant 0 : i32
      %dma_wait3A_720 = arith.constant 0 : i32
      %dma_wait3A_721 = tpu.memref_slice %arg6[%dma_wait3A, %dma_wait3A_719, %dma_wait3A_720] : memref<16x32x128xf32, #tpu.memory_space<vmem>> -> memref<1x32x128xf32, #tpu.memory_space<vmem>>
      %dma_wait3A_722 = tpu.memref_squeeze %dma_wait3A_721 : memref<1x32x128xf32, #tpu.memory_space<vmem>> -> memref<32x128xf32, #tpu.memory_space<vmem>>
      %dma_wait3A_723 = arith.constant 0 : i32
      %dma_wait3A_724 = arith.constant 0 : i32
      %dma_wait3A_725 = tpu.memref_slice %arg3[%dma_wait3A_723, %dma_wait3A_724] : memref<32x1000000xf32, #tpu.memory_space<hbm>> -> memref<32x128xf32, #tpu.memory_space<hbm>>
      tpu.wait_dma2 semaphore(%arg8 : memref<!tpu.dma_semaphore, #tpu.memory_space<semaphore_mem>>) src(%dma_wait3A_725 : memref<32x128xf32, #tpu.memory_space<hbm>>) dst(%dma_wait3A_722 : memref<32x128xf32, #tpu.memory_space<vmem>>)
      %slice3A_726 = vector.extract_strided_slice %select_n3A_705 {offsets = [0], sizes = [1], strides = [1]} : vector<16xi32> to vector<1xi32>
      %squeeze3A_727 = vector.extract %slice3A_726[0] : i32 from vector<1xi32>
      %broadcast_in_dim3A = vector.broadcast %squeeze3A_727 : i32 to vector<16xi32>
      %add3A_728 = arith.constant 0 : i32
      %add3A_729 = arith.addi %multiple_of3A_675, %add3A_728 : i32
      %broadcast_in_dim3A_730 = vector.broadcast %add3A_729 : i32 to vector<16xi32>
      %gather3A = arith.constant 0 : i32
      %gather3A_731 = arith.constant 0 : i32
      %gather3A_732 = arith.constant 0 : i32
      %gather3A_733 = tpu.memref_slice %arg6[%gather3A, %gather3A_731, %gather3A_732] : memref<16x32x128xf32, #tpu.memory_space<vmem>> -> memref<1x32x128xf32, #tpu.memory_space<vmem>>
      %gather3A_734 = tpu.memref_squeeze %gather3A_733 : memref<1x32x128xf32, #tpu.memory_space<vmem>> -> memref<32x128xf32, #tpu.memory_space<vmem>>
      %gather3A_735 = tpu.vector_load_idx %gather3A_734[%iota3A, %broadcast_in_dim3A] : memref<32x128xf32, #tpu.memory_space<vmem>>[vector<16xi32>, vector<16xi32>], vector<16xf32>,
      %gather3A_736 = arith.constant 0 : i32
      %gather3A_737 = arith.constant 0 : i32
      %gather3A_738 = arith.constant 0 : i32
      %gather3A_739 = tpu.memref_slice %arg6[%gather3A_736, %gather3A_737, %gather3A_738] : memref<16x32x128xf32, #tpu.memory_space<vmem>> -> memref<1x32x128xf32, #tpu.memory_space<vmem>>
      %gather3A_740 = tpu.memref_squeeze %gather3A_739 : memref<1x32x128xf32, #tpu.memory_space<vmem>> -> memref<32x128xf32, #tpu.memory_space<vmem>>
      %gather3A_741 = tpu.vector_load_idx %gather3A_740[%add3A_5, %broadcast_in_dim3A] : memref<32x128xf32, #tpu.memory_space<vmem>>[vector<16xi32>, vector<16xi32>], vector<16xf32>,
      tpu.vector_store_idx %arg7[%iota3A, %broadcast_in_dim3A_730], %gather3A_735 : memref<32x512xf32, #tpu.memory_space<vmem>>[vector<16xi32>, vector<16xi32>], vector<16xf32>,
      tpu.vector_store_idx %arg7[%add3A_5, %broadcast_in_dim3A_730], %gather3A_741 : memref<32x512xf32, #tpu.memory_space<vmem>>[vector<16xi32>, vector<16xi32>], vector<16xf32>,
      %convert_element_type3A = arith.extui %lt3A_711 : i1 to i32
      %cond3A = arith.constant 0 : i32
      %cond3A_742 = arith.cmpi ne, %convert_element_type3A, %cond3A : i32
      scf.if %cond3A_742 {
        %slice3A_1283 = vector.extract_strided_slice %get3A_685 {offsets = [0], sizes = [1], strides = [1]} : vector<16xi32> to vector<1xi32>
        %squeeze3A_1284 = vector.extract %slice3A_1283[0] : i32 from vector<1xi32>
        %jit3A_1285 = arith.constant 128 : i32
        %div3A_1286 = arith.divsi %squeeze3A_1284, %jit3A_1285 : i32
        %sign3A_1287 = arith.constant 0 : i32
        %sign3A_1288 = arith.cmpi sgt, %squeeze3A_1284, %sign3A_1287 : i32
        %sign3A_1289 = arith.extui %sign3A_1288 : i1 to i32
        %sign3A_1290 = arith.constant 0 : i32
        %sign3A_1291 = arith.cmpi slt, %squeeze3A_1284, %sign3A_1290 : i32
        %sign3A_1292 = arith.extui %sign3A_1291 : i1 to i32
        %sign3A_1293 = arith.subi %sign3A_1289, %sign3A_1292 : i32
        %sign3A_1294 = arith.constant 0 : i32
        %sign3A_1295 = arith.cmpi sgt, %jit3A_1285, %sign3A_1294 : i32
        %sign3A_1296 = arith.extui %sign3A_1295 : i1 to i32
        %sign3A_1297 = arith.constant 0 : i32
        %sign3A_1298 = arith.cmpi slt, %jit3A_1285, %sign3A_1297 : i32
        %sign3A_1299 = arith.extui %sign3A_1298 : i1 to i32
        %sign3A_1300 = arith.subi %sign3A_1296, %sign3A_1299 : i32
        %ne3A_1301 = arith.cmpi ne, %sign3A_1293, %sign3A_1300 : i32
        %rem3A_1302 = arith.remsi %squeeze3A_1284, %jit3A_1285 : i32
        %ne3A_1303 = arith.constant 0 : i32
        %ne3A_1304 = arith.cmpi ne, %rem3A_1302, %ne3A_1303 : i32
        %and3A_1305 = arith.andi %ne3A_1301, %ne3A_1304 : i1
        %sub3A_1306 = arith.constant 1 : i32
        %sub3A_1307 = arith.subi %div3A_1286, %sub3A_1306 : i32
        %select_n3A_1308 = arith.select %and3A_1305, %sub3A_1307, %div3A_1286 : i32
        %mul3A_1309 = arith.constant 128 : i32
        %mul3A_1310 = arith.muli %select_n3A_1308, %mul3A_1309 : i32
        %multiple_of3A_1311 = tpu.assume_multiple %mul3A_1310, 128 : i32
        %dma_start3A_1312 = arith.constant 0 : i32
        %dma_start3A_1313 = arith.constant 0 : i32
        %dma_start3A_1314 = arith.constant 0 : i32
        %dma_start3A_1315 = tpu.memref_slice %arg6[%dma_start3A_1312, %dma_start3A_1313, %dma_start3A_1314] : memref<16x32x128xf32, #tpu.memory_space<vmem>> -> memref<1x32x128xf32, #tpu.memory_space<vmem>>
        %dma_start3A_1316 = tpu.memref_squeeze %dma_start3A_1315 : memref<1x32x128xf32, #tpu.memory_space<vmem>> -> memref<32x128xf32, #tpu.memory_space<vmem>>
        %dma_start3A_1317 = arith.constant 0 : i32
        %dma_start3A_1318 = tpu.memref_slice %arg3[%dma_start3A_1317, %multiple_of3A_1311] : memref<32x1000000xf32, #tpu.memory_space<hbm>> -> memref<32x128xf32, #tpu.memory_space<hbm>>
        %dma_start3A_1319 = arith.constant 0 : i32
        %dma_start3A_1320 = arith.constant 0 : i32
        %dma_start3A_1321 = tpu.memref_slice %arg6[%dma_start3A_1312, %dma_start3A_1319, %dma_start3A_1320] : memref<16x32x128xf32, #tpu.memory_space<vmem>> -> memref<1x32x128xf32, #tpu.memory_space<vmem>>
        %dma_start3A_1322 = tpu.memref_squeeze %dma_start3A_1321 : memref<1x32x128xf32, #tpu.memory_space<vmem>> -> memref<32x128xf32, #tpu.memory_space<vmem>>
        %dma_start3A_1323 = arith.constant 0 : i32
        %dma_start3A_1324 = tpu.memref_slice %arg3[%dma_start3A_1323, %multiple_of3A_1311] : memref<32x1000000xf32, #tpu.memory_space<hbm>> -> memref<32x128xf32, #tpu.memory_space<hbm>>
        tpu.enqueue_dma source(%dma_start3A_1324 : memref<32x128xf32, #tpu.memory_space<hbm>>) target(%dma_start3A_1322 : memref<32x128xf32, #tpu.memory_space<vmem>>) target_semaphore(%arg8 : memref<!tpu.dma_semaphore, #tpu.memory_space<semaphore_mem>>)
      } else {
      }
      %dma_wait3A_743 = arith.constant 1 : i32
      %dma_wait3A_744 = arith.constant 0 : i32
      %dma_wait3A_745 = arith.constant 0 : i32
      %dma_wait3A_746 = tpu.memref_slice %arg6[%dma_wait3A_743, %dma_wait3A_744, %dma_wait3A_745] : memref<16x32x128xf32, #tpu.memory_space<vmem>> -> memref<1x32x128xf32, #tpu.memory_space<vmem>>
      %dma_wait3A_747 = tpu.memref_squeeze %dma_wait3A_746 : memref<1x32x128xf32, #tpu.memory_space<vmem>> -> memref<32x128xf32, #tpu.memory_space<vmem>>
      %dma_wait3A_748 = arith.constant 0 : i32
      %dma_wait3A_749 = arith.constant 0 : i32
      %dma_wait3A_750 = tpu.memref_slice %arg3[%dma_wait3A_748, %dma_wait3A_749] : memref<32x1000000xf32, #tpu.memory_space<hbm>> -> memref<32x128xf32, #tpu.memory_space<hbm>>
      %dma_wait3A_751 = arith.constant 0 : i32
      %dma_wait3A_752 = arith.constant 0 : i32
      %dma_wait3A_753 = tpu.memref_slice %arg6[%dma_wait3A_743, %dma_wait3A_751, %dma_wait3A_752] : memref<16x32x128xf32, #tpu.memory_space<vmem>> -> memref<1x32x128xf32, #tpu.memory_space<vmem>>
      %dma_wait3A_754 = tpu.memref_squeeze %dma_wait3A_753 : memref<1x32x128xf32, #tpu.memory_space<vmem>> -> memref<32x128xf32, #tpu.memory_space<vmem>>
      %dma_wait3A_755 = arith.constant 0 : i32
      %dma_wait3A_756 = arith.constant 0 : i32
      %dma_wait3A_757 = tpu.memref_slice %arg3[%dma_wait3A_755, %dma_wait3A_756] : memref<32x1000000xf32, #tpu.memory_space<hbm>> -> memref<32x128xf32, #tpu.memory_space<hbm>>
      tpu.wait_dma2 semaphore(%arg8 : memref<!tpu.dma_semaphore, #tpu.memory_space<semaphore_mem>>) src(%dma_wait3A_757 : memref<32x128xf32, #tpu.memory_space<hbm>>) dst(%dma_wait3A_754 : memref<32x128xf32, #tpu.memory_space<vmem>>)
      %slice3A_758 = vector.extract_strided_slice %select_n3A_705 {offsets = [1], sizes = [1], strides = [1]} : vector<16xi32> to vector<1xi32>
      %squeeze3A_759 = vector.extract %slice3A_758[0] : i32 from vector<1xi32>
      %broadcast_in_dim3A_760 = vector.broadcast %squeeze3A_759 : i32 to vector<16xi32>
      %add3A_761 = arith.constant 1 : i32
      %add3A_762 = arith.addi %multiple_of3A_675, %add3A_761 : i32
      %broadcast_in_dim3A_763 = vector.broadcast %add3A_762 : i32 to vector<16xi32>
      %gather3A_764 = arith.constant 1 : i32
      %gather3A_765 = arith.constant 0 : i32
      %gather3A_766 = arith.constant 0 : i32
      %gather3A_767 = tpu.memref_slice %arg6[%gather3A_764, %gather3A_765, %gather3A_766] : memref<16x32x128xf32, #tpu.memory_space<vmem>> -> memref<1x32x128xf32, #tpu.memory_space<vmem>>
      %gather3A_768 = tpu.memref_squeeze %gather3A_767 : memref<1x32x128xf32, #tpu.memory_space<vmem>> -> memref<32x128xf32, #tpu.memory_space<vmem>>
      %gather3A_769 = tpu.vector_load_idx %gather3A_768[%iota3A, %broadcast_in_dim3A_760] : memref<32x128xf32, #tpu.memory_space<vmem>>[vector<16xi32>, vector<16xi32>], vector<16xf32>,
      %gather3A_770 = arith.constant 1 : i32
      %gather3A_771 = arith.constant 0 : i32
      %gather3A_772 = arith.constant 0 : i32
      %gather3A_773 = tpu.memref_slice %arg6[%gather3A_770, %gather3A_771, %gather3A_772] : memref<16x32x128xf32, #tpu.memory_space<vmem>> -> memref<1x32x128xf32, #tpu.memory_space<vmem>>
      %gather3A_774 = tpu.memref_squeeze %gather3A_773 : memref<1x32x128xf32, #tpu.memory_space<vmem>> -> memref<32x128xf32, #tpu.memory_space<vmem>>
      %gather3A_775 = tpu.vector_load_idx %gather3A_774[%add3A_5, %broadcast_in_dim3A_760] : memref<32x128xf32, #tpu.memory_space<vmem>>[vector<16xi32>, vector<16xi32>], vector<16xf32>,
      tpu.vector_store_idx %arg7[%iota3A, %broadcast_in_dim3A_763], %gather3A_769 : memref<32x512xf32, #tpu.memory_space<vmem>>[vector<16xi32>, vector<16xi32>], vector<16xf32>,
      tpu.vector_store_idx %arg7[%add3A_5, %broadcast_in_dim3A_763], %gather3A_775 : memref<32x512xf32, #tpu.memory_space<vmem>>[vector<16xi32>, vector<16xi32>], vector<16xf32>,
      %convert_element_type3A_776 = arith.extui %lt3A_711 : i1 to i32
      %cond3A_777 = arith.constant 0 : i32
      %cond3A_778 = arith.cmpi ne, %convert_element_type3A_776, %cond3A_777 : i32
      scf.if %cond3A_778 {
        %slice3A_1283 = vector.extract_strided_slice %get3A_685 {offsets = [1], sizes = [1], strides = [1]} : vector<16xi32> to vector<1xi32>
        %squeeze3A_1284 = vector.extract %slice3A_1283[0] : i32 from vector<1xi32>
        %jit3A_1285 = arith.constant 128 : i32
        %div3A_1286 = arith.divsi %squeeze3A_1284, %jit3A_1285 : i32
        %sign3A_1287 = arith.constant 0 : i32
        %sign3A_1288 = arith.cmpi sgt, %squeeze3A_1284, %sign3A_1287 : i32
        %sign3A_1289 = arith.extui %sign3A_1288 : i1 to i32
        %sign3A_1290 = arith.constant 0 : i32
        %sign3A_1291 = arith.cmpi slt, %squeeze3A_1284, %sign3A_1290 : i32
        %sign3A_1292 = arith.extui %sign3A_1291 : i1 to i32
        %sign3A_1293 = arith.subi %sign3A_1289, %sign3A_1292 : i32
        %sign3A_1294 = arith.constant 0 : i32
        %sign3A_1295 = arith.cmpi sgt, %jit3A_1285, %sign3A_1294 : i32
        %sign3A_1296 = arith.extui %sign3A_1295 : i1 to i32
        %sign3A_1297 = arith.constant 0 : i32
        %sign3A_1298 = arith.cmpi slt, %jit3A_1285, %sign3A_1297 : i32
        %sign3A_1299 = arith.extui %sign3A_1298 : i1 to i32
        %sign3A_1300 = arith.subi %sign3A_1296, %sign3A_1299 : i32
        %ne3A_1301 = arith.cmpi ne, %sign3A_1293, %sign3A_1300 : i32
        %rem3A_1302 = arith.remsi %squeeze3A_1284, %jit3A_1285 : i32
        %ne3A_1303 = arith.constant 0 : i32
        %ne3A_1304 = arith.cmpi ne, %rem3A_1302, %ne3A_1303 : i32
        %and3A_1305 = arith.andi %ne3A_1301, %ne3A_1304 : i1
        %sub3A_1306 = arith.constant 1 : i32
        %sub3A_1307 = arith.subi %div3A_1286, %sub3A_1306 : i32
        %select_n3A_1308 = arith.select %and3A_1305, %sub3A_1307, %div3A_1286 : i32
        %mul3A_1309 = arith.constant 128 : i32
        %mul3A_1310 = arith.muli %select_n3A_1308, %mul3A_1309 : i32
        %multiple_of3A_1311 = tpu.assume_multiple %mul3A_1310, 128 : i32
        %dma_start3A_1312 = arith.constant 1 : i32
        %dma_start3A_1313 = arith.constant 0 : i32
        %dma_start3A_1314 = arith.constant 0 : i32
        %dma_start3A_1315 = tpu.memref_slice %arg6[%dma_start3A_1312, %dma_start3A_1313, %dma_start3A_1314] : memref<16x32x128xf32, #tpu.memory_space<vmem>> -> memref<1x32x128xf32, #tpu.memory_space<vmem>>
        %dma_start3A_1316 = tpu.memref_squeeze %dma_start3A_1315 : memref<1x32x128xf32, #tpu.memory_space<vmem>> -> memref<32x128xf32, #tpu.memory_space<vmem>>
        %dma_start3A_1317 = arith.constant 0 : i32
        %dma_start3A_1318 = tpu.memref_slice %arg3[%dma_start3A_1317, %multiple_of3A_1311] : memref<32x1000000xf32, #tpu.memory_space<hbm>> -> memref<32x128xf32, #tpu.memory_space<hbm>>
        %dma_start3A_1319 = arith.constant 0 : i32
        %dma_start3A_1320 = arith.constant 0 : i32
        %dma_start3A_1321 = tpu.memref_slice %arg6[%dma_start3A_1312, %dma_start3A_1319, %dma_start3A_1320] : memref<16x32x128xf32, #tpu.memory_space<vmem>> -> memref<1x32x128xf32, #tpu.memory_space<vmem>>
        %dma_start3A_1322 = tpu.memref_squeeze %dma_start3A_1321 : memref<1x32x128xf32, #tpu.memory_space<vmem>> -> memref<32x128xf32, #tpu.memory_space<vmem>>
        %dma_start3A_1323 = arith.constant 0 : i32
        %dma_start3A_1324 = tpu.memref_slice %arg3[%dma_start3A_1323, %multiple_of3A_1311] : memref<32x1000000xf32, #tpu.memory_space<hbm>> -> memref<32x128xf32, #tpu.memory_space<hbm>>
        tpu.enqueue_dma source(%dma_start3A_1324 : memref<32x128xf32, #tpu.memory_space<hbm>>) target(%dma_start3A_1322 : memref<32x128xf32, #tpu.memory_space<vmem>>) target_semaphore(%arg8 : memref<!tpu.dma_semaphore, #tpu.memory_space<semaphore_mem>>)
      } else {
      }
      %dma_wait3A_779 = arith.constant 2 : i32
      %dma_wait3A_780 = arith.constant 0 : i32
      %dma_wait3A_781 = arith.constant 0 : i32
      %dma_wait3A_782 = tpu.memref_slice %arg6[%dma_wait3A_779, %dma_wait3A_780, %dma_wait3A_781] : memref<16x32x128xf32, #tpu.memory_space<vmem>> -> memref<1x32x128xf32, #tpu.memory_space<vmem>>
      %dma_wait3A_783 = tpu.memref_squeeze %dma_wait3A_782 : memref<1x32x128xf32, #tpu.memory_space<vmem>> -> memref<32x128xf32, #tpu.memory_space<vmem>>
      %dma_wait3A_784 = arith.constant 0 : i32
      %dma_wait3A_785 = arith.constant 0 : i32
      %dma_wait3A_786 = tpu.memref_slice %arg3[%dma_wait3A_784, %dma_wait3A_785] : memref<32x1000000xf32, #tpu.memory_space<hbm>> -> memref<32x128xf32, #tpu.memory_space<hbm>>
      %dma_wait3A_787 = arith.constant 0 : i32
      %dma_wait3A_788 = arith.constant 0 : i32
      %dma_wait3A_789 = tpu.memref_slice %arg6[%dma_wait3A_779, %dma_wait3A_787, %dma_wait3A_788] : memref<16x32x128xf32, #tpu.memory_space<vmem>> -> memref<1x32x128xf32, #tpu.memory_space<vmem>>
      %dma_wait3A_790 = tpu.memref_squeeze %dma_wait3A_789 : memref<1x32x128xf32, #tpu.memory_space<vmem>> -> memref<32x128xf32, #tpu.memory_space<vmem>>
      %dma_wait3A_791 = arith.constant 0 : i32
      %dma_wait3A_792 = arith.constant 0 : i32
      %dma_wait3A_793 = tpu.memref_slice %arg3[%dma_wait3A_791, %dma_wait3A_792] : memref<32x1000000xf32, #tpu.memory_space<hbm>> -> memref<32x128xf32, #tpu.memory_space<hbm>>
      tpu.wait_dma2 semaphore(%arg8 : memref<!tpu.dma_semaphore, #tpu.memory_space<semaphore_mem>>) src(%dma_wait3A_793 : memref<32x128xf32, #tpu.memory_space<hbm>>) dst(%dma_wait3A_790 : memref<32x128xf32, #tpu.memory_space<vmem>>)
      %slice3A_794 = vector.extract_strided_slice %select_n3A_705 {offsets = [2], sizes = [1], strides = [1]} : vector<16xi32> to vector<1xi32>
      %squeeze3A_795 = vector.extract %slice3A_794[0] : i32 from vector<1xi32>
      %broadcast_in_dim3A_796 = vector.broadcast %squeeze3A_795 : i32 to vector<16xi32>
      %add3A_797 = arith.constant 2 : i32
      %add3A_798 = arith.addi %multiple_of3A_675, %add3A_797 : i32
      %broadcast_in_dim3A_799 = vector.broadcast %add3A_798 : i32 to vector<16xi32>
      %gather3A_800 = arith.constant 2 : i32
      %gather3A_801 = arith.constant 0 : i32
      %gather3A_802 = arith.constant 0 : i32
      %gather3A_803 = tpu.memref_slice %arg6[%gather3A_800, %gather3A_801, %gather3A_802] : memref<16x32x128xf32, #tpu.memory_space<vmem>> -> memref<1x32x128xf32, #tpu.memory_space<vmem>>
      %gather3A_804 = tpu.memref_squeeze %gather3A_803 : memref<1x32x128xf32, #tpu.memory_space<vmem>> -> memref<32x128xf32, #tpu.memory_space<vmem>>
      %gather3A_805 = tpu.vector_load_idx %gather3A_804[%iota3A, %broadcast_in_dim3A_796] : memref<32x128xf32, #tpu.memory_space<vmem>>[vector<16xi32>, vector<16xi32>], vector<16xf32>,
      %gather3A_806 = arith.constant 2 : i32
      %gather3A_807 = arith.constant 0 : i32
      %gather3A_808 = arith.constant 0 : i32
      %gather3A_809 = tpu.memref_slice %arg6[%gather3A_806, %gather3A_807, %gather3A_808] : memref<16x32x128xf32, #tpu.memory_space<vmem>> -> memref<1x32x128xf32, #tpu.memory_space<vmem>>
      %gather3A_810 = tpu.memref_squeeze %gather3A_809 : memref<1x32x128xf32, #tpu.memory_space<vmem>> -> memref<32x128xf32, #tpu.memory_space<vmem>>
      %gather3A_811 = tpu.vector_load_idx %gather3A_810[%add3A_5, %broadcast_in_dim3A_796] : memref<32x128xf32, #tpu.memory_space<vmem>>[vector<16xi32>, vector<16xi32>], vector<16xf32>,
      tpu.vector_store_idx %arg7[%iota3A, %broadcast_in_dim3A_799], %gather3A_805 : memref<32x512xf32, #tpu.memory_space<vmem>>[vector<16xi32>, vector<16xi32>], vector<16xf32>,
      tpu.vector_store_idx %arg7[%add3A_5, %broadcast_in_dim3A_799], %gather3A_811 : memref<32x512xf32, #tpu.memory_space<vmem>>[vector<16xi32>, vector<16xi32>], vector<16xf32>,
      %convert_element_type3A_812 = arith.extui %lt3A_711 : i1 to i32
      %cond3A_813 = arith.constant 0 : i32
      %cond3A_814 = arith.cmpi ne, %convert_element_type3A_812, %cond3A_813 : i32
      scf.if %cond3A_814 {
        %slice3A_1283 = vector.extract_strided_slice %get3A_685 {offsets = [2], sizes = [1], strides = [1]} : vector<16xi32> to vector<1xi32>
        %squeeze3A_1284 = vector.extract %slice3A_1283[0] : i32 from vector<1xi32>
        %jit3A_1285 = arith.constant 128 : i32
        %div3A_1286 = arith.divsi %squeeze3A_1284, %jit3A_1285 : i32
        %sign3A_1287 = arith.constant 0 : i32
        %sign3A_1288 = arith.cmpi sgt, %squeeze3A_1284, %sign3A_1287 : i32
        %sign3A_1289 = arith.extui %sign3A_1288 : i1 to i32
        %sign3A_1290 = arith.constant 0 : i32
        %sign3A_1291 = arith.cmpi slt, %squeeze3A_1284, %sign3A_1290 : i32
        %sign3A_1292 = arith.extui %sign3A_1291 : i1 to i32
        %sign3A_1293 = arith.subi %sign3A_1289, %sign3A_1292 : i32
        %sign3A_1294 = arith.constant 0 : i32
        %sign3A_1295 = arith.cmpi sgt, %jit3A_1285, %sign3A_1294 : i32
        %sign3A_1296 = arith.extui %sign3A_1295 : i1 to i32
        %sign3A_1297 = arith.constant 0 : i32
        %sign3A_1298 = arith.cmpi slt, %jit3A_1285, %sign3A_1297 : i32
        %sign3A_1299 = arith.extui %sign3A_1298 : i1 to i32
        %sign3A_1300 = arith.subi %sign3A_1296, %sign3A_1299 : i32
        %ne3A_1301 = arith.cmpi ne, %sign3A_1293, %sign3A_1300 : i32
        %rem3A_1302 = arith.remsi %squeeze3A_1284, %jit3A_1285 : i32
        %ne3A_1303 = arith.constant 0 : i32
        %ne3A_1304 = arith.cmpi ne, %rem3A_1302, %ne3A_1303 : i32
        %and3A_1305 = arith.andi %ne3A_1301, %ne3A_1304 : i1
        %sub3A_1306 = arith.constant 1 : i32
        %sub3A_1307 = arith.subi %div3A_1286, %sub3A_1306 : i32
        %select_n3A_1308 = arith.select %and3A_1305, %sub3A_1307, %div3A_1286 : i32
        %mul3A_1309 = arith.constant 128 : i32
        %mul3A_1310 = arith.muli %select_n3A_1308, %mul3A_1309 : i32
        %multiple_of3A_1311 = tpu.assume_multiple %mul3A_1310, 128 : i32
        %dma_start3A_1312 = arith.constant 2 : i32
        %dma_start3A_1313 = arith.constant 0 : i32
        %dma_start3A_1314 = arith.constant 0 : i32
        %dma_start3A_1315 = tpu.memref_slice %arg6[%dma_start3A_1312, %dma_start3A_1313, %dma_start3A_1314] : memref<16x32x128xf32, #tpu.memory_space<vmem>> -> memref<1x32x128xf32, #tpu.memory_space<vmem>>
        %dma_start3A_1316 = tpu.memref_squeeze %dma_start3A_1315 : memref<1x32x128xf32, #tpu.memory_space<vmem>> -> memref<32x128xf32, #tpu.memory_space<vmem>>
        %dma_start3A_1317 = arith.constant 0 : i32
        %dma_start3A_1318 = tpu.memref_slice %arg3[%dma_start3A_1317, %multiple_of3A_1311] : memref<32x1000000xf32, #tpu.memory_space<hbm>> -> memref<32x128xf32, #tpu.memory_space<hbm>>
        %dma_start3A_1319 = arith.constant 0 : i32
        %dma_start3A_1320 = arith.constant 0 : i32
        %dma_start3A_1321 = tpu.memref_slice %arg6[%dma_start3A_1312, %dma_start3A_1319, %dma_start3A_1320] : memref<16x32x128xf32, #tpu.memory_space<vmem>> -> memref<1x32x128xf32, #tpu.memory_space<vmem>>
        %dma_start3A_1322 = tpu.memref_squeeze %dma_start3A_1321 : memref<1x32x128xf32, #tpu.memory_space<vmem>> -> memref<32x128xf32, #tpu.memory_space<vmem>>
        %dma_start3A_1323 = arith.constant 0 : i32
        %dma_start3A_1324 = tpu.memref_slice %arg3[%dma_start3A_1323, %multiple_of3A_1311] : memref<32x1000000xf32, #tpu.memory_space<hbm>> -> memref<32x128xf32, #tpu.memory_space<hbm>>
        tpu.enqueue_dma source(%dma_start3A_1324 : memref<32x128xf32, #tpu.memory_space<hbm>>) target(%dma_start3A_1322 : memref<32x128xf32, #tpu.memory_space<vmem>>) target_semaphore(%arg8 : memref<!tpu.dma_semaphore, #tpu.memory_space<semaphore_mem>>)
      } else {
      }
      %dma_wait3A_815 = arith.constant 3 : i32
      %dma_wait3A_816 = arith.constant 0 : i32
      %dma_wait3A_817 = arith.constant 0 : i32
      %dma_wait3A_818 = tpu.memref_slice %arg6[%dma_wait3A_815, %dma_wait3A_816, %dma_wait3A_817] : memref<16x32x128xf32, #tpu.memory_space<vmem>> -> memref<1x32x128xf32, #tpu.memory_space<vmem>>
      %dma_wait3A_819 = tpu.memref_squeeze %dma_wait3A_818 : memref<1x32x128xf32, #tpu.memory_space<vmem>> -> memref<32x128xf32, #tpu.memory_space<vmem>>
      %dma_wait3A_820 = arith.constant 0 : i32
      %dma_wait3A_821 = arith.constant 0 : i32
      %dma_wait3A_822 = tpu.memref_slice %arg3[%dma_wait3A_820, %dma_wait3A_821] : memref<32x1000000xf32, #tpu.memory_space<hbm>> -> memref<32x128xf32, #tpu.memory_space<hbm>>
      %dma_wait3A_823 = arith.constant 0 : i32
      %dma_wait3A_824 = arith.constant 0 : i32
      %dma_wait3A_825 = tpu.memref_slice %arg6[%dma_wait3A_815, %dma_wait3A_823, %dma_wait3A_824] : memref<16x32x128xf32, #tpu.memory_space<vmem>> -> memref<1x32x128xf32, #tpu.memory_space<vmem>>
      %dma_wait3A_826 = tpu.memref_squeeze %dma_wait3A_825 : memref<1x32x128xf32, #tpu.memory_space<vmem>> -> memref<32x128xf32, #tpu.memory_space<vmem>>
      %dma_wait3A_827 = arith.constant 0 : i32
      %dma_wait3A_828 = arith.constant 0 : i32
      %dma_wait3A_829 = tpu.memref_slice %arg3[%dma_wait3A_827, %dma_wait3A_828] : memref<32x1000000xf32, #tpu.memory_space<hbm>> -> memref<32x128xf32, #tpu.memory_space<hbm>>
      tpu.wait_dma2 semaphore(%arg8 : memref<!tpu.dma_semaphore, #tpu.memory_space<semaphore_mem>>) src(%dma_wait3A_829 : memref<32x128xf32, #tpu.memory_space<hbm>>) dst(%dma_wait3A_826 : memref<32x128xf32, #tpu.memory_space<vmem>>)
      %slice3A_830 = vector.extract_strided_slice %select_n3A_705 {offsets = [3], sizes = [1], strides = [1]} : vector<16xi32> to vector<1xi32>
      %squeeze3A_831 = vector.extract %slice3A_830[0] : i32 from vector<1xi32>
      %broadcast_in_dim3A_832 = vector.broadcast %squeeze3A_831 : i32 to vector<16xi32>
      %add3A_833 = arith.constant 3 : i32
      %add3A_834 = arith.addi %multiple_of3A_675, %add3A_833 : i32
      %broadcast_in_dim3A_835 = vector.broadcast %add3A_834 : i32 to vector<16xi32>
      %gather3A_836 = arith.constant 3 : i32
      %gather3A_837 = arith.constant 0 : i32
      %gather3A_838 = arith.constant 0 : i32
      %gather3A_839 = tpu.memref_slice %arg6[%gather3A_836, %gather3A_837, %gather3A_838] : memref<16x32x128xf32, #tpu.memory_space<vmem>> -> memref<1x32x128xf32, #tpu.memory_space<vmem>>
      %gather3A_840 = tpu.memref_squeeze %gather3A_839 : memref<1x32x128xf32, #tpu.memory_space<vmem>> -> memref<32x128xf32, #tpu.memory_space<vmem>>
      %gather3A_841 = tpu.vector_load_idx %gather3A_840[%iota3A, %broadcast_in_dim3A_832] : memref<32x128xf32, #tpu.memory_space<vmem>>[vector<16xi32>, vector<16xi32>], vector<16xf32>,
      %gather3A_842 = arith.constant 3 : i32
      %gather3A_843 = arith.constant 0 : i32
      %gather3A_844 = arith.constant 0 : i32
      %gather3A_845 = tpu.memref_slice %arg6[%gather3A_842, %gather3A_843, %gather3A_844] : memref<16x32x128xf32, #tpu.memory_space<vmem>> -> memref<1x32x128xf32, #tpu.memory_space<vmem>>
      %gather3A_846 = tpu.memref_squeeze %gather3A_845 : memref<1x32x128xf32, #tpu.memory_space<vmem>> -> memref<32x128xf32, #tpu.memory_space<vmem>>
      %gather3A_847 = tpu.vector_load_idx %gather3A_846[%add3A_5, %broadcast_in_dim3A_832] : memref<32x128xf32, #tpu.memory_space<vmem>>[vector<16xi32>, vector<16xi32>], vector<16xf32>,
      tpu.vector_store_idx %arg7[%iota3A, %broadcast_in_dim3A_835], %gather3A_841 : memref<32x512xf32, #tpu.memory_space<vmem>>[vector<16xi32>, vector<16xi32>], vector<16xf32>,
      tpu.vector_store_idx %arg7[%add3A_5, %broadcast_in_dim3A_835], %gather3A_847 : memref<32x512xf32, #tpu.memory_space<vmem>>[vector<16xi32>, vector<16xi32>], vector<16xf32>,
      %convert_element_type3A_848 = arith.extui %lt3A_711 : i1 to i32
      %cond3A_849 = arith.constant 0 : i32
      %cond3A_850 = arith.cmpi ne, %convert_element_type3A_848, %cond3A_849 : i32
      scf.if %cond3A_850 {
        %slice3A_1283 = vector.extract_strided_slice %get3A_685 {offsets = [3], sizes = [1], strides = [1]} : vector<16xi32> to vector<1xi32>
        %squeeze3A_1284 = vector.extract %slice3A_1283[0] : i32 from vector<1xi32>
        %jit3A_1285 = arith.constant 128 : i32
        %div3A_1286 = arith.divsi %squeeze3A_1284, %jit3A_1285 : i32
        %sign3A_1287 = arith.constant 0 : i32
        %sign3A_1288 = arith.cmpi sgt, %squeeze3A_1284, %sign3A_1287 : i32
        %sign3A_1289 = arith.extui %sign3A_1288 : i1 to i32
        %sign3A_1290 = arith.constant 0 : i32
        %sign3A_1291 = arith.cmpi slt, %squeeze3A_1284, %sign3A_1290 : i32
        %sign3A_1292 = arith.extui %sign3A_1291 : i1 to i32
        %sign3A_1293 = arith.subi %sign3A_1289, %sign3A_1292 : i32
        %sign3A_1294 = arith.constant 0 : i32
        %sign3A_1295 = arith.cmpi sgt, %jit3A_1285, %sign3A_1294 : i32
        %sign3A_1296 = arith.extui %sign3A_1295 : i1 to i32
        %sign3A_1297 = arith.constant 0 : i32
        %sign3A_1298 = arith.cmpi slt, %jit3A_1285, %sign3A_1297 : i32
        %sign3A_1299 = arith.extui %sign3A_1298 : i1 to i32
        %sign3A_1300 = arith.subi %sign3A_1296, %sign3A_1299 : i32
        %ne3A_1301 = arith.cmpi ne, %sign3A_1293, %sign3A_1300 : i32
        %rem3A_1302 = arith.remsi %squeeze3A_1284, %jit3A_1285 : i32
        %ne3A_1303 = arith.constant 0 : i32
        %ne3A_1304 = arith.cmpi ne, %rem3A_1302, %ne3A_1303 : i32
        %and3A_1305 = arith.andi %ne3A_1301, %ne3A_1304 : i1
        %sub3A_1306 = arith.constant 1 : i32
        %sub3A_1307 = arith.subi %div3A_1286, %sub3A_1306 : i32
        %select_n3A_1308 = arith.select %and3A_1305, %sub3A_1307, %div3A_1286 : i32
        %mul3A_1309 = arith.constant 128 : i32
        %mul3A_1310 = arith.muli %select_n3A_1308, %mul3A_1309 : i32
        %multiple_of3A_1311 = tpu.assume_multiple %mul3A_1310, 128 : i32
        %dma_start3A_1312 = arith.constant 3 : i32
        %dma_start3A_1313 = arith.constant 0 : i32
        %dma_start3A_1314 = arith.constant 0 : i32
        %dma_start3A_1315 = tpu.memref_slice %arg6[%dma_start3A_1312, %dma_start3A_1313, %dma_start3A_1314] : memref<16x32x128xf32, #tpu.memory_space<vmem>> -> memref<1x32x128xf32, #tpu.memory_space<vmem>>
        %dma_start3A_1316 = tpu.memref_squeeze %dma_start3A_1315 : memref<1x32x128xf32, #tpu.memory_space<vmem>> -> memref<32x128xf32, #tpu.memory_space<vmem>>
        %dma_start3A_1317 = arith.constant 0 : i32
        %dma_start3A_1318 = tpu.memref_slice %arg3[%dma_start3A_1317, %multiple_of3A_1311] : memref<32x1000000xf32, #tpu.memory_space<hbm>> -> memref<32x128xf32, #tpu.memory_space<hbm>>
        %dma_start3A_1319 = arith.constant 0 : i32
        %dma_start3A_1320 = arith.constant 0 : i32
        %dma_start3A_1321 = tpu.memref_slice %arg6[%dma_start3A_1312, %dma_start3A_1319, %dma_start3A_1320] : memref<16x32x128xf32, #tpu.memory_space<vmem>> -> memref<1x32x128xf32, #tpu.memory_space<vmem>>
        %dma_start3A_1322 = tpu.memref_squeeze %dma_start3A_1321 : memref<1x32x128xf32, #tpu.memory_space<vmem>> -> memref<32x128xf32, #tpu.memory_space<vmem>>
        %dma_start3A_1323 = arith.constant 0 : i32
        %dma_start3A_1324 = tpu.memref_slice %arg3[%dma_start3A_1323, %multiple_of3A_1311] : memref<32x1000000xf32, #tpu.memory_space<hbm>> -> memref<32x128xf32, #tpu.memory_space<hbm>>
        tpu.enqueue_dma source(%dma_start3A_1324 : memref<32x128xf32, #tpu.memory_space<hbm>>) target(%dma_start3A_1322 : memref<32x128xf32, #tpu.memory_space<vmem>>) target_semaphore(%arg8 : memref<!tpu.dma_semaphore, #tpu.memory_space<semaphore_mem>>)
      } else {
      }
      %dma_wait3A_851 = arith.constant 4 : i32
      %dma_wait3A_852 = arith.constant 0 : i32
      %dma_wait3A_853 = arith.constant 0 : i32
      %dma_wait3A_854 = tpu.memref_slice %arg6[%dma_wait3A_851, %dma_wait3A_852, %dma_wait3A_853] : memref<16x32x128xf32, #tpu.memory_space<vmem>> -> memref<1x32x128xf32, #tpu.memory_space<vmem>>
      %dma_wait3A_855 = tpu.memref_squeeze %dma_wait3A_854 : memref<1x32x128xf32, #tpu.memory_space<vmem>> -> memref<32x128xf32, #tpu.memory_space<vmem>>
      %dma_wait3A_856 = arith.constant 0 : i32
      %dma_wait3A_857 = arith.constant 0 : i32
      %dma_wait3A_858 = tpu.memref_slice %arg3[%dma_wait3A_856, %dma_wait3A_857] : memref<32x1000000xf32, #tpu.memory_space<hbm>> -> memref<32x128xf32, #tpu.memory_space<hbm>>
      %dma_wait3A_859 = arith.constant 0 : i32
      %dma_wait3A_860 = arith.constant 0 : i32
      %dma_wait3A_861 = tpu.memref_slice %arg6[%dma_wait3A_851, %dma_wait3A_859, %dma_wait3A_860] : memref<16x32x128xf32, #tpu.memory_space<vmem>> -> memref<1x32x128xf32, #tpu.memory_space<vmem>>
      %dma_wait3A_862 = tpu.memref_squeeze %dma_wait3A_861 : memref<1x32x128xf32, #tpu.memory_space<vmem>> -> memref<32x128xf32, #tpu.memory_space<vmem>>
      %dma_wait3A_863 = arith.constant 0 : i32
      %dma_wait3A_864 = arith.constant 0 : i32
      %dma_wait3A_865 = tpu.memref_slice %arg3[%dma_wait3A_863, %dma_wait3A_864] : memref<32x1000000xf32, #tpu.memory_space<hbm>> -> memref<32x128xf32, #tpu.memory_space<hbm>>
      tpu.wait_dma2 semaphore(%arg8 : memref<!tpu.dma_semaphore, #tpu.memory_space<semaphore_mem>>) src(%dma_wait3A_865 : memref<32x128xf32, #tpu.memory_space<hbm>>) dst(%dma_wait3A_862 : memref<32x128xf32, #tpu.memory_space<vmem>>)
      %slice3A_866 = vector.extract_strided_slice %select_n3A_705 {offsets = [4], sizes = [1], strides = [1]} : vector<16xi32> to vector<1xi32>
      %squeeze3A_867 = vector.extract %slice3A_866[0] : i32 from vector<1xi32>
      %broadcast_in_dim3A_868 = vector.broadcast %squeeze3A_867 : i32 to vector<16xi32>
      %add3A_869 = arith.constant 4 : i32
      %add3A_870 = arith.addi %multiple_of3A_675, %add3A_869 : i32
      %broadcast_in_dim3A_871 = vector.broadcast %add3A_870 : i32 to vector<16xi32>
      %gather3A_872 = arith.constant 4 : i32
      %gather3A_873 = arith.constant 0 : i32
      %gather3A_874 = arith.constant 0 : i32
      %gather3A_875 = tpu.memref_slice %arg6[%gather3A_872, %gather3A_873, %gather3A_874] : memref<16x32x128xf32, #tpu.memory_space<vmem>> -> memref<1x32x128xf32, #tpu.memory_space<vmem>>
      %gather3A_876 = tpu.memref_squeeze %gather3A_875 : memref<1x32x128xf32, #tpu.memory_space<vmem>> -> memref<32x128xf32, #tpu.memory_space<vmem>>
      %gather3A_877 = tpu.vector_load_idx %gather3A_876[%iota3A, %broadcast_in_dim3A_868] : memref<32x128xf32, #tpu.memory_space<vmem>>[vector<16xi32>, vector<16xi32>], vector<16xf32>,
      %gather3A_878 = arith.constant 4 : i32
      %gather3A_879 = arith.constant 0 : i32
      %gather3A_880 = arith.constant 0 : i32
      %gather3A_881 = tpu.memref_slice %arg6[%gather3A_878, %gather3A_879, %gather3A_880] : memref<16x32x128xf32, #tpu.memory_space<vmem>> -> memref<1x32x128xf32, #tpu.memory_space<vmem>>
      %gather3A_882 = tpu.memref_squeeze %gather3A_881 : memref<1x32x128xf32, #tpu.memory_space<vmem>> -> memref<32x128xf32, #tpu.memory_space<vmem>>
      %gather3A_883 = tpu.vector_load_idx %gather3A_882[%add3A_5, %broadcast_in_dim3A_868] : memref<32x128xf32, #tpu.memory_space<vmem>>[vector<16xi32>, vector<16xi32>], vector<16xf32>,
      tpu.vector_store_idx %arg7[%iota3A, %broadcast_in_dim3A_871], %gather3A_877 : memref<32x512xf32, #tpu.memory_space<vmem>>[vector<16xi32>, vector<16xi32>], vector<16xf32>,
      tpu.vector_store_idx %arg7[%add3A_5, %broadcast_in_dim3A_871], %gather3A_883 : memref<32x512xf32, #tpu.memory_space<vmem>>[vector<16xi32>, vector<16xi32>], vector<16xf32>,
      %convert_element_type3A_884 = arith.extui %lt3A_711 : i1 to i32
      %cond3A_885 = arith.constant 0 : i32
      %cond3A_886 = arith.cmpi ne, %convert_element_type3A_884, %cond3A_885 : i32
      scf.if %cond3A_886 {
        %slice3A_1283 = vector.extract_strided_slice %get3A_685 {offsets = [4], sizes = [1], strides = [1]} : vector<16xi32> to vector<1xi32>
        %squeeze3A_1284 = vector.extract %slice3A_1283[0] : i32 from vector<1xi32>
        %jit3A_1285 = arith.constant 128 : i32
        %div3A_1286 = arith.divsi %squeeze3A_1284, %jit3A_1285 : i32
        %sign3A_1287 = arith.constant 0 : i32
        %sign3A_1288 = arith.cmpi sgt, %squeeze3A_1284, %sign3A_1287 : i32
        %sign3A_1289 = arith.extui %sign3A_1288 : i1 to i32
        %sign3A_1290 = arith.constant 0 : i32
        %sign3A_1291 = arith.cmpi slt, %squeeze3A_1284, %sign3A_1290 : i32
        %sign3A_1292 = arith.extui %sign3A_1291 : i1 to i32
        %sign3A_1293 = arith.subi %sign3A_1289, %sign3A_1292 : i32
        %sign3A_1294 = arith.constant 0 : i32
        %sign3A_1295 = arith.cmpi sgt, %jit3A_1285, %sign3A_1294 : i32
        %sign3A_1296 = arith.extui %sign3A_1295 : i1 to i32
        %sign3A_1297 = arith.constant 0 : i32
        %sign3A_1298 = arith.cmpi slt, %jit3A_1285, %sign3A_1297 : i32
        %sign3A_1299 = arith.extui %sign3A_1298 : i1 to i32
        %sign3A_1300 = arith.subi %sign3A_1296, %sign3A_1299 : i32
        %ne3A_1301 = arith.cmpi ne, %sign3A_1293, %sign3A_1300 : i32
        %rem3A_1302 = arith.remsi %squeeze3A_1284, %jit3A_1285 : i32
        %ne3A_1303 = arith.constant 0 : i32
        %ne3A_1304 = arith.cmpi ne, %rem3A_1302, %ne3A_1303 : i32
        %and3A_1305 = arith.andi %ne3A_1301, %ne3A_1304 : i1
        %sub3A_1306 = arith.constant 1 : i32
        %sub3A_1307 = arith.subi %div3A_1286, %sub3A_1306 : i32
        %select_n3A_1308 = arith.select %and3A_1305, %sub3A_1307, %div3A_1286 : i32
        %mul3A_1309 = arith.constant 128 : i32
        %mul3A_1310 = arith.muli %select_n3A_1308, %mul3A_1309 : i32
        %multiple_of3A_1311 = tpu.assume_multiple %mul3A_1310, 128 : i32
        %dma_start3A_1312 = arith.constant 4 : i32
        %dma_start3A_1313 = arith.constant 0 : i32
        %dma_start3A_1314 = arith.constant 0 : i32
        %dma_start3A_1315 = tpu.memref_slice %arg6[%dma_start3A_1312, %dma_start3A_1313, %dma_start3A_1314] : memref<16x32x128xf32, #tpu.memory_space<vmem>> -> memref<1x32x128xf32, #tpu.memory_space<vmem>>
        %dma_start3A_1316 = tpu.memref_squeeze %dma_start3A_1315 : memref<1x32x128xf32, #tpu.memory_space<vmem>> -> memref<32x128xf32, #tpu.memory_space<vmem>>
        %dma_start3A_1317 = arith.constant 0 : i32
        %dma_start3A_1318 = tpu.memref_slice %arg3[%dma_start3A_1317, %multiple_of3A_1311] : memref<32x1000000xf32, #tpu.memory_space<hbm>> -> memref<32x128xf32, #tpu.memory_space<hbm>>
        %dma_start3A_1319 = arith.constant 0 : i32
        %dma_start3A_1320 = arith.constant 0 : i32
        %dma_start3A_1321 = tpu.memref_slice %arg6[%dma_start3A_1312, %dma_start3A_1319, %dma_start3A_1320] : memref<16x32x128xf32, #tpu.memory_space<vmem>> -> memref<1x32x128xf32, #tpu.memory_space<vmem>>
        %dma_start3A_1322 = tpu.memref_squeeze %dma_start3A_1321 : memref<1x32x128xf32, #tpu.memory_space<vmem>> -> memref<32x128xf32, #tpu.memory_space<vmem>>
        %dma_start3A_1323 = arith.constant 0 : i32
        %dma_start3A_1324 = tpu.memref_slice %arg3[%dma_start3A_1323, %multiple_of3A_1311] : memref<32x1000000xf32, #tpu.memory_space<hbm>> -> memref<32x128xf32, #tpu.memory_space<hbm>>
        tpu.enqueue_dma source(%dma_start3A_1324 : memref<32x128xf32, #tpu.memory_space<hbm>>) target(%dma_start3A_1322 : memref<32x128xf32, #tpu.memory_space<vmem>>) target_semaphore(%arg8 : memref<!tpu.dma_semaphore, #tpu.memory_space<semaphore_mem>>)
      } else {
      }
      %dma_wait3A_887 = arith.constant 5 : i32
      %dma_wait3A_888 = arith.constant 0 : i32
      %dma_wait3A_889 = arith.constant 0 : i32
      %dma_wait3A_890 = tpu.memref_slice %arg6[%dma_wait3A_887, %dma_wait3A_888, %dma_wait3A_889] : memref<16x32x128xf32, #tpu.memory_space<vmem>> -> memref<1x32x128xf32, #tpu.memory_space<vmem>>
      %dma_wait3A_891 = tpu.memref_squeeze %dma_wait3A_890 : memref<1x32x128xf32, #tpu.memory_space<vmem>> -> memref<32x128xf32, #tpu.memory_space<vmem>>
      %dma_wait3A_892 = arith.constant 0 : i32
      %dma_wait3A_893 = arith.constant 0 : i32
      %dma_wait3A_894 = tpu.memref_slice %arg3[%dma_wait3A_892, %dma_wait3A_893] : memref<32x1000000xf32, #tpu.memory_space<hbm>> -> memref<32x128xf32, #tpu.memory_space<hbm>>
      %dma_wait3A_895 = arith.constant 0 : i32
      %dma_wait3A_896 = arith.constant 0 : i32
      %dma_wait3A_897 = tpu.memref_slice %arg6[%dma_wait3A_887, %dma_wait3A_895, %dma_wait3A_896] : memref<16x32x128xf32, #tpu.memory_space<vmem>> -> memref<1x32x128xf32, #tpu.memory_space<vmem>>
      %dma_wait3A_898 = tpu.memref_squeeze %dma_wait3A_897 : memref<1x32x128xf32, #tpu.memory_space<vmem>> -> memref<32x128xf32, #tpu.memory_space<vmem>>
      %dma_wait3A_899 = arith.constant 0 : i32
      %dma_wait3A_900 = arith.constant 0 : i32
      %dma_wait3A_901 = tpu.memref_slice %arg3[%dma_wait3A_899, %dma_wait3A_900] : memref<32x1000000xf32, #tpu.memory_space<hbm>> -> memref<32x128xf32, #tpu.memory_space<hbm>>
      tpu.wait_dma2 semaphore(%arg8 : memref<!tpu.dma_semaphore, #tpu.memory_space<semaphore_mem>>) src(%dma_wait3A_901 : memref<32x128xf32, #tpu.memory_space<hbm>>) dst(%dma_wait3A_898 : memref<32x128xf32, #tpu.memory_space<vmem>>)
      %slice3A_902 = vector.extract_strided_slice %select_n3A_705 {offsets = [5], sizes = [1], strides = [1]} : vector<16xi32> to vector<1xi32>
      %squeeze3A_903 = vector.extract %slice3A_902[0] : i32 from vector<1xi32>
      %broadcast_in_dim3A_904 = vector.broadcast %squeeze3A_903 : i32 to vector<16xi32>
      %add3A_905 = arith.constant 5 : i32
      %add3A_906 = arith.addi %multiple_of3A_675, %add3A_905 : i32
      %broadcast_in_dim3A_907 = vector.broadcast %add3A_906 : i32 to vector<16xi32>
      %gather3A_908 = arith.constant 5 : i32
      %gather3A_909 = arith.constant 0 : i32
      %gather3A_910 = arith.constant 0 : i32
      %gather3A_911 = tpu.memref_slice %arg6[%gather3A_908, %gather3A_909, %gather3A_910] : memref<16x32x128xf32, #tpu.memory_space<vmem>> -> memref<1x32x128xf32, #tpu.memory_space<vmem>>
      %gather3A_912 = tpu.memref_squeeze %gather3A_911 : memref<1x32x128xf32, #tpu.memory_space<vmem>> -> memref<32x128xf32, #tpu.memory_space<vmem>>
      %gather3A_913 = tpu.vector_load_idx %gather3A_912[%iota3A, %broadcast_in_dim3A_904] : memref<32x128xf32, #tpu.memory_space<vmem>>[vector<16xi32>, vector<16xi32>], vector<16xf32>,
      %gather3A_914 = arith.constant 5 : i32
      %gather3A_915 = arith.constant 0 : i32
      %gather3A_916 = arith.constant 0 : i32
      %gather3A_917 = tpu.memref_slice %arg6[%gather3A_914, %gather3A_915, %gather3A_916] : memref<16x32x128xf32, #tpu.memory_space<vmem>> -> memref<1x32x128xf32, #tpu.memory_space<vmem>>
      %gather3A_918 = tpu.memref_squeeze %gather3A_917 : memref<1x32x128xf32, #tpu.memory_space<vmem>> -> memref<32x128xf32, #tpu.memory_space<vmem>>
      %gather3A_919 = tpu.vector_load_idx %gather3A_918[%add3A_5, %broadcast_in_dim3A_904] : memref<32x128xf32, #tpu.memory_space<vmem>>[vector<16xi32>, vector<16xi32>], vector<16xf32>,
      tpu.vector_store_idx %arg7[%iota3A, %broadcast_in_dim3A_907], %gather3A_913 : memref<32x512xf32, #tpu.memory_space<vmem>>[vector<16xi32>, vector<16xi32>], vector<16xf32>,
      tpu.vector_store_idx %arg7[%add3A_5, %broadcast_in_dim3A_907], %gather3A_919 : memref<32x512xf32, #tpu.memory_space<vmem>>[vector<16xi32>, vector<16xi32>], vector<16xf32>,
      %convert_element_type3A_920 = arith.extui %lt3A_711 : i1 to i32
      %cond3A_921 = arith.constant 0 : i32
      %cond3A_922 = arith.cmpi ne, %convert_element_type3A_920, %cond3A_921 : i32
      scf.if %cond3A_922 {
        %slice3A_1283 = vector.extract_strided_slice %get3A_685 {offsets = [5], sizes = [1], strides = [1]} : vector<16xi32> to vector<1xi32>
        %squeeze3A_1284 = vector.extract %slice3A_1283[0] : i32 from vector<1xi32>
        %jit3A_1285 = arith.constant 128 : i32
        %div3A_1286 = arith.divsi %squeeze3A_1284, %jit3A_1285 : i32
        %sign3A_1287 = arith.constant 0 : i32
        %sign3A_1288 = arith.cmpi sgt, %squeeze3A_1284, %sign3A_1287 : i32
        %sign3A_1289 = arith.extui %sign3A_1288 : i1 to i32
        %sign3A_1290 = arith.constant 0 : i32
        %sign3A_1291 = arith.cmpi slt, %squeeze3A_1284, %sign3A_1290 : i32
        %sign3A_1292 = arith.extui %sign3A_1291 : i1 to i32
        %sign3A_1293 = arith.subi %sign3A_1289, %sign3A_1292 : i32
        %sign3A_1294 = arith.constant 0 : i32
        %sign3A_1295 = arith.cmpi sgt, %jit3A_1285, %sign3A_1294 : i32
        %sign3A_1296 = arith.extui %sign3A_1295 : i1 to i32
        %sign3A_1297 = arith.constant 0 : i32
        %sign3A_1298 = arith.cmpi slt, %jit3A_1285, %sign3A_1297 : i32
        %sign3A_1299 = arith.extui %sign3A_1298 : i1 to i32
        %sign3A_1300 = arith.subi %sign3A_1296, %sign3A_1299 : i32
        %ne3A_1301 = arith.cmpi ne, %sign3A_1293, %sign3A_1300 : i32
        %rem3A_1302 = arith.remsi %squeeze3A_1284, %jit3A_1285 : i32
        %ne3A_1303 = arith.constant 0 : i32
        %ne3A_1304 = arith.cmpi ne, %rem3A_1302, %ne3A_1303 : i32
        %and3A_1305 = arith.andi %ne3A_1301, %ne3A_1304 : i1
        %sub3A_1306 = arith.constant 1 : i32
        %sub3A_1307 = arith.subi %div3A_1286, %sub3A_1306 : i32
        %select_n3A_1308 = arith.select %and3A_1305, %sub3A_1307, %div3A_1286 : i32
        %mul3A_1309 = arith.constant 128 : i32
        %mul3A_1310 = arith.muli %select_n3A_1308, %mul3A_1309 : i32
        %multiple_of3A_1311 = tpu.assume_multiple %mul3A_1310, 128 : i32
        %dma_start3A_1312 = arith.constant 5 : i32
        %dma_start3A_1313 = arith.constant 0 : i32
        %dma_start3A_1314 = arith.constant 0 : i32
        %dma_start3A_1315 = tpu.memref_slice %arg6[%dma_start3A_1312, %dma_start3A_1313, %dma_start3A_1314] : memref<16x32x128xf32, #tpu.memory_space<vmem>> -> memref<1x32x128xf32, #tpu.memory_space<vmem>>
        %dma_start3A_1316 = tpu.memref_squeeze %dma_start3A_1315 : memref<1x32x128xf32, #tpu.memory_space<vmem>> -> memref<32x128xf32, #tpu.memory_space<vmem>>
        %dma_start3A_1317 = arith.constant 0 : i32
        %dma_start3A_1318 = tpu.memref_slice %arg3[%dma_start3A_1317, %multiple_of3A_1311] : memref<32x1000000xf32, #tpu.memory_space<hbm>> -> memref<32x128xf32, #tpu.memory_space<hbm>>
        %dma_start3A_1319 = arith.constant 0 : i32
        %dma_start3A_1320 = arith.constant 0 : i32
        %dma_start3A_1321 = tpu.memref_slice %arg6[%dma_start3A_1312, %dma_start3A_1319, %dma_start3A_1320] : memref<16x32x128xf32, #tpu.memory_space<vmem>> -> memref<1x32x128xf32, #tpu.memory_space<vmem>>
        %dma_start3A_1322 = tpu.memref_squeeze %dma_start3A_1321 : memref<1x32x128xf32, #tpu.memory_space<vmem>> -> memref<32x128xf32, #tpu.memory_space<vmem>>
        %dma_start3A_1323 = arith.constant 0 : i32
        %dma_start3A_1324 = tpu.memref_slice %arg3[%dma_start3A_1323, %multiple_of3A_1311] : memref<32x1000000xf32, #tpu.memory_space<hbm>> -> memref<32x128xf32, #tpu.memory_space<hbm>>
        tpu.enqueue_dma source(%dma_start3A_1324 : memref<32x128xf32, #tpu.memory_space<hbm>>) target(%dma_start3A_1322 : memref<32x128xf32, #tpu.memory_space<vmem>>) target_semaphore(%arg8 : memref<!tpu.dma_semaphore, #tpu.memory_space<semaphore_mem>>)
      } else {
      }
      %dma_wait3A_923 = arith.constant 6 : i32
      %dma_wait3A_924 = arith.constant 0 : i32
      %dma_wait3A_925 = arith.constant 0 : i32
      %dma_wait3A_926 = tpu.memref_slice %arg6[%dma_wait3A_923, %dma_wait3A_924, %dma_wait3A_925] : memref<16x32x128xf32, #tpu.memory_space<vmem>> -> memref<1x32x128xf32, #tpu.memory_space<vmem>>
      %dma_wait3A_927 = tpu.memref_squeeze %dma_wait3A_926 : memref<1x32x128xf32, #tpu.memory_space<vmem>> -> memref<32x128xf32, #tpu.memory_space<vmem>>
      %dma_wait3A_928 = arith.constant 0 : i32
      %dma_wait3A_929 = arith.constant 0 : i32
      %dma_wait3A_930 = tpu.memref_slice %arg3[%dma_wait3A_928, %dma_wait3A_929] : memref<32x1000000xf32, #tpu.memory_space<hbm>> -> memref<32x128xf32, #tpu.memory_space<hbm>>
      %dma_wait3A_931 = arith.constant 0 : i32
      %dma_wait3A_932 = arith.constant 0 : i32
      %dma_wait3A_933 = tpu.memref_slice %arg6[%dma_wait3A_923, %dma_wait3A_931, %dma_wait3A_932] : memref<16x32x128xf32, #tpu.memory_space<vmem>> -> memref<1x32x128xf32, #tpu.memory_space<vmem>>
      %dma_wait3A_934 = tpu.memref_squeeze %dma_wait3A_933 : memref<1x32x128xf32, #tpu.memory_space<vmem>> -> memref<32x128xf32, #tpu.memory_space<vmem>>
      %dma_wait3A_935 = arith.constant 0 : i32
      %dma_wait3A_936 = arith.constant 0 : i32
      %dma_wait3A_937 = tpu.memref_slice %arg3[%dma_wait3A_935, %dma_wait3A_936] : memref<32x1000000xf32, #tpu.memory_space<hbm>> -> memref<32x128xf32, #tpu.memory_space<hbm>>
      tpu.wait_dma2 semaphore(%arg8 : memref<!tpu.dma_semaphore, #tpu.memory_space<semaphore_mem>>) src(%dma_wait3A_937 : memref<32x128xf32, #tpu.memory_space<hbm>>) dst(%dma_wait3A_934 : memref<32x128xf32, #tpu.memory_space<vmem>>)
      %slice3A_938 = vector.extract_strided_slice %select_n3A_705 {offsets = [6], sizes = [1], strides = [1]} : vector<16xi32> to vector<1xi32>
      %squeeze3A_939 = vector.extract %slice3A_938[0] : i32 from vector<1xi32>
      %broadcast_in_dim3A_940 = vector.broadcast %squeeze3A_939 : i32 to vector<16xi32>
      %add3A_941 = arith.constant 6 : i32
      %add3A_942 = arith.addi %multiple_of3A_675, %add3A_941 : i32
      %broadcast_in_dim3A_943 = vector.broadcast %add3A_942 : i32 to vector<16xi32>
      %gather3A_944 = arith.constant 6 : i32
      %gather3A_945 = arith.constant 0 : i32
      %gather3A_946 = arith.constant 0 : i32
      %gather3A_947 = tpu.memref_slice %arg6[%gather3A_944, %gather3A_945, %gather3A_946] : memref<16x32x128xf32, #tpu.memory_space<vmem>> -> memref<1x32x128xf32, #tpu.memory_space<vmem>>
      %gather3A_948 = tpu.memref_squeeze %gather3A_947 : memref<1x32x128xf32, #tpu.memory_space<vmem>> -> memref<32x128xf32, #tpu.memory_space<vmem>>
      %gather3A_949 = tpu.vector_load_idx %gather3A_948[%iota3A, %broadcast_in_dim3A_940] : memref<32x128xf32, #tpu.memory_space<vmem>>[vector<16xi32>, vector<16xi32>], vector<16xf32>,
      %gather3A_950 = arith.constant 6 : i32
      %gather3A_951 = arith.constant 0 : i32
      %gather3A_952 = arith.constant 0 : i32
      %gather3A_953 = tpu.memref_slice %arg6[%gather3A_950, %gather3A_951, %gather3A_952] : memref<16x32x128xf32, #tpu.memory_space<vmem>> -> memref<1x32x128xf32, #tpu.memory_space<vmem>>
      %gather3A_954 = tpu.memref_squeeze %gather3A_953 : memref<1x32x128xf32, #tpu.memory_space<vmem>> -> memref<32x128xf32, #tpu.memory_space<vmem>>
      %gather3A_955 = tpu.vector_load_idx %gather3A_954[%add3A_5, %broadcast_in_dim3A_940] : memref<32x128xf32, #tpu.memory_space<vmem>>[vector<16xi32>, vector<16xi32>], vector<16xf32>,
      tpu.vector_store_idx %arg7[%iota3A, %broadcast_in_dim3A_943], %gather3A_949 : memref<32x512xf32, #tpu.memory_space<vmem>>[vector<16xi32>, vector<16xi32>], vector<16xf32>,
      tpu.vector_store_idx %arg7[%add3A_5, %broadcast_in_dim3A_943], %gather3A_955 : memref<32x512xf32, #tpu.memory_space<vmem>>[vector<16xi32>, vector<16xi32>], vector<16xf32>,
      %convert_element_type3A_956 = arith.extui %lt3A_711 : i1 to i32
      %cond3A_957 = arith.constant 0 : i32
      %cond3A_958 = arith.cmpi ne, %convert_element_type3A_956, %cond3A_957 : i32
      scf.if %cond3A_958 {
        %slice3A_1283 = vector.extract_strided_slice %get3A_685 {offsets = [6], sizes = [1], strides = [1]} : vector<16xi32> to vector<1xi32>
        %squeeze3A_1284 = vector.extract %slice3A_1283[0] : i32 from vector<1xi32>
        %jit3A_1285 = arith.constant 128 : i32
        %div3A_1286 = arith.divsi %squeeze3A_1284, %jit3A_1285 : i32
        %sign3A_1287 = arith.constant 0 : i32
        %sign3A_1288 = arith.cmpi sgt, %squeeze3A_1284, %sign3A_1287 : i32
        %sign3A_1289 = arith.extui %sign3A_1288 : i1 to i32
        %sign3A_1290 = arith.constant 0 : i32
        %sign3A_1291 = arith.cmpi slt, %squeeze3A_1284, %sign3A_1290 : i32
        %sign3A_1292 = arith.extui %sign3A_1291 : i1 to i32
        %sign3A_1293 = arith.subi %sign3A_1289, %sign3A_1292 : i32
        %sign3A_1294 = arith.constant 0 : i32
        %sign3A_1295 = arith.cmpi sgt, %jit3A_1285, %sign3A_1294 : i32
        %sign3A_1296 = arith.extui %sign3A_1295 : i1 to i32
        %sign3A_1297 = arith.constant 0 : i32
        %sign3A_1298 = arith.cmpi slt, %jit3A_1285, %sign3A_1297 : i32
        %sign3A_1299 = arith.extui %sign3A_1298 : i1 to i32
        %sign3A_1300 = arith.subi %sign3A_1296, %sign3A_1299 : i32
        %ne3A_1301 = arith.cmpi ne, %sign3A_1293, %sign3A_1300 : i32
        %rem3A_1302 = arith.remsi %squeeze3A_1284, %jit3A_1285 : i32
        %ne3A_1303 = arith.constant 0 : i32
        %ne3A_1304 = arith.cmpi ne, %rem3A_1302, %ne3A_1303 : i32
        %and3A_1305 = arith.andi %ne3A_1301, %ne3A_1304 : i1
        %sub3A_1306 = arith.constant 1 : i32
        %sub3A_1307 = arith.subi %div3A_1286, %sub3A_1306 : i32
        %select_n3A_1308 = arith.select %and3A_1305, %sub3A_1307, %div3A_1286 : i32
        %mul3A_1309 = arith.constant 128 : i32
        %mul3A_1310 = arith.muli %select_n3A_1308, %mul3A_1309 : i32
        %multiple_of3A_1311 = tpu.assume_multiple %mul3A_1310, 128 : i32
        %dma_start3A_1312 = arith.constant 6 : i32
        %dma_start3A_1313 = arith.constant 0 : i32
        %dma_start3A_1314 = arith.constant 0 : i32
        %dma_start3A_1315 = tpu.memref_slice %arg6[%dma_start3A_1312, %dma_start3A_1313, %dma_start3A_1314] : memref<16x32x128xf32, #tpu.memory_space<vmem>> -> memref<1x32x128xf32, #tpu.memory_space<vmem>>
        %dma_start3A_1316 = tpu.memref_squeeze %dma_start3A_1315 : memref<1x32x128xf32, #tpu.memory_space<vmem>> -> memref<32x128xf32, #tpu.memory_space<vmem>>
        %dma_start3A_1317 = arith.constant 0 : i32
        %dma_start3A_1318 = tpu.memref_slice %arg3[%dma_start3A_1317, %multiple_of3A_1311] : memref<32x1000000xf32, #tpu.memory_space<hbm>> -> memref<32x128xf32, #tpu.memory_space<hbm>>
        %dma_start3A_1319 = arith.constant 0 : i32
        %dma_start3A_1320 = arith.constant 0 : i32
        %dma_start3A_1321 = tpu.memref_slice %arg6[%dma_start3A_1312, %dma_start3A_1319, %dma_start3A_1320] : memref<16x32x128xf32, #tpu.memory_space<vmem>> -> memref<1x32x128xf32, #tpu.memory_space<vmem>>
        %dma_start3A_1322 = tpu.memref_squeeze %dma_start3A_1321 : memref<1x32x128xf32, #tpu.memory_space<vmem>> -> memref<32x128xf32, #tpu.memory_space<vmem>>
        %dma_start3A_1323 = arith.constant 0 : i32
        %dma_start3A_1324 = tpu.memref_slice %arg3[%dma_start3A_1323, %multiple_of3A_1311] : memref<32x1000000xf32, #tpu.memory_space<hbm>> -> memref<32x128xf32, #tpu.memory_space<hbm>>
        tpu.enqueue_dma source(%dma_start3A_1324 : memref<32x128xf32, #tpu.memory_space<hbm>>) target(%dma_start3A_1322 : memref<32x128xf32, #tpu.memory_space<vmem>>) target_semaphore(%arg8 : memref<!tpu.dma_semaphore, #tpu.memory_space<semaphore_mem>>)
      } else {
      }
      %dma_wait3A_959 = arith.constant 7 : i32
      %dma_wait3A_960 = arith.constant 0 : i32
      %dma_wait3A_961 = arith.constant 0 : i32
      %dma_wait3A_962 = tpu.memref_slice %arg6[%dma_wait3A_959, %dma_wait3A_960, %dma_wait3A_961] : memref<16x32x128xf32, #tpu.memory_space<vmem>> -> memref<1x32x128xf32, #tpu.memory_space<vmem>>
      %dma_wait3A_963 = tpu.memref_squeeze %dma_wait3A_962 : memref<1x32x128xf32, #tpu.memory_space<vmem>> -> memref<32x128xf32, #tpu.memory_space<vmem>>
      %dma_wait3A_964 = arith.constant 0 : i32
      %dma_wait3A_965 = arith.constant 0 : i32
      %dma_wait3A_966 = tpu.memref_slice %arg3[%dma_wait3A_964, %dma_wait3A_965] : memref<32x1000000xf32, #tpu.memory_space<hbm>> -> memref<32x128xf32, #tpu.memory_space<hbm>>
      %dma_wait3A_967 = arith.constant 0 : i32
      %dma_wait3A_968 = arith.constant 0 : i32
      %dma_wait3A_969 = tpu.memref_slice %arg6[%dma_wait3A_959, %dma_wait3A_967, %dma_wait3A_968] : memref<16x32x128xf32, #tpu.memory_space<vmem>> -> memref<1x32x128xf32, #tpu.memory_space<vmem>>
      %dma_wait3A_970 = tpu.memref_squeeze %dma_wait3A_969 : memref<1x32x128xf32, #tpu.memory_space<vmem>> -> memref<32x128xf32, #tpu.memory_space<vmem>>
      %dma_wait3A_971 = arith.constant 0 : i32
      %dma_wait3A_972 = arith.constant 0 : i32
      %dma_wait3A_973 = tpu.memref_slice %arg3[%dma_wait3A_971, %dma_wait3A_972] : memref<32x1000000xf32, #tpu.memory_space<hbm>> -> memref<32x128xf32, #tpu.memory_space<hbm>>
      tpu.wait_dma2 semaphore(%arg8 : memref<!tpu.dma_semaphore, #tpu.memory_space<semaphore_mem>>) src(%dma_wait3A_973 : memref<32x128xf32, #tpu.memory_space<hbm>>) dst(%dma_wait3A_970 : memref<32x128xf32, #tpu.memory_space<vmem>>)
      %slice3A_974 = vector.extract_strided_slice %select_n3A_705 {offsets = [7], sizes = [1], strides = [1]} : vector<16xi32> to vector<1xi32>
      %squeeze3A_975 = vector.extract %slice3A_974[0] : i32 from vector<1xi32>
      %broadcast_in_dim3A_976 = vector.broadcast %squeeze3A_975 : i32 to vector<16xi32>
      %add3A_977 = arith.constant 7 : i32
      %add3A_978 = arith.addi %multiple_of3A_675, %add3A_977 : i32
      %broadcast_in_dim3A_979 = vector.broadcast %add3A_978 : i32 to vector<16xi32>
      %gather3A_980 = arith.constant 7 : i32
      %gather3A_981 = arith.constant 0 : i32
      %gather3A_982 = arith.constant 0 : i32
      %gather3A_983 = tpu.memref_slice %arg6[%gather3A_980, %gather3A_981, %gather3A_982] : memref<16x32x128xf32, #tpu.memory_space<vmem>> -> memref<1x32x128xf32, #tpu.memory_space<vmem>>
      %gather3A_984 = tpu.memref_squeeze %gather3A_983 : memref<1x32x128xf32, #tpu.memory_space<vmem>> -> memref<32x128xf32, #tpu.memory_space<vmem>>
      %gather3A_985 = tpu.vector_load_idx %gather3A_984[%iota3A, %broadcast_in_dim3A_976] : memref<32x128xf32, #tpu.memory_space<vmem>>[vector<16xi32>, vector<16xi32>], vector<16xf32>,
      %gather3A_986 = arith.constant 7 : i32
      %gather3A_987 = arith.constant 0 : i32
      %gather3A_988 = arith.constant 0 : i32
      %gather3A_989 = tpu.memref_slice %arg6[%gather3A_986, %gather3A_987, %gather3A_988] : memref<16x32x128xf32, #tpu.memory_space<vmem>> -> memref<1x32x128xf32, #tpu.memory_space<vmem>>
      %gather3A_990 = tpu.memref_squeeze %gather3A_989 : memref<1x32x128xf32, #tpu.memory_space<vmem>> -> memref<32x128xf32, #tpu.memory_space<vmem>>
      %gather3A_991 = tpu.vector_load_idx %gather3A_990[%add3A_5, %broadcast_in_dim3A_976] : memref<32x128xf32, #tpu.memory_space<vmem>>[vector<16xi32>, vector<16xi32>], vector<16xf32>,
      tpu.vector_store_idx %arg7[%iota3A, %broadcast_in_dim3A_979], %gather3A_985 : memref<32x512xf32, #tpu.memory_space<vmem>>[vector<16xi32>, vector<16xi32>], vector<16xf32>,
      tpu.vector_store_idx %arg7[%add3A_5, %broadcast_in_dim3A_979], %gather3A_991 : memref<32x512xf32, #tpu.memory_space<vmem>>[vector<16xi32>, vector<16xi32>], vector<16xf32>,
      %convert_element_type3A_992 = arith.extui %lt3A_711 : i1 to i32
      %cond3A_993 = arith.constant 0 : i32
      %cond3A_994 = arith.cmpi ne, %convert_element_type3A_992, %cond3A_993 : i32
      scf.if %cond3A_994 {
        %slice3A_1283 = vector.extract_strided_slice %get3A_685 {offsets = [7], sizes = [1], strides = [1]} : vector<16xi32> to vector<1xi32>
        %squeeze3A_1284 = vector.extract %slice3A_1283[0] : i32 from vector<1xi32>
        %jit3A_1285 = arith.constant 128 : i32
        %div3A_1286 = arith.divsi %squeeze3A_1284, %jit3A_1285 : i32
        %sign3A_1287 = arith.constant 0 : i32
        %sign3A_1288 = arith.cmpi sgt, %squeeze3A_1284, %sign3A_1287 : i32
        %sign3A_1289 = arith.extui %sign3A_1288 : i1 to i32
        %sign3A_1290 = arith.constant 0 : i32
        %sign3A_1291 = arith.cmpi slt, %squeeze3A_1284, %sign3A_1290 : i32
        %sign3A_1292 = arith.extui %sign3A_1291 : i1 to i32
        %sign3A_1293 = arith.subi %sign3A_1289, %sign3A_1292 : i32
        %sign3A_1294 = arith.constant 0 : i32
        %sign3A_1295 = arith.cmpi sgt, %jit3A_1285, %sign3A_1294 : i32
        %sign3A_1296 = arith.extui %sign3A_1295 : i1 to i32
        %sign3A_1297 = arith.constant 0 : i32
        %sign3A_1298 = arith.cmpi slt, %jit3A_1285, %sign3A_1297 : i32
        %sign3A_1299 = arith.extui %sign3A_1298 : i1 to i32
        %sign3A_1300 = arith.subi %sign3A_1296, %sign3A_1299 : i32
        %ne3A_1301 = arith.cmpi ne, %sign3A_1293, %sign3A_1300 : i32
        %rem3A_1302 = arith.remsi %squeeze3A_1284, %jit3A_1285 : i32
        %ne3A_1303 = arith.constant 0 : i32
        %ne3A_1304 = arith.cmpi ne, %rem3A_1302, %ne3A_1303 : i32
        %and3A_1305 = arith.andi %ne3A_1301, %ne3A_1304 : i1
        %sub3A_1306 = arith.constant 1 : i32
        %sub3A_1307 = arith.subi %div3A_1286, %sub3A_1306 : i32
        %select_n3A_1308 = arith.select %and3A_1305, %sub3A_1307, %div3A_1286 : i32
        %mul3A_1309 = arith.constant 128 : i32
        %mul3A_1310 = arith.muli %select_n3A_1308, %mul3A_1309 : i32
        %multiple_of3A_1311 = tpu.assume_multiple %mul3A_1310, 128 : i32
        %dma_start3A_1312 = arith.constant 7 : i32
        %dma_start3A_1313 = arith.constant 0 : i32
        %dma_start3A_1314 = arith.constant 0 : i32
        %dma_start3A_1315 = tpu.memref_slice %arg6[%dma_start3A_1312, %dma_start3A_1313, %dma_start3A_1314] : memref<16x32x128xf32, #tpu.memory_space<vmem>> -> memref<1x32x128xf32, #tpu.memory_space<vmem>>
        %dma_start3A_1316 = tpu.memref_squeeze %dma_start3A_1315 : memref<1x32x128xf32, #tpu.memory_space<vmem>> -> memref<32x128xf32, #tpu.memory_space<vmem>>
        %dma_start3A_1317 = arith.constant 0 : i32
        %dma_start3A_1318 = tpu.memref_slice %arg3[%dma_start3A_1317, %multiple_of3A_1311] : memref<32x1000000xf32, #tpu.memory_space<hbm>> -> memref<32x128xf32, #tpu.memory_space<hbm>>
        %dma_start3A_1319 = arith.constant 0 : i32
        %dma_start3A_1320 = arith.constant 0 : i32
        %dma_start3A_1321 = tpu.memref_slice %arg6[%dma_start3A_1312, %dma_start3A_1319, %dma_start3A_1320] : memref<16x32x128xf32, #tpu.memory_space<vmem>> -> memref<1x32x128xf32, #tpu.memory_space<vmem>>
        %dma_start3A_1322 = tpu.memref_squeeze %dma_start3A_1321 : memref<1x32x128xf32, #tpu.memory_space<vmem>> -> memref<32x128xf32, #tpu.memory_space<vmem>>
        %dma_start3A_1323 = arith.constant 0 : i32
        %dma_start3A_1324 = tpu.memref_slice %arg3[%dma_start3A_1323, %multiple_of3A_1311] : memref<32x1000000xf32, #tpu.memory_space<hbm>> -> memref<32x128xf32, #tpu.memory_space<hbm>>
        tpu.enqueue_dma source(%dma_start3A_1324 : memref<32x128xf32, #tpu.memory_space<hbm>>) target(%dma_start3A_1322 : memref<32x128xf32, #tpu.memory_space<vmem>>) target_semaphore(%arg8 : memref<!tpu.dma_semaphore, #tpu.memory_space<semaphore_mem>>)
      } else {
      }
      %dma_wait3A_995 = arith.constant 8 : i32
      %dma_wait3A_996 = arith.constant 0 : i32
      %dma_wait3A_997 = arith.constant 0 : i32
      %dma_wait3A_998 = tpu.memref_slice %arg6[%dma_wait3A_995, %dma_wait3A_996, %dma_wait3A_997] : memref<16x32x128xf32, #tpu.memory_space<vmem>> -> memref<1x32x128xf32, #tpu.memory_space<vmem>>
      %dma_wait3A_999 = tpu.memref_squeeze %dma_wait3A_998 : memref<1x32x128xf32, #tpu.memory_space<vmem>> -> memref<32x128xf32, #tpu.memory_space<vmem>>
      %dma_wait3A_1000 = arith.constant 0 : i32
      %dma_wait3A_1001 = arith.constant 0 : i32
      %dma_wait3A_1002 = tpu.memref_slice %arg3[%dma_wait3A_1000, %dma_wait3A_1001] : memref<32x1000000xf32, #tpu.memory_space<hbm>> -> memref<32x128xf32, #tpu.memory_space<hbm>>
      %dma_wait3A_1003 = arith.constant 0 : i32
      %dma_wait3A_1004 = arith.constant 0 : i32
      %dma_wait3A_1005 = tpu.memref_slice %arg6[%dma_wait3A_995, %dma_wait3A_1003, %dma_wait3A_1004] : memref<16x32x128xf32, #tpu.memory_space<vmem>> -> memref<1x32x128xf32, #tpu.memory_space<vmem>>
      %dma_wait3A_1006 = tpu.memref_squeeze %dma_wait3A_1005 : memref<1x32x128xf32, #tpu.memory_space<vmem>> -> memref<32x128xf32, #tpu.memory_space<vmem>>
      %dma_wait3A_1007 = arith.constant 0 : i32
      %dma_wait3A_1008 = arith.constant 0 : i32
      %dma_wait3A_1009 = tpu.memref_slice %arg3[%dma_wait3A_1007, %dma_wait3A_1008] : memref<32x1000000xf32, #tpu.memory_space<hbm>> -> memref<32x128xf32, #tpu.memory_space<hbm>>
      tpu.wait_dma2 semaphore(%arg8 : memref<!tpu.dma_semaphore, #tpu.memory_space<semaphore_mem>>) src(%dma_wait3A_1009 : memref<32x128xf32, #tpu.memory_space<hbm>>) dst(%dma_wait3A_1006 : memref<32x128xf32, #tpu.memory_space<vmem>>)
      %slice3A_1010 = vector.extract_strided_slice %select_n3A_705 {offsets = [8], sizes = [1], strides = [1]} : vector<16xi32> to vector<1xi32>
      %squeeze3A_1011 = vector.extract %slice3A_1010[0] : i32 from vector<1xi32>
      %broadcast_in_dim3A_1012 = vector.broadcast %squeeze3A_1011 : i32 to vector<16xi32>
      %add3A_1013 = arith.constant 8 : i32
      %add3A_1014 = arith.addi %multiple_of3A_675, %add3A_1013 : i32
      %broadcast_in_dim3A_1015 = vector.broadcast %add3A_1014 : i32 to vector<16xi32>
      %gather3A_1016 = arith.constant 8 : i32
      %gather3A_1017 = arith.constant 0 : i32
      %gather3A_1018 = arith.constant 0 : i32
      %gather3A_1019 = tpu.memref_slice %arg6[%gather3A_1016, %gather3A_1017, %gather3A_1018] : memref<16x32x128xf32, #tpu.memory_space<vmem>> -> memref<1x32x128xf32, #tpu.memory_space<vmem>>
      %gather3A_1020 = tpu.memref_squeeze %gather3A_1019 : memref<1x32x128xf32, #tpu.memory_space<vmem>> -> memref<32x128xf32, #tpu.memory_space<vmem>>
      %gather3A_1021 = tpu.vector_load_idx %gather3A_1020[%iota3A, %broadcast_in_dim3A_1012] : memref<32x128xf32, #tpu.memory_space<vmem>>[vector<16xi32>, vector<16xi32>], vector<16xf32>,
      %gather3A_1022 = arith.constant 8 : i32
      %gather3A_1023 = arith.constant 0 : i32
      %gather3A_1024 = arith.constant 0 : i32
      %gather3A_1025 = tpu.memref_slice %arg6[%gather3A_1022, %gather3A_1023, %gather3A_1024] : memref<16x32x128xf32, #tpu.memory_space<vmem>> -> memref<1x32x128xf32, #tpu.memory_space<vmem>>
      %gather3A_1026 = tpu.memref_squeeze %gather3A_1025 : memref<1x32x128xf32, #tpu.memory_space<vmem>> -> memref<32x128xf32, #tpu.memory_space<vmem>>
      %gather3A_1027 = tpu.vector_load_idx %gather3A_1026[%add3A_5, %broadcast_in_dim3A_1012] : memref<32x128xf32, #tpu.memory_space<vmem>>[vector<16xi32>, vector<16xi32>], vector<16xf32>,
      tpu.vector_store_idx %arg7[%iota3A, %broadcast_in_dim3A_1015], %gather3A_1021 : memref<32x512xf32, #tpu.memory_space<vmem>>[vector<16xi32>, vector<16xi32>], vector<16xf32>,
      tpu.vector_store_idx %arg7[%add3A_5, %broadcast_in_dim3A_1015], %gather3A_1027 : memref<32x512xf32, #tpu.memory_space<vmem>>[vector<16xi32>, vector<16xi32>], vector<16xf32>,
      %convert_element_type3A_1028 = arith.extui %lt3A_711 : i1 to i32
      %cond3A_1029 = arith.constant 0 : i32
      %cond3A_1030 = arith.cmpi ne, %convert_element_type3A_1028, %cond3A_1029 : i32
      scf.if %cond3A_1030 {
        %slice3A_1283 = vector.extract_strided_slice %get3A_685 {offsets = [8], sizes = [1], strides = [1]} : vector<16xi32> to vector<1xi32>
        %squeeze3A_1284 = vector.extract %slice3A_1283[0] : i32 from vector<1xi32>
        %jit3A_1285 = arith.constant 128 : i32
        %div3A_1286 = arith.divsi %squeeze3A_1284, %jit3A_1285 : i32
        %sign3A_1287 = arith.constant 0 : i32
        %sign3A_1288 = arith.cmpi sgt, %squeeze3A_1284, %sign3A_1287 : i32
        %sign3A_1289 = arith.extui %sign3A_1288 : i1 to i32
        %sign3A_1290 = arith.constant 0 : i32
        %sign3A_1291 = arith.cmpi slt, %squeeze3A_1284, %sign3A_1290 : i32
        %sign3A_1292 = arith.extui %sign3A_1291 : i1 to i32
        %sign3A_1293 = arith.subi %sign3A_1289, %sign3A_1292 : i32
        %sign3A_1294 = arith.constant 0 : i32
        %sign3A_1295 = arith.cmpi sgt, %jit3A_1285, %sign3A_1294 : i32
        %sign3A_1296 = arith.extui %sign3A_1295 : i1 to i32
        %sign3A_1297 = arith.constant 0 : i32
        %sign3A_1298 = arith.cmpi slt, %jit3A_1285, %sign3A_1297 : i32
        %sign3A_1299 = arith.extui %sign3A_1298 : i1 to i32
        %sign3A_1300 = arith.subi %sign3A_1296, %sign3A_1299 : i32
        %ne3A_1301 = arith.cmpi ne, %sign3A_1293, %sign3A_1300 : i32
        %rem3A_1302 = arith.remsi %squeeze3A_1284, %jit3A_1285 : i32
        %ne3A_1303 = arith.constant 0 : i32
        %ne3A_1304 = arith.cmpi ne, %rem3A_1302, %ne3A_1303 : i32
        %and3A_1305 = arith.andi %ne3A_1301, %ne3A_1304 : i1
        %sub3A_1306 = arith.constant 1 : i32
        %sub3A_1307 = arith.subi %div3A_1286, %sub3A_1306 : i32
        %select_n3A_1308 = arith.select %and3A_1305, %sub3A_1307, %div3A_1286 : i32
        %mul3A_1309 = arith.constant 128 : i32
        %mul3A_1310 = arith.muli %select_n3A_1308, %mul3A_1309 : i32
        %multiple_of3A_1311 = tpu.assume_multiple %mul3A_1310, 128 : i32
        %dma_start3A_1312 = arith.constant 8 : i32
        %dma_start3A_1313 = arith.constant 0 : i32
        %dma_start3A_1314 = arith.constant 0 : i32
        %dma_start3A_1315 = tpu.memref_slice %arg6[%dma_start3A_1312, %dma_start3A_1313, %dma_start3A_1314] : memref<16x32x128xf32, #tpu.memory_space<vmem>> -> memref<1x32x128xf32, #tpu.memory_space<vmem>>
        %dma_start3A_1316 = tpu.memref_squeeze %dma_start3A_1315 : memref<1x32x128xf32, #tpu.memory_space<vmem>> -> memref<32x128xf32, #tpu.memory_space<vmem>>
        %dma_start3A_1317 = arith.constant 0 : i32
        %dma_start3A_1318 = tpu.memref_slice %arg3[%dma_start3A_1317, %multiple_of3A_1311] : memref<32x1000000xf32, #tpu.memory_space<hbm>> -> memref<32x128xf32, #tpu.memory_space<hbm>>
        %dma_start3A_1319 = arith.constant 0 : i32
        %dma_start3A_1320 = arith.constant 0 : i32
        %dma_start3A_1321 = tpu.memref_slice %arg6[%dma_start3A_1312, %dma_start3A_1319, %dma_start3A_1320] : memref<16x32x128xf32, #tpu.memory_space<vmem>> -> memref<1x32x128xf32, #tpu.memory_space<vmem>>
        %dma_start3A_1322 = tpu.memref_squeeze %dma_start3A_1321 : memref<1x32x128xf32, #tpu.memory_space<vmem>> -> memref<32x128xf32, #tpu.memory_space<vmem>>
        %dma_start3A_1323 = arith.constant 0 : i32
        %dma_start3A_1324 = tpu.memref_slice %arg3[%dma_start3A_1323, %multiple_of3A_1311] : memref<32x1000000xf32, #tpu.memory_space<hbm>> -> memref<32x128xf32, #tpu.memory_space<hbm>>
        tpu.enqueue_dma source(%dma_start3A_1324 : memref<32x128xf32, #tpu.memory_space<hbm>>) target(%dma_start3A_1322 : memref<32x128xf32, #tpu.memory_space<vmem>>) target_semaphore(%arg8 : memref<!tpu.dma_semaphore, #tpu.memory_space<semaphore_mem>>)
      } else {
      }
      %dma_wait3A_1031 = arith.constant 9 : i32
      %dma_wait3A_1032 = arith.constant 0 : i32
      %dma_wait3A_1033 = arith.constant 0 : i32
      %dma_wait3A_1034 = tpu.memref_slice %arg6[%dma_wait3A_1031, %dma_wait3A_1032, %dma_wait3A_1033] : memref<16x32x128xf32, #tpu.memory_space<vmem>> -> memref<1x32x128xf32, #tpu.memory_space<vmem>>
      %dma_wait3A_1035 = tpu.memref_squeeze %dma_wait3A_1034 : memref<1x32x128xf32, #tpu.memory_space<vmem>> -> memref<32x128xf32, #tpu.memory_space<vmem>>
      %dma_wait3A_1036 = arith.constant 0 : i32
      %dma_wait3A_1037 = arith.constant 0 : i32
      %dma_wait3A_1038 = tpu.memref_slice %arg3[%dma_wait3A_1036, %dma_wait3A_1037] : memref<32x1000000xf32, #tpu.memory_space<hbm>> -> memref<32x128xf32, #tpu.memory_space<hbm>>
      %dma_wait3A_1039 = arith.constant 0 : i32
      %dma_wait3A_1040 = arith.constant 0 : i32
      %dma_wait3A_1041 = tpu.memref_slice %arg6[%dma_wait3A_1031, %dma_wait3A_1039, %dma_wait3A_1040] : memref<16x32x128xf32, #tpu.memory_space<vmem>> -> memref<1x32x128xf32, #tpu.memory_space<vmem>>
      %dma_wait3A_1042 = tpu.memref_squeeze %dma_wait3A_1041 : memref<1x32x128xf32, #tpu.memory_space<vmem>> -> memref<32x128xf32, #tpu.memory_space<vmem>>
      %dma_wait3A_1043 = arith.constant 0 : i32
      %dma_wait3A_1044 = arith.constant 0 : i32
      %dma_wait3A_1045 = tpu.memref_slice %arg3[%dma_wait3A_1043, %dma_wait3A_1044] : memref<32x1000000xf32, #tpu.memory_space<hbm>> -> memref<32x128xf32, #tpu.memory_space<hbm>>
      tpu.wait_dma2 semaphore(%arg8 : memref<!tpu.dma_semaphore, #tpu.memory_space<semaphore_mem>>) src(%dma_wait3A_1045 : memref<32x128xf32, #tpu.memory_space<hbm>>) dst(%dma_wait3A_1042 : memref<32x128xf32, #tpu.memory_space<vmem>>)
      %slice3A_1046 = vector.extract_strided_slice %select_n3A_705 {offsets = [9], sizes = [1], strides = [1]} : vector<16xi32> to vector<1xi32>
      %squeeze3A_1047 = vector.extract %slice3A_1046[0] : i32 from vector<1xi32>
      %broadcast_in_dim3A_1048 = vector.broadcast %squeeze3A_1047 : i32 to vector<16xi32>
      %add3A_1049 = arith.constant 9 : i32
      %add3A_1050 = arith.addi %multiple_of3A_675, %add3A_1049 : i32
      %broadcast_in_dim3A_1051 = vector.broadcast %add3A_1050 : i32 to vector<16xi32>
      %gather3A_1052 = arith.constant 9 : i32
      %gather3A_1053 = arith.constant 0 : i32
      %gather3A_1054 = arith.constant 0 : i32
      %gather3A_1055 = tpu.memref_slice %arg6[%gather3A_1052, %gather3A_1053, %gather3A_1054] : memref<16x32x128xf32, #tpu.memory_space<vmem>> -> memref<1x32x128xf32, #tpu.memory_space<vmem>>
      %gather3A_1056 = tpu.memref_squeeze %gather3A_1055 : memref<1x32x128xf32, #tpu.memory_space<vmem>> -> memref<32x128xf32, #tpu.memory_space<vmem>>
      %gather3A_1057 = tpu.vector_load_idx %gather3A_1056[%iota3A, %broadcast_in_dim3A_1048] : memref<32x128xf32, #tpu.memory_space<vmem>>[vector<16xi32>, vector<16xi32>], vector<16xf32>,
      %gather3A_1058 = arith.constant 9 : i32
      %gather3A_1059 = arith.constant 0 : i32
      %gather3A_1060 = arith.constant 0 : i32
      %gather3A_1061 = tpu.memref_slice %arg6[%gather3A_1058, %gather3A_1059, %gather3A_1060] : memref<16x32x128xf32, #tpu.memory_space<vmem>> -> memref<1x32x128xf32, #tpu.memory_space<vmem>>
      %gather3A_1062 = tpu.memref_squeeze %gather3A_1061 : memref<1x32x128xf32, #tpu.memory_space<vmem>> -> memref<32x128xf32, #tpu.memory_space<vmem>>
      %gather3A_1063 = tpu.vector_load_idx %gather3A_1062[%add3A_5, %broadcast_in_dim3A_1048] : memref<32x128xf32, #tpu.memory_space<vmem>>[vector<16xi32>, vector<16xi32>], vector<16xf32>,
      tpu.vector_store_idx %arg7[%iota3A, %broadcast_in_dim3A_1051], %gather3A_1057 : memref<32x512xf32, #tpu.memory_space<vmem>>[vector<16xi32>, vector<16xi32>], vector<16xf32>,
      tpu.vector_store_idx %arg7[%add3A_5, %broadcast_in_dim3A_1051], %gather3A_1063 : memref<32x512xf32, #tpu.memory_space<vmem>>[vector<16xi32>, vector<16xi32>], vector<16xf32>,
      %convert_element_type3A_1064 = arith.extui %lt3A_711 : i1 to i32
      %cond3A_1065 = arith.constant 0 : i32
      %cond3A_1066 = arith.cmpi ne, %convert_element_type3A_1064, %cond3A_1065 : i32
      scf.if %cond3A_1066 {
        %slice3A_1283 = vector.extract_strided_slice %get3A_685 {offsets = [9], sizes = [1], strides = [1]} : vector<16xi32> to vector<1xi32>
        %squeeze3A_1284 = vector.extract %slice3A_1283[0] : i32 from vector<1xi32>
        %jit3A_1285 = arith.constant 128 : i32
        %div3A_1286 = arith.divsi %squeeze3A_1284, %jit3A_1285 : i32
        %sign3A_1287 = arith.constant 0 : i32
        %sign3A_1288 = arith.cmpi sgt, %squeeze3A_1284, %sign3A_1287 : i32
        %sign3A_1289 = arith.extui %sign3A_1288 : i1 to i32
        %sign3A_1290 = arith.constant 0 : i32
        %sign3A_1291 = arith.cmpi slt, %squeeze3A_1284, %sign3A_1290 : i32
        %sign3A_1292 = arith.extui %sign3A_1291 : i1 to i32
        %sign3A_1293 = arith.subi %sign3A_1289, %sign3A_1292 : i32
        %sign3A_1294 = arith.constant 0 : i32
        %sign3A_1295 = arith.cmpi sgt, %jit3A_1285, %sign3A_1294 : i32
        %sign3A_1296 = arith.extui %sign3A_1295 : i1 to i32
        %sign3A_1297 = arith.constant 0 : i32
        %sign3A_1298 = arith.cmpi slt, %jit3A_1285, %sign3A_1297 : i32
        %sign3A_1299 = arith.extui %sign3A_1298 : i1 to i32
        %sign3A_1300 = arith.subi %sign3A_1296, %sign3A_1299 : i32
        %ne3A_1301 = arith.cmpi ne, %sign3A_1293, %sign3A_1300 : i32
        %rem3A_1302 = arith.remsi %squeeze3A_1284, %jit3A_1285 : i32
        %ne3A_1303 = arith.constant 0 : i32
        %ne3A_1304 = arith.cmpi ne, %rem3A_1302, %ne3A_1303 : i32
        %and3A_1305 = arith.andi %ne3A_1301, %ne3A_1304 : i1
        %sub3A_1306 = arith.constant 1 : i32
        %sub3A_1307 = arith.subi %div3A_1286, %sub3A_1306 : i32
        %select_n3A_1308 = arith.select %and3A_1305, %sub3A_1307, %div3A_1286 : i32
        %mul3A_1309 = arith.constant 128 : i32
        %mul3A_1310 = arith.muli %select_n3A_1308, %mul3A_1309 : i32
        %multiple_of3A_1311 = tpu.assume_multiple %mul3A_1310, 128 : i32
        %dma_start3A_1312 = arith.constant 9 : i32
        %dma_start3A_1313 = arith.constant 0 : i32
        %dma_start3A_1314 = arith.constant 0 : i32
        %dma_start3A_1315 = tpu.memref_slice %arg6[%dma_start3A_1312, %dma_start3A_1313, %dma_start3A_1314] : memref<16x32x128xf32, #tpu.memory_space<vmem>> -> memref<1x32x128xf32, #tpu.memory_space<vmem>>
        %dma_start3A_1316 = tpu.memref_squeeze %dma_start3A_1315 : memref<1x32x128xf32, #tpu.memory_space<vmem>> -> memref<32x128xf32, #tpu.memory_space<vmem>>
        %dma_start3A_1317 = arith.constant 0 : i32
        %dma_start3A_1318 = tpu.memref_slice %arg3[%dma_start3A_1317, %multiple_of3A_1311] : memref<32x1000000xf32, #tpu.memory_space<hbm>> -> memref<32x128xf32, #tpu.memory_space<hbm>>
        %dma_start3A_1319 = arith.constant 0 : i32
        %dma_start3A_1320 = arith.constant 0 : i32
        %dma_start3A_1321 = tpu.memref_slice %arg6[%dma_start3A_1312, %dma_start3A_1319, %dma_start3A_1320] : memref<16x32x128xf32, #tpu.memory_space<vmem>> -> memref<1x32x128xf32, #tpu.memory_space<vmem>>
        %dma_start3A_1322 = tpu.memref_squeeze %dma_start3A_1321 : memref<1x32x128xf32, #tpu.memory_space<vmem>> -> memref<32x128xf32, #tpu.memory_space<vmem>>
        %dma_start3A_1323 = arith.constant 0 : i32
        %dma_start3A_1324 = tpu.memref_slice %arg3[%dma_start3A_1323, %multiple_of3A_1311] : memref<32x1000000xf32, #tpu.memory_space<hbm>> -> memref<32x128xf32, #tpu.memory_space<hbm>>
        tpu.enqueue_dma source(%dma_start3A_1324 : memref<32x128xf32, #tpu.memory_space<hbm>>) target(%dma_start3A_1322 : memref<32x128xf32, #tpu.memory_space<vmem>>) target_semaphore(%arg8 : memref<!tpu.dma_semaphore, #tpu.memory_space<semaphore_mem>>)
      } else {
      }
      %dma_wait3A_1067 = arith.constant 10 : i32
      %dma_wait3A_1068 = arith.constant 0 : i32
      %dma_wait3A_1069 = arith.constant 0 : i32
      %dma_wait3A_1070 = tpu.memref_slice %arg6[%dma_wait3A_1067, %dma_wait3A_1068, %dma_wait3A_1069] : memref<16x32x128xf32, #tpu.memory_space<vmem>> -> memref<1x32x128xf32, #tpu.memory_space<vmem>>
      %dma_wait3A_1071 = tpu.memref_squeeze %dma_wait3A_1070 : memref<1x32x128xf32, #tpu.memory_space<vmem>> -> memref<32x128xf32, #tpu.memory_space<vmem>>
      %dma_wait3A_1072 = arith.constant 0 : i32
      %dma_wait3A_1073 = arith.constant 0 : i32
      %dma_wait3A_1074 = tpu.memref_slice %arg3[%dma_wait3A_1072, %dma_wait3A_1073] : memref<32x1000000xf32, #tpu.memory_space<hbm>> -> memref<32x128xf32, #tpu.memory_space<hbm>>
      %dma_wait3A_1075 = arith.constant 0 : i32
      %dma_wait3A_1076 = arith.constant 0 : i32
      %dma_wait3A_1077 = tpu.memref_slice %arg6[%dma_wait3A_1067, %dma_wait3A_1075, %dma_wait3A_1076] : memref<16x32x128xf32, #tpu.memory_space<vmem>> -> memref<1x32x128xf32, #tpu.memory_space<vmem>>
      %dma_wait3A_1078 = tpu.memref_squeeze %dma_wait3A_1077 : memref<1x32x128xf32, #tpu.memory_space<vmem>> -> memref<32x128xf32, #tpu.memory_space<vmem>>
      %dma_wait3A_1079 = arith.constant 0 : i32
      %dma_wait3A_1080 = arith.constant 0 : i32
      %dma_wait3A_1081 = tpu.memref_slice %arg3[%dma_wait3A_1079, %dma_wait3A_1080] : memref<32x1000000xf32, #tpu.memory_space<hbm>> -> memref<32x128xf32, #tpu.memory_space<hbm>>
      tpu.wait_dma2 semaphore(%arg8 : memref<!tpu.dma_semaphore, #tpu.memory_space<semaphore_mem>>) src(%dma_wait3A_1081 : memref<32x128xf32, #tpu.memory_space<hbm>>) dst(%dma_wait3A_1078 : memref<32x128xf32, #tpu.memory_space<vmem>>)
      %slice3A_1082 = vector.extract_strided_slice %select_n3A_705 {offsets = [10], sizes = [1], strides = [1]} : vector<16xi32> to vector<1xi32>
      %squeeze3A_1083 = vector.extract %slice3A_1082[0] : i32 from vector<1xi32>
      %broadcast_in_dim3A_1084 = vector.broadcast %squeeze3A_1083 : i32 to vector<16xi32>
      %add3A_1085 = arith.constant 10 : i32
      %add3A_1086 = arith.addi %multiple_of3A_675, %add3A_1085 : i32
      %broadcast_in_dim3A_1087 = vector.broadcast %add3A_1086 : i32 to vector<16xi32>
      %gather3A_1088 = arith.constant 10 : i32
      %gather3A_1089 = arith.constant 0 : i32
      %gather3A_1090 = arith.constant 0 : i32
      %gather3A_1091 = tpu.memref_slice %arg6[%gather3A_1088, %gather3A_1089, %gather3A_1090] : memref<16x32x128xf32, #tpu.memory_space<vmem>> -> memref<1x32x128xf32, #tpu.memory_space<vmem>>
      %gather3A_1092 = tpu.memref_squeeze %gather3A_1091 : memref<1x32x128xf32, #tpu.memory_space<vmem>> -> memref<32x128xf32, #tpu.memory_space<vmem>>
      %gather3A_1093 = tpu.vector_load_idx %gather3A_1092[%iota3A, %broadcast_in_dim3A_1084] : memref<32x128xf32, #tpu.memory_space<vmem>>[vector<16xi32>, vector<16xi32>], vector<16xf32>,
      %gather3A_1094 = arith.constant 10 : i32
      %gather3A_1095 = arith.constant 0 : i32
      %gather3A_1096 = arith.constant 0 : i32
      %gather3A_1097 = tpu.memref_slice %arg6[%gather3A_1094, %gather3A_1095, %gather3A_1096] : memref<16x32x128xf32, #tpu.memory_space<vmem>> -> memref<1x32x128xf32, #tpu.memory_space<vmem>>
      %gather3A_1098 = tpu.memref_squeeze %gather3A_1097 : memref<1x32x128xf32, #tpu.memory_space<vmem>> -> memref<32x128xf32, #tpu.memory_space<vmem>>
      %gather3A_1099 = tpu.vector_load_idx %gather3A_1098[%add3A_5, %broadcast_in_dim3A_1084] : memref<32x128xf32, #tpu.memory_space<vmem>>[vector<16xi32>, vector<16xi32>], vector<16xf32>,
      tpu.vector_store_idx %arg7[%iota3A, %broadcast_in_dim3A_1087], %gather3A_1093 : memref<32x512xf32, #tpu.memory_space<vmem>>[vector<16xi32>, vector<16xi32>], vector<16xf32>,
      tpu.vector_store_idx %arg7[%add3A_5, %broadcast_in_dim3A_1087], %gather3A_1099 : memref<32x512xf32, #tpu.memory_space<vmem>>[vector<16xi32>, vector<16xi32>], vector<16xf32>,
      %convert_element_type3A_1100 = arith.extui %lt3A_711 : i1 to i32
      %cond3A_1101 = arith.constant 0 : i32
      %cond3A_1102 = arith.cmpi ne, %convert_element_type3A_1100, %cond3A_1101 : i32
      scf.if %cond3A_1102 {
        %slice3A_1283 = vector.extract_strided_slice %get3A_685 {offsets = [10], sizes = [1], strides = [1]} : vector<16xi32> to vector<1xi32>
        %squeeze3A_1284 = vector.extract %slice3A_1283[0] : i32 from vector<1xi32>
        %jit3A_1285 = arith.constant 128 : i32
        %div3A_1286 = arith.divsi %squeeze3A_1284, %jit3A_1285 : i32
        %sign3A_1287 = arith.constant 0 : i32
        %sign3A_1288 = arith.cmpi sgt, %squeeze3A_1284, %sign3A_1287 : i32
        %sign3A_1289 = arith.extui %sign3A_1288 : i1 to i32
        %sign3A_1290 = arith.constant 0 : i32
        %sign3A_1291 = arith.cmpi slt, %squeeze3A_1284, %sign3A_1290 : i32
        %sign3A_1292 = arith.extui %sign3A_1291 : i1 to i32
        %sign3A_1293 = arith.subi %sign3A_1289, %sign3A_1292 : i32
        %sign3A_1294 = arith.constant 0 : i32
        %sign3A_1295 = arith.cmpi sgt, %jit3A_1285, %sign3A_1294 : i32
        %sign3A_1296 = arith.extui %sign3A_1295 : i1 to i32
        %sign3A_1297 = arith.constant 0 : i32
        %sign3A_1298 = arith.cmpi slt, %jit3A_1285, %sign3A_1297 : i32
        %sign3A_1299 = arith.extui %sign3A_1298 : i1 to i32
        %sign3A_1300 = arith.subi %sign3A_1296, %sign3A_1299 : i32
        %ne3A_1301 = arith.cmpi ne, %sign3A_1293, %sign3A_1300 : i32
        %rem3A_1302 = arith.remsi %squeeze3A_1284, %jit3A_1285 : i32
        %ne3A_1303 = arith.constant 0 : i32
        %ne3A_1304 = arith.cmpi ne, %rem3A_1302, %ne3A_1303 : i32
        %and3A_1305 = arith.andi %ne3A_1301, %ne3A_1304 : i1
        %sub3A_1306 = arith.constant 1 : i32
        %sub3A_1307 = arith.subi %div3A_1286, %sub3A_1306 : i32
        %select_n3A_1308 = arith.select %and3A_1305, %sub3A_1307, %div3A_1286 : i32
        %mul3A_1309 = arith.constant 128 : i32
        %mul3A_1310 = arith.muli %select_n3A_1308, %mul3A_1309 : i32
        %multiple_of3A_1311 = tpu.assume_multiple %mul3A_1310, 128 : i32
        %dma_start3A_1312 = arith.constant 10 : i32
        %dma_start3A_1313 = arith.constant 0 : i32
        %dma_start3A_1314 = arith.constant 0 : i32
        %dma_start3A_1315 = tpu.memref_slice %arg6[%dma_start3A_1312, %dma_start3A_1313, %dma_start3A_1314] : memref<16x32x128xf32, #tpu.memory_space<vmem>> -> memref<1x32x128xf32, #tpu.memory_space<vmem>>
        %dma_start3A_1316 = tpu.memref_squeeze %dma_start3A_1315 : memref<1x32x128xf32, #tpu.memory_space<vmem>> -> memref<32x128xf32, #tpu.memory_space<vmem>>
        %dma_start3A_1317 = arith.constant 0 : i32
        %dma_start3A_1318 = tpu.memref_slice %arg3[%dma_start3A_1317, %multiple_of3A_1311] : memref<32x1000000xf32, #tpu.memory_space<hbm>> -> memref<32x128xf32, #tpu.memory_space<hbm>>
        %dma_start3A_1319 = arith.constant 0 : i32
        %dma_start3A_1320 = arith.constant 0 : i32
        %dma_start3A_1321 = tpu.memref_slice %arg6[%dma_start3A_1312, %dma_start3A_1319, %dma_start3A_1320] : memref<16x32x128xf32, #tpu.memory_space<vmem>> -> memref<1x32x128xf32, #tpu.memory_space<vmem>>
        %dma_start3A_1322 = tpu.memref_squeeze %dma_start3A_1321 : memref<1x32x128xf32, #tpu.memory_space<vmem>> -> memref<32x128xf32, #tpu.memory_space<vmem>>
        %dma_start3A_1323 = arith.constant 0 : i32
        %dma_start3A_1324 = tpu.memref_slice %arg3[%dma_start3A_1323, %multiple_of3A_1311] : memref<32x1000000xf32, #tpu.memory_space<hbm>> -> memref<32x128xf32, #tpu.memory_space<hbm>>
        tpu.enqueue_dma source(%dma_start3A_1324 : memref<32x128xf32, #tpu.memory_space<hbm>>) target(%dma_start3A_1322 : memref<32x128xf32, #tpu.memory_space<vmem>>) target_semaphore(%arg8 : memref<!tpu.dma_semaphore, #tpu.memory_space<semaphore_mem>>)
      } else {
      }
      %dma_wait3A_1103 = arith.constant 11 : i32
      %dma_wait3A_1104 = arith.constant 0 : i32
      %dma_wait3A_1105 = arith.constant 0 : i32
      %dma_wait3A_1106 = tpu.memref_slice %arg6[%dma_wait3A_1103, %dma_wait3A_1104, %dma_wait3A_1105] : memref<16x32x128xf32, #tpu.memory_space<vmem>> -> memref<1x32x128xf32, #tpu.memory_space<vmem>>
      %dma_wait3A_1107 = tpu.memref_squeeze %dma_wait3A_1106 : memref<1x32x128xf32, #tpu.memory_space<vmem>> -> memref<32x128xf32, #tpu.memory_space<vmem>>
      %dma_wait3A_1108 = arith.constant 0 : i32
      %dma_wait3A_1109 = arith.constant 0 : i32
      %dma_wait3A_1110 = tpu.memref_slice %arg3[%dma_wait3A_1108, %dma_wait3A_1109] : memref<32x1000000xf32, #tpu.memory_space<hbm>> -> memref<32x128xf32, #tpu.memory_space<hbm>>
      %dma_wait3A_1111 = arith.constant 0 : i32
      %dma_wait3A_1112 = arith.constant 0 : i32
      %dma_wait3A_1113 = tpu.memref_slice %arg6[%dma_wait3A_1103, %dma_wait3A_1111, %dma_wait3A_1112] : memref<16x32x128xf32, #tpu.memory_space<vmem>> -> memref<1x32x128xf32, #tpu.memory_space<vmem>>
      %dma_wait3A_1114 = tpu.memref_squeeze %dma_wait3A_1113 : memref<1x32x128xf32, #tpu.memory_space<vmem>> -> memref<32x128xf32, #tpu.memory_space<vmem>>
      %dma_wait3A_1115 = arith.constant 0 : i32
      %dma_wait3A_1116 = arith.constant 0 : i32
      %dma_wait3A_1117 = tpu.memref_slice %arg3[%dma_wait3A_1115, %dma_wait3A_1116] : memref<32x1000000xf32, #tpu.memory_space<hbm>> -> memref<32x128xf32, #tpu.memory_space<hbm>>
      tpu.wait_dma2 semaphore(%arg8 : memref<!tpu.dma_semaphore, #tpu.memory_space<semaphore_mem>>) src(%dma_wait3A_1117 : memref<32x128xf32, #tpu.memory_space<hbm>>) dst(%dma_wait3A_1114 : memref<32x128xf32, #tpu.memory_space<vmem>>)
      %slice3A_1118 = vector.extract_strided_slice %select_n3A_705 {offsets = [11], sizes = [1], strides = [1]} : vector<16xi32> to vector<1xi32>
      %squeeze3A_1119 = vector.extract %slice3A_1118[0] : i32 from vector<1xi32>
      %broadcast_in_dim3A_1120 = vector.broadcast %squeeze3A_1119 : i32 to vector<16xi32>
      %add3A_1121 = arith.constant 11 : i32
      %add3A_1122 = arith.addi %multiple_of3A_675, %add3A_1121 : i32
      %broadcast_in_dim3A_1123 = vector.broadcast %add3A_1122 : i32 to vector<16xi32>
      %gather3A_1124 = arith.constant 11 : i32
      %gather3A_1125 = arith.constant 0 : i32
      %gather3A_1126 = arith.constant 0 : i32
      %gather3A_1127 = tpu.memref_slice %arg6[%gather3A_1124, %gather3A_1125, %gather3A_1126] : memref<16x32x128xf32, #tpu.memory_space<vmem>> -> memref<1x32x128xf32, #tpu.memory_space<vmem>>
      %gather3A_1128 = tpu.memref_squeeze %gather3A_1127 : memref<1x32x128xf32, #tpu.memory_space<vmem>> -> memref<32x128xf32, #tpu.memory_space<vmem>>
      %gather3A_1129 = tpu.vector_load_idx %gather3A_1128[%iota3A, %broadcast_in_dim3A_1120] : memref<32x128xf32, #tpu.memory_space<vmem>>[vector<16xi32>, vector<16xi32>], vector<16xf32>,
      %gather3A_1130 = arith.constant 11 : i32
      %gather3A_1131 = arith.constant 0 : i32
      %gather3A_1132 = arith.constant 0 : i32
      %gather3A_1133 = tpu.memref_slice %arg6[%gather3A_1130, %gather3A_1131, %gather3A_1132] : memref<16x32x128xf32, #tpu.memory_space<vmem>> -> memref<1x32x128xf32, #tpu.memory_space<vmem>>
      %gather3A_1134 = tpu.memref_squeeze %gather3A_1133 : memref<1x32x128xf32, #tpu.memory_space<vmem>> -> memref<32x128xf32, #tpu.memory_space<vmem>>
      %gather3A_1135 = tpu.vector_load_idx %gather3A_1134[%add3A_5, %broadcast_in_dim3A_1120] : memref<32x128xf32, #tpu.memory_space<vmem>>[vector<16xi32>, vector<16xi32>], vector<16xf32>,
      tpu.vector_store_idx %arg7[%iota3A, %broadcast_in_dim3A_1123], %gather3A_1129 : memref<32x512xf32, #tpu.memory_space<vmem>>[vector<16xi32>, vector<16xi32>], vector<16xf32>,
      tpu.vector_store_idx %arg7[%add3A_5, %broadcast_in_dim3A_1123], %gather3A_1135 : memref<32x512xf32, #tpu.memory_space<vmem>>[vector<16xi32>, vector<16xi32>], vector<16xf32>,
      %convert_element_type3A_1136 = arith.extui %lt3A_711 : i1 to i32
      %cond3A_1137 = arith.constant 0 : i32
      %cond3A_1138 = arith.cmpi ne, %convert_element_type3A_1136, %cond3A_1137 : i32
      scf.if %cond3A_1138 {
        %slice3A_1283 = vector.extract_strided_slice %get3A_685 {offsets = [11], sizes = [1], strides = [1]} : vector<16xi32> to vector<1xi32>
        %squeeze3A_1284 = vector.extract %slice3A_1283[0] : i32 from vector<1xi32>
        %jit3A_1285 = arith.constant 128 : i32
        %div3A_1286 = arith.divsi %squeeze3A_1284, %jit3A_1285 : i32
        %sign3A_1287 = arith.constant 0 : i32
        %sign3A_1288 = arith.cmpi sgt, %squeeze3A_1284, %sign3A_1287 : i32
        %sign3A_1289 = arith.extui %sign3A_1288 : i1 to i32
        %sign3A_1290 = arith.constant 0 : i32
        %sign3A_1291 = arith.cmpi slt, %squeeze3A_1284, %sign3A_1290 : i32
        %sign3A_1292 = arith.extui %sign3A_1291 : i1 to i32
        %sign3A_1293 = arith.subi %sign3A_1289, %sign3A_1292 : i32
        %sign3A_1294 = arith.constant 0 : i32
        %sign3A_1295 = arith.cmpi sgt, %jit3A_1285, %sign3A_1294 : i32
        %sign3A_1296 = arith.extui %sign3A_1295 : i1 to i32
        %sign3A_1297 = arith.constant 0 : i32
        %sign3A_1298 = arith.cmpi slt, %jit3A_1285, %sign3A_1297 : i32
        %sign3A_1299 = arith.extui %sign3A_1298 : i1 to i32
        %sign3A_1300 = arith.subi %sign3A_1296, %sign3A_1299 : i32
        %ne3A_1301 = arith.cmpi ne, %sign3A_1293, %sign3A_1300 : i32
        %rem3A_1302 = arith.remsi %squeeze3A_1284, %jit3A_1285 : i32
        %ne3A_1303 = arith.constant 0 : i32
        %ne3A_1304 = arith.cmpi ne, %rem3A_1302, %ne3A_1303 : i32
        %and3A_1305 = arith.andi %ne3A_1301, %ne3A_1304 : i1
        %sub3A_1306 = arith.constant 1 : i32
        %sub3A_1307 = arith.subi %div3A_1286, %sub3A_1306 : i32
        %select_n3A_1308 = arith.select %and3A_1305, %sub3A_1307, %div3A_1286 : i32
        %mul3A_1309 = arith.constant 128 : i32
        %mul3A_1310 = arith.muli %select_n3A_1308, %mul3A_1309 : i32
        %multiple_of3A_1311 = tpu.assume_multiple %mul3A_1310, 128 : i32
        %dma_start3A_1312 = arith.constant 11 : i32
        %dma_start3A_1313 = arith.constant 0 : i32
        %dma_start3A_1314 = arith.constant 0 : i32
        %dma_start3A_1315 = tpu.memref_slice %arg6[%dma_start3A_1312, %dma_start3A_1313, %dma_start3A_1314] : memref<16x32x128xf32, #tpu.memory_space<vmem>> -> memref<1x32x128xf32, #tpu.memory_space<vmem>>
        %dma_start3A_1316 = tpu.memref_squeeze %dma_start3A_1315 : memref<1x32x128xf32, #tpu.memory_space<vmem>> -> memref<32x128xf32, #tpu.memory_space<vmem>>
        %dma_start3A_1317 = arith.constant 0 : i32
        %dma_start3A_1318 = tpu.memref_slice %arg3[%dma_start3A_1317, %multiple_of3A_1311] : memref<32x1000000xf32, #tpu.memory_space<hbm>> -> memref<32x128xf32, #tpu.memory_space<hbm>>
        %dma_start3A_1319 = arith.constant 0 : i32
        %dma_start3A_1320 = arith.constant 0 : i32
        %dma_start3A_1321 = tpu.memref_slice %arg6[%dma_start3A_1312, %dma_start3A_1319, %dma_start3A_1320] : memref<16x32x128xf32, #tpu.memory_space<vmem>> -> memref<1x32x128xf32, #tpu.memory_space<vmem>>
        %dma_start3A_1322 = tpu.memref_squeeze %dma_start3A_1321 : memref<1x32x128xf32, #tpu.memory_space<vmem>> -> memref<32x128xf32, #tpu.memory_space<vmem>>
        %dma_start3A_1323 = arith.constant 0 : i32
        %dma_start3A_1324 = tpu.memref_slice %arg3[%dma_start3A_1323, %multiple_of3A_1311] : memref<32x1000000xf32, #tpu.memory_space<hbm>> -> memref<32x128xf32, #tpu.memory_space<hbm>>
        tpu.enqueue_dma source(%dma_start3A_1324 : memref<32x128xf32, #tpu.memory_space<hbm>>) target(%dma_start3A_1322 : memref<32x128xf32, #tpu.memory_space<vmem>>) target_semaphore(%arg8 : memref<!tpu.dma_semaphore, #tpu.memory_space<semaphore_mem>>)
      } else {
      }
      %dma_wait3A_1139 = arith.constant 12 : i32
      %dma_wait3A_1140 = arith.constant 0 : i32
      %dma_wait3A_1141 = arith.constant 0 : i32
      %dma_wait3A_1142 = tpu.memref_slice %arg6[%dma_wait3A_1139, %dma_wait3A_1140, %dma_wait3A_1141] : memref<16x32x128xf32, #tpu.memory_space<vmem>> -> memref<1x32x128xf32, #tpu.memory_space<vmem>>
      %dma_wait3A_1143 = tpu.memref_squeeze %dma_wait3A_1142 : memref<1x32x128xf32, #tpu.memory_space<vmem>> -> memref<32x128xf32, #tpu.memory_space<vmem>>
      %dma_wait3A_1144 = arith.constant 0 : i32
      %dma_wait3A_1145 = arith.constant 0 : i32
      %dma_wait3A_1146 = tpu.memref_slice %arg3[%dma_wait3A_1144, %dma_wait3A_1145] : memref<32x1000000xf32, #tpu.memory_space<hbm>> -> memref<32x128xf32, #tpu.memory_space<hbm>>
      %dma_wait3A_1147 = arith.constant 0 : i32
      %dma_wait3A_1148 = arith.constant 0 : i32
      %dma_wait3A_1149 = tpu.memref_slice %arg6[%dma_wait3A_1139, %dma_wait3A_1147, %dma_wait3A_1148] : memref<16x32x128xf32, #tpu.memory_space<vmem>> -> memref<1x32x128xf32, #tpu.memory_space<vmem>>
      %dma_wait3A_1150 = tpu.memref_squeeze %dma_wait3A_1149 : memref<1x32x128xf32, #tpu.memory_space<vmem>> -> memref<32x128xf32, #tpu.memory_space<vmem>>
      %dma_wait3A_1151 = arith.constant 0 : i32
      %dma_wait3A_1152 = arith.constant 0 : i32
      %dma_wait3A_1153 = tpu.memref_slice %arg3[%dma_wait3A_1151, %dma_wait3A_1152] : memref<32x1000000xf32, #tpu.memory_space<hbm>> -> memref<32x128xf32, #tpu.memory_space<hbm>>
      tpu.wait_dma2 semaphore(%arg8 : memref<!tpu.dma_semaphore, #tpu.memory_space<semaphore_mem>>) src(%dma_wait3A_1153 : memref<32x128xf32, #tpu.memory_space<hbm>>) dst(%dma_wait3A_1150 : memref<32x128xf32, #tpu.memory_space<vmem>>)
      %slice3A_1154 = vector.extract_strided_slice %select_n3A_705 {offsets = [12], sizes = [1], strides = [1]} : vector<16xi32> to vector<1xi32>
      %squeeze3A_1155 = vector.extract %slice3A_1154[0] : i32 from vector<1xi32>
      %broadcast_in_dim3A_1156 = vector.broadcast %squeeze3A_1155 : i32 to vector<16xi32>
      %add3A_1157 = arith.constant 12 : i32
      %add3A_1158 = arith.addi %multiple_of3A_675, %add3A_1157 : i32
      %broadcast_in_dim3A_1159 = vector.broadcast %add3A_1158 : i32 to vector<16xi32>
      %gather3A_1160 = arith.constant 12 : i32
      %gather3A_1161 = arith.constant 0 : i32
      %gather3A_1162 = arith.constant 0 : i32
      %gather3A_1163 = tpu.memref_slice %arg6[%gather3A_1160, %gather3A_1161, %gather3A_1162] : memref<16x32x128xf32, #tpu.memory_space<vmem>> -> memref<1x32x128xf32, #tpu.memory_space<vmem>>
      %gather3A_1164 = tpu.memref_squeeze %gather3A_1163 : memref<1x32x128xf32, #tpu.memory_space<vmem>> -> memref<32x128xf32, #tpu.memory_space<vmem>>
      %gather3A_1165 = tpu.vector_load_idx %gather3A_1164[%iota3A, %broadcast_in_dim3A_1156] : memref<32x128xf32, #tpu.memory_space<vmem>>[vector<16xi32>, vector<16xi32>], vector<16xf32>,
      %gather3A_1166 = arith.constant 12 : i32
      %gather3A_1167 = arith.constant 0 : i32
      %gather3A_1168 = arith.constant 0 : i32
      %gather3A_1169 = tpu.memref_slice %arg6[%gather3A_1166, %gather3A_1167, %gather3A_1168] : memref<16x32x128xf32, #tpu.memory_space<vmem>> -> memref<1x32x128xf32, #tpu.memory_space<vmem>>
      %gather3A_1170 = tpu.memref_squeeze %gather3A_1169 : memref<1x32x128xf32, #tpu.memory_space<vmem>> -> memref<32x128xf32, #tpu.memory_space<vmem>>
      %gather3A_1171 = tpu.vector_load_idx %gather3A_1170[%add3A_5, %broadcast_in_dim3A_1156] : memref<32x128xf32, #tpu.memory_space<vmem>>[vector<16xi32>, vector<16xi32>], vector<16xf32>,
      tpu.vector_store_idx %arg7[%iota3A, %broadcast_in_dim3A_1159], %gather3A_1165 : memref<32x512xf32, #tpu.memory_space<vmem>>[vector<16xi32>, vector<16xi32>], vector<16xf32>,
      tpu.vector_store_idx %arg7[%add3A_5, %broadcast_in_dim3A_1159], %gather3A_1171 : memref<32x512xf32, #tpu.memory_space<vmem>>[vector<16xi32>, vector<16xi32>], vector<16xf32>,
      %convert_element_type3A_1172 = arith.extui %lt3A_711 : i1 to i32
      %cond3A_1173 = arith.constant 0 : i32
      %cond3A_1174 = arith.cmpi ne, %convert_element_type3A_1172, %cond3A_1173 : i32
      scf.if %cond3A_1174 {
        %slice3A_1283 = vector.extract_strided_slice %get3A_685 {offsets = [12], sizes = [1], strides = [1]} : vector<16xi32> to vector<1xi32>
        %squeeze3A_1284 = vector.extract %slice3A_1283[0] : i32 from vector<1xi32>
        %jit3A_1285 = arith.constant 128 : i32
        %div3A_1286 = arith.divsi %squeeze3A_1284, %jit3A_1285 : i32
        %sign3A_1287 = arith.constant 0 : i32
        %sign3A_1288 = arith.cmpi sgt, %squeeze3A_1284, %sign3A_1287 : i32
        %sign3A_1289 = arith.extui %sign3A_1288 : i1 to i32
        %sign3A_1290 = arith.constant 0 : i32
        %sign3A_1291 = arith.cmpi slt, %squeeze3A_1284, %sign3A_1290 : i32
        %sign3A_1292 = arith.extui %sign3A_1291 : i1 to i32
        %sign3A_1293 = arith.subi %sign3A_1289, %sign3A_1292 : i32
        %sign3A_1294 = arith.constant 0 : i32
        %sign3A_1295 = arith.cmpi sgt, %jit3A_1285, %sign3A_1294 : i32
        %sign3A_1296 = arith.extui %sign3A_1295 : i1 to i32
        %sign3A_1297 = arith.constant 0 : i32
        %sign3A_1298 = arith.cmpi slt, %jit3A_1285, %sign3A_1297 : i32
        %sign3A_1299 = arith.extui %sign3A_1298 : i1 to i32
        %sign3A_1300 = arith.subi %sign3A_1296, %sign3A_1299 : i32
        %ne3A_1301 = arith.cmpi ne, %sign3A_1293, %sign3A_1300 : i32
        %rem3A_1302 = arith.remsi %squeeze3A_1284, %jit3A_1285 : i32
        %ne3A_1303 = arith.constant 0 : i32
        %ne3A_1304 = arith.cmpi ne, %rem3A_1302, %ne3A_1303 : i32
        %and3A_1305 = arith.andi %ne3A_1301, %ne3A_1304 : i1
        %sub3A_1306 = arith.constant 1 : i32
        %sub3A_1307 = arith.subi %div3A_1286, %sub3A_1306 : i32
        %select_n3A_1308 = arith.select %and3A_1305, %sub3A_1307, %div3A_1286 : i32
        %mul3A_1309 = arith.constant 128 : i32
        %mul3A_1310 = arith.muli %select_n3A_1308, %mul3A_1309 : i32
        %multiple_of3A_1311 = tpu.assume_multiple %mul3A_1310, 128 : i32
        %dma_start3A_1312 = arith.constant 12 : i32
        %dma_start3A_1313 = arith.constant 0 : i32
        %dma_start3A_1314 = arith.constant 0 : i32
        %dma_start3A_1315 = tpu.memref_slice %arg6[%dma_start3A_1312, %dma_start3A_1313, %dma_start3A_1314] : memref<16x32x128xf32, #tpu.memory_space<vmem>> -> memref<1x32x128xf32, #tpu.memory_space<vmem>>
        %dma_start3A_1316 = tpu.memref_squeeze %dma_start3A_1315 : memref<1x32x128xf32, #tpu.memory_space<vmem>> -> memref<32x128xf32, #tpu.memory_space<vmem>>
        %dma_start3A_1317 = arith.constant 0 : i32
        %dma_start3A_1318 = tpu.memref_slice %arg3[%dma_start3A_1317, %multiple_of3A_1311] : memref<32x1000000xf32, #tpu.memory_space<hbm>> -> memref<32x128xf32, #tpu.memory_space<hbm>>
        %dma_start3A_1319 = arith.constant 0 : i32
        %dma_start3A_1320 = arith.constant 0 : i32
        %dma_start3A_1321 = tpu.memref_slice %arg6[%dma_start3A_1312, %dma_start3A_1319, %dma_start3A_1320] : memref<16x32x128xf32, #tpu.memory_space<vmem>> -> memref<1x32x128xf32, #tpu.memory_space<vmem>>
        %dma_start3A_1322 = tpu.memref_squeeze %dma_start3A_1321 : memref<1x32x128xf32, #tpu.memory_space<vmem>> -> memref<32x128xf32, #tpu.memory_space<vmem>>
        %dma_start3A_1323 = arith.constant 0 : i32
        %dma_start3A_1324 = tpu.memref_slice %arg3[%dma_start3A_1323, %multiple_of3A_1311] : memref<32x1000000xf32, #tpu.memory_space<hbm>> -> memref<32x128xf32, #tpu.memory_space<hbm>>
        tpu.enqueue_dma source(%dma_start3A_1324 : memref<32x128xf32, #tpu.memory_space<hbm>>) target(%dma_start3A_1322 : memref<32x128xf32, #tpu.memory_space<vmem>>) target_semaphore(%arg8 : memref<!tpu.dma_semaphore, #tpu.memory_space<semaphore_mem>>)
      } else {
      }
      %dma_wait3A_1175 = arith.constant 13 : i32
      %dma_wait3A_1176 = arith.constant 0 : i32
      %dma_wait3A_1177 = arith.constant 0 : i32
      %dma_wait3A_1178 = tpu.memref_slice %arg6[%dma_wait3A_1175, %dma_wait3A_1176, %dma_wait3A_1177] : memref<16x32x128xf32, #tpu.memory_space<vmem>> -> memref<1x32x128xf32, #tpu.memory_space<vmem>>
      %dma_wait3A_1179 = tpu.memref_squeeze %dma_wait3A_1178 : memref<1x32x128xf32, #tpu.memory_space<vmem>> -> memref<32x128xf32, #tpu.memory_space<vmem>>
      %dma_wait3A_1180 = arith.constant 0 : i32
      %dma_wait3A_1181 = arith.constant 0 : i32
      %dma_wait3A_1182 = tpu.memref_slice %arg3[%dma_wait3A_1180, %dma_wait3A_1181] : memref<32x1000000xf32, #tpu.memory_space<hbm>> -> memref<32x128xf32, #tpu.memory_space<hbm>>
      %dma_wait3A_1183 = arith.constant 0 : i32
      %dma_wait3A_1184 = arith.constant 0 : i32
      %dma_wait3A_1185 = tpu.memref_slice %arg6[%dma_wait3A_1175, %dma_wait3A_1183, %dma_wait3A_1184] : memref<16x32x128xf32, #tpu.memory_space<vmem>> -> memref<1x32x128xf32, #tpu.memory_space<vmem>>
      %dma_wait3A_1186 = tpu.memref_squeeze %dma_wait3A_1185 : memref<1x32x128xf32, #tpu.memory_space<vmem>> -> memref<32x128xf32, #tpu.memory_space<vmem>>
      %dma_wait3A_1187 = arith.constant 0 : i32
      %dma_wait3A_1188 = arith.constant 0 : i32
      %dma_wait3A_1189 = tpu.memref_slice %arg3[%dma_wait3A_1187, %dma_wait3A_1188] : memref<32x1000000xf32, #tpu.memory_space<hbm>> -> memref<32x128xf32, #tpu.memory_space<hbm>>
      tpu.wait_dma2 semaphore(%arg8 : memref<!tpu.dma_semaphore, #tpu.memory_space<semaphore_mem>>) src(%dma_wait3A_1189 : memref<32x128xf32, #tpu.memory_space<hbm>>) dst(%dma_wait3A_1186 : memref<32x128xf32, #tpu.memory_space<vmem>>)
      %slice3A_1190 = vector.extract_strided_slice %select_n3A_705 {offsets = [13], sizes = [1], strides = [1]} : vector<16xi32> to vector<1xi32>
      %squeeze3A_1191 = vector.extract %slice3A_1190[0] : i32 from vector<1xi32>
      %broadcast_in_dim3A_1192 = vector.broadcast %squeeze3A_1191 : i32 to vector<16xi32>
      %add3A_1193 = arith.constant 13 : i32
      %add3A_1194 = arith.addi %multiple_of3A_675, %add3A_1193 : i32
      %broadcast_in_dim3A_1195 = vector.broadcast %add3A_1194 : i32 to vector<16xi32>
      %gather3A_1196 = arith.constant 13 : i32
      %gather3A_1197 = arith.constant 0 : i32
      %gather3A_1198 = arith.constant 0 : i32
      %gather3A_1199 = tpu.memref_slice %arg6[%gather3A_1196, %gather3A_1197, %gather3A_1198] : memref<16x32x128xf32, #tpu.memory_space<vmem>> -> memref<1x32x128xf32, #tpu.memory_space<vmem>>
      %gather3A_1200 = tpu.memref_squeeze %gather3A_1199 : memref<1x32x128xf32, #tpu.memory_space<vmem>> -> memref<32x128xf32, #tpu.memory_space<vmem>>
      %gather3A_1201 = tpu.vector_load_idx %gather3A_1200[%iota3A, %broadcast_in_dim3A_1192] : memref<32x128xf32, #tpu.memory_space<vmem>>[vector<16xi32>, vector<16xi32>], vector<16xf32>,
      %gather3A_1202 = arith.constant 13 : i32
      %gather3A_1203 = arith.constant 0 : i32
      %gather3A_1204 = arith.constant 0 : i32
      %gather3A_1205 = tpu.memref_slice %arg6[%gather3A_1202, %gather3A_1203, %gather3A_1204] : memref<16x32x128xf32, #tpu.memory_space<vmem>> -> memref<1x32x128xf32, #tpu.memory_space<vmem>>
      %gather3A_1206 = tpu.memref_squeeze %gather3A_1205 : memref<1x32x128xf32, #tpu.memory_space<vmem>> -> memref<32x128xf32, #tpu.memory_space<vmem>>
      %gather3A_1207 = tpu.vector_load_idx %gather3A_1206[%add3A_5, %broadcast_in_dim3A_1192] : memref<32x128xf32, #tpu.memory_space<vmem>>[vector<16xi32>, vector<16xi32>], vector<16xf32>,
      tpu.vector_store_idx %arg7[%iota3A, %broadcast_in_dim3A_1195], %gather3A_1201 : memref<32x512xf32, #tpu.memory_space<vmem>>[vector<16xi32>, vector<16xi32>], vector<16xf32>,
      tpu.vector_store_idx %arg7[%add3A_5, %broadcast_in_dim3A_1195], %gather3A_1207 : memref<32x512xf32, #tpu.memory_space<vmem>>[vector<16xi32>, vector<16xi32>], vector<16xf32>,
      %convert_element_type3A_1208 = arith.extui %lt3A_711 : i1 to i32
      %cond3A_1209 = arith.constant 0 : i32
      %cond3A_1210 = arith.cmpi ne, %convert_element_type3A_1208, %cond3A_1209 : i32
      scf.if %cond3A_1210 {
        %slice3A_1283 = vector.extract_strided_slice %get3A_685 {offsets = [13], sizes = [1], strides = [1]} : vector<16xi32> to vector<1xi32>
        %squeeze3A_1284 = vector.extract %slice3A_1283[0] : i32 from vector<1xi32>
        %jit3A_1285 = arith.constant 128 : i32
        %div3A_1286 = arith.divsi %squeeze3A_1284, %jit3A_1285 : i32
        %sign3A_1287 = arith.constant 0 : i32
        %sign3A_1288 = arith.cmpi sgt, %squeeze3A_1284, %sign3A_1287 : i32
        %sign3A_1289 = arith.extui %sign3A_1288 : i1 to i32
        %sign3A_1290 = arith.constant 0 : i32
        %sign3A_1291 = arith.cmpi slt, %squeeze3A_1284, %sign3A_1290 : i32
        %sign3A_1292 = arith.extui %sign3A_1291 : i1 to i32
        %sign3A_1293 = arith.subi %sign3A_1289, %sign3A_1292 : i32
        %sign3A_1294 = arith.constant 0 : i32
        %sign3A_1295 = arith.cmpi sgt, %jit3A_1285, %sign3A_1294 : i32
        %sign3A_1296 = arith.extui %sign3A_1295 : i1 to i32
        %sign3A_1297 = arith.constant 0 : i32
        %sign3A_1298 = arith.cmpi slt, %jit3A_1285, %sign3A_1297 : i32
        %sign3A_1299 = arith.extui %sign3A_1298 : i1 to i32
        %sign3A_1300 = arith.subi %sign3A_1296, %sign3A_1299 : i32
        %ne3A_1301 = arith.cmpi ne, %sign3A_1293, %sign3A_1300 : i32
        %rem3A_1302 = arith.remsi %squeeze3A_1284, %jit3A_1285 : i32
        %ne3A_1303 = arith.constant 0 : i32
        %ne3A_1304 = arith.cmpi ne, %rem3A_1302, %ne3A_1303 : i32
        %and3A_1305 = arith.andi %ne3A_1301, %ne3A_1304 : i1
        %sub3A_1306 = arith.constant 1 : i32
        %sub3A_1307 = arith.subi %div3A_1286, %sub3A_1306 : i32
        %select_n3A_1308 = arith.select %and3A_1305, %sub3A_1307, %div3A_1286 : i32
        %mul3A_1309 = arith.constant 128 : i32
        %mul3A_1310 = arith.muli %select_n3A_1308, %mul3A_1309 : i32
        %multiple_of3A_1311 = tpu.assume_multiple %mul3A_1310, 128 : i32
        %dma_start3A_1312 = arith.constant 13 : i32
        %dma_start3A_1313 = arith.constant 0 : i32
        %dma_start3A_1314 = arith.constant 0 : i32
        %dma_start3A_1315 = tpu.memref_slice %arg6[%dma_start3A_1312, %dma_start3A_1313, %dma_start3A_1314] : memref<16x32x128xf32, #tpu.memory_space<vmem>> -> memref<1x32x128xf32, #tpu.memory_space<vmem>>
        %dma_start3A_1316 = tpu.memref_squeeze %dma_start3A_1315 : memref<1x32x128xf32, #tpu.memory_space<vmem>> -> memref<32x128xf32, #tpu.memory_space<vmem>>
        %dma_start3A_1317 = arith.constant 0 : i32
        %dma_start3A_1318 = tpu.memref_slice %arg3[%dma_start3A_1317, %multiple_of3A_1311] : memref<32x1000000xf32, #tpu.memory_space<hbm>> -> memref<32x128xf32, #tpu.memory_space<hbm>>
        %dma_start3A_1319 = arith.constant 0 : i32
        %dma_start3A_1320 = arith.constant 0 : i32
        %dma_start3A_1321 = tpu.memref_slice %arg6[%dma_start3A_1312, %dma_start3A_1319, %dma_start3A_1320] : memref<16x32x128xf32, #tpu.memory_space<vmem>> -> memref<1x32x128xf32, #tpu.memory_space<vmem>>
        %dma_start3A_1322 = tpu.memref_squeeze %dma_start3A_1321 : memref<1x32x128xf32, #tpu.memory_space<vmem>> -> memref<32x128xf32, #tpu.memory_space<vmem>>
        %dma_start3A_1323 = arith.constant 0 : i32
        %dma_start3A_1324 = tpu.memref_slice %arg3[%dma_start3A_1323, %multiple_of3A_1311] : memref<32x1000000xf32, #tpu.memory_space<hbm>> -> memref<32x128xf32, #tpu.memory_space<hbm>>
        tpu.enqueue_dma source(%dma_start3A_1324 : memref<32x128xf32, #tpu.memory_space<hbm>>) target(%dma_start3A_1322 : memref<32x128xf32, #tpu.memory_space<vmem>>) target_semaphore(%arg8 : memref<!tpu.dma_semaphore, #tpu.memory_space<semaphore_mem>>)
      } else {
      }
      %dma_wait3A_1211 = arith.constant 14 : i32
      %dma_wait3A_1212 = arith.constant 0 : i32
      %dma_wait3A_1213 = arith.constant 0 : i32
      %dma_wait3A_1214 = tpu.memref_slice %arg6[%dma_wait3A_1211, %dma_wait3A_1212, %dma_wait3A_1213] : memref<16x32x128xf32, #tpu.memory_space<vmem>> -> memref<1x32x128xf32, #tpu.memory_space<vmem>>
      %dma_wait3A_1215 = tpu.memref_squeeze %dma_wait3A_1214 : memref<1x32x128xf32, #tpu.memory_space<vmem>> -> memref<32x128xf32, #tpu.memory_space<vmem>>
      %dma_wait3A_1216 = arith.constant 0 : i32
      %dma_wait3A_1217 = arith.constant 0 : i32
      %dma_wait3A_1218 = tpu.memref_slice %arg3[%dma_wait3A_1216, %dma_wait3A_1217] : memref<32x1000000xf32, #tpu.memory_space<hbm>> -> memref<32x128xf32, #tpu.memory_space<hbm>>
      %dma_wait3A_1219 = arith.constant 0 : i32
      %dma_wait3A_1220 = arith.constant 0 : i32
      %dma_wait3A_1221 = tpu.memref_slice %arg6[%dma_wait3A_1211, %dma_wait3A_1219, %dma_wait3A_1220] : memref<16x32x128xf32, #tpu.memory_space<vmem>> -> memref<1x32x128xf32, #tpu.memory_space<vmem>>
      %dma_wait3A_1222 = tpu.memref_squeeze %dma_wait3A_1221 : memref<1x32x128xf32, #tpu.memory_space<vmem>> -> memref<32x128xf32, #tpu.memory_space<vmem>>
      %dma_wait3A_1223 = arith.constant 0 : i32
      %dma_wait3A_1224 = arith.constant 0 : i32
      %dma_wait3A_1225 = tpu.memref_slice %arg3[%dma_wait3A_1223, %dma_wait3A_1224] : memref<32x1000000xf32, #tpu.memory_space<hbm>> -> memref<32x128xf32, #tpu.memory_space<hbm>>
      tpu.wait_dma2 semaphore(%arg8 : memref<!tpu.dma_semaphore, #tpu.memory_space<semaphore_mem>>) src(%dma_wait3A_1225 : memref<32x128xf32, #tpu.memory_space<hbm>>) dst(%dma_wait3A_1222 : memref<32x128xf32, #tpu.memory_space<vmem>>)
      %slice3A_1226 = vector.extract_strided_slice %select_n3A_705 {offsets = [14], sizes = [1], strides = [1]} : vector<16xi32> to vector<1xi32>
      %squeeze3A_1227 = vector.extract %slice3A_1226[0] : i32 from vector<1xi32>
      %broadcast_in_dim3A_1228 = vector.broadcast %squeeze3A_1227 : i32 to vector<16xi32>
      %add3A_1229 = arith.constant 14 : i32
      %add3A_1230 = arith.addi %multiple_of3A_675, %add3A_1229 : i32
      %broadcast_in_dim3A_1231 = vector.broadcast %add3A_1230 : i32 to vector<16xi32>
      %gather3A_1232 = arith.constant 14 : i32
      %gather3A_1233 = arith.constant 0 : i32
      %gather3A_1234 = arith.constant 0 : i32
      %gather3A_1235 = tpu.memref_slice %arg6[%gather3A_1232, %gather3A_1233, %gather3A_1234] : memref<16x32x128xf32, #tpu.memory_space<vmem>> -> memref<1x32x128xf32, #tpu.memory_space<vmem>>
      %gather3A_1236 = tpu.memref_squeeze %gather3A_1235 : memref<1x32x128xf32, #tpu.memory_space<vmem>> -> memref<32x128xf32, #tpu.memory_space<vmem>>
      %gather3A_1237 = tpu.vector_load_idx %gather3A_1236[%iota3A, %broadcast_in_dim3A_1228] : memref<32x128xf32, #tpu.memory_space<vmem>>[vector<16xi32>, vector<16xi32>], vector<16xf32>,
      %gather3A_1238 = arith.constant 14 : i32
      %gather3A_1239 = arith.constant 0 : i32
      %gather3A_1240 = arith.constant 0 : i32
      %gather3A_1241 = tpu.memref_slice %arg6[%gather3A_1238, %gather3A_1239, %gather3A_1240] : memref<16x32x128xf32, #tpu.memory_space<vmem>> -> memref<1x32x128xf32, #tpu.memory_space<vmem>>
      %gather3A_1242 = tpu.memref_squeeze %gather3A_1241 : memref<1x32x128xf32, #tpu.memory_space<vmem>> -> memref<32x128xf32, #tpu.memory_space<vmem>>
      %gather3A_1243 = tpu.vector_load_idx %gather3A_1242[%add3A_5, %broadcast_in_dim3A_1228] : memref<32x128xf32, #tpu.memory_space<vmem>>[vector<16xi32>, vector<16xi32>], vector<16xf32>,
      tpu.vector_store_idx %arg7[%iota3A, %broadcast_in_dim3A_1231], %gather3A_1237 : memref<32x512xf32, #tpu.memory_space<vmem>>[vector<16xi32>, vector<16xi32>], vector<16xf32>,
      tpu.vector_store_idx %arg7[%add3A_5, %broadcast_in_dim3A_1231], %gather3A_1243 : memref<32x512xf32, #tpu.memory_space<vmem>>[vector<16xi32>, vector<16xi32>], vector<16xf32>,
      %convert_element_type3A_1244 = arith.extui %lt3A_711 : i1 to i32
      %cond3A_1245 = arith.constant 0 : i32
      %cond3A_1246 = arith.cmpi ne, %convert_element_type3A_1244, %cond3A_1245 : i32
      scf.if %cond3A_1246 {
        %slice3A_1283 = vector.extract_strided_slice %get3A_685 {offsets = [14], sizes = [1], strides = [1]} : vector<16xi32> to vector<1xi32>
        %squeeze3A_1284 = vector.extract %slice3A_1283[0] : i32 from vector<1xi32>
        %jit3A_1285 = arith.constant 128 : i32
        %div3A_1286 = arith.divsi %squeeze3A_1284, %jit3A_1285 : i32
        %sign3A_1287 = arith.constant 0 : i32
        %sign3A_1288 = arith.cmpi sgt, %squeeze3A_1284, %sign3A_1287 : i32
        %sign3A_1289 = arith.extui %sign3A_1288 : i1 to i32
        %sign3A_1290 = arith.constant 0 : i32
        %sign3A_1291 = arith.cmpi slt, %squeeze3A_1284, %sign3A_1290 : i32
        %sign3A_1292 = arith.extui %sign3A_1291 : i1 to i32
        %sign3A_1293 = arith.subi %sign3A_1289, %sign3A_1292 : i32
        %sign3A_1294 = arith.constant 0 : i32
        %sign3A_1295 = arith.cmpi sgt, %jit3A_1285, %sign3A_1294 : i32
        %sign3A_1296 = arith.extui %sign3A_1295 : i1 to i32
        %sign3A_1297 = arith.constant 0 : i32
        %sign3A_1298 = arith.cmpi slt, %jit3A_1285, %sign3A_1297 : i32
        %sign3A_1299 = arith.extui %sign3A_1298 : i1 to i32
        %sign3A_1300 = arith.subi %sign3A_1296, %sign3A_1299 : i32
        %ne3A_1301 = arith.cmpi ne, %sign3A_1293, %sign3A_1300 : i32
        %rem3A_1302 = arith.remsi %squeeze3A_1284, %jit3A_1285 : i32
        %ne3A_1303 = arith.constant 0 : i32
        %ne3A_1304 = arith.cmpi ne, %rem3A_1302, %ne3A_1303 : i32
        %and3A_1305 = arith.andi %ne3A_1301, %ne3A_1304 : i1
        %sub3A_1306 = arith.constant 1 : i32
        %sub3A_1307 = arith.subi %div3A_1286, %sub3A_1306 : i32
        %select_n3A_1308 = arith.select %and3A_1305, %sub3A_1307, %div3A_1286 : i32
        %mul3A_1309 = arith.constant 128 : i32
        %mul3A_1310 = arith.muli %select_n3A_1308, %mul3A_1309 : i32
        %multiple_of3A_1311 = tpu.assume_multiple %mul3A_1310, 128 : i32
        %dma_start3A_1312 = arith.constant 14 : i32
        %dma_start3A_1313 = arith.constant 0 : i32
        %dma_start3A_1314 = arith.constant 0 : i32
        %dma_start3A_1315 = tpu.memref_slice %arg6[%dma_start3A_1312, %dma_start3A_1313, %dma_start3A_1314] : memref<16x32x128xf32, #tpu.memory_space<vmem>> -> memref<1x32x128xf32, #tpu.memory_space<vmem>>
        %dma_start3A_1316 = tpu.memref_squeeze %dma_start3A_1315 : memref<1x32x128xf32, #tpu.memory_space<vmem>> -> memref<32x128xf32, #tpu.memory_space<vmem>>
        %dma_start3A_1317 = arith.constant 0 : i32
        %dma_start3A_1318 = tpu.memref_slice %arg3[%dma_start3A_1317, %multiple_of3A_1311] : memref<32x1000000xf32, #tpu.memory_space<hbm>> -> memref<32x128xf32, #tpu.memory_space<hbm>>
        %dma_start3A_1319 = arith.constant 0 : i32
        %dma_start3A_1320 = arith.constant 0 : i32
        %dma_start3A_1321 = tpu.memref_slice %arg6[%dma_start3A_1312, %dma_start3A_1319, %dma_start3A_1320] : memref<16x32x128xf32, #tpu.memory_space<vmem>> -> memref<1x32x128xf32, #tpu.memory_space<vmem>>
        %dma_start3A_1322 = tpu.memref_squeeze %dma_start3A_1321 : memref<1x32x128xf32, #tpu.memory_space<vmem>> -> memref<32x128xf32, #tpu.memory_space<vmem>>
        %dma_start3A_1323 = arith.constant 0 : i32
        %dma_start3A_1324 = tpu.memref_slice %arg3[%dma_start3A_1323, %multiple_of3A_1311] : memref<32x1000000xf32, #tpu.memory_space<hbm>> -> memref<32x128xf32, #tpu.memory_space<hbm>>
        tpu.enqueue_dma source(%dma_start3A_1324 : memref<32x128xf32, #tpu.memory_space<hbm>>) target(%dma_start3A_1322 : memref<32x128xf32, #tpu.memory_space<vmem>>) target_semaphore(%arg8 : memref<!tpu.dma_semaphore, #tpu.memory_space<semaphore_mem>>)
      } else {
      }
      %dma_wait3A_1247 = arith.constant 15 : i32
      %dma_wait3A_1248 = arith.constant 0 : i32
      %dma_wait3A_1249 = arith.constant 0 : i32
      %dma_wait3A_1250 = tpu.memref_slice %arg6[%dma_wait3A_1247, %dma_wait3A_1248, %dma_wait3A_1249] : memref<16x32x128xf32, #tpu.memory_space<vmem>> -> memref<1x32x128xf32, #tpu.memory_space<vmem>>
      %dma_wait3A_1251 = tpu.memref_squeeze %dma_wait3A_1250 : memref<1x32x128xf32, #tpu.memory_space<vmem>> -> memref<32x128xf32, #tpu.memory_space<vmem>>
      %dma_wait3A_1252 = arith.constant 0 : i32
      %dma_wait3A_1253 = arith.constant 0 : i32
      %dma_wait3A_1254 = tpu.memref_slice %arg3[%dma_wait3A_1252, %dma_wait3A_1253] : memref<32x1000000xf32, #tpu.memory_space<hbm>> -> memref<32x128xf32, #tpu.memory_space<hbm>>
      %dma_wait3A_1255 = arith.constant 0 : i32
      %dma_wait3A_1256 = arith.constant 0 : i32
      %dma_wait3A_1257 = tpu.memref_slice %arg6[%dma_wait3A_1247, %dma_wait3A_1255, %dma_wait3A_1256] : memref<16x32x128xf32, #tpu.memory_space<vmem>> -> memref<1x32x128xf32, #tpu.memory_space<vmem>>
      %dma_wait3A_1258 = tpu.memref_squeeze %dma_wait3A_1257 : memref<1x32x128xf32, #tpu.memory_space<vmem>> -> memref<32x128xf32, #tpu.memory_space<vmem>>
      %dma_wait3A_1259 = arith.constant 0 : i32
      %dma_wait3A_1260 = arith.constant 0 : i32
      %dma_wait3A_1261 = tpu.memref_slice %arg3[%dma_wait3A_1259, %dma_wait3A_1260] : memref<32x1000000xf32, #tpu.memory_space<hbm>> -> memref<32x128xf32, #tpu.memory_space<hbm>>
      tpu.wait_dma2 semaphore(%arg8 : memref<!tpu.dma_semaphore, #tpu.memory_space<semaphore_mem>>) src(%dma_wait3A_1261 : memref<32x128xf32, #tpu.memory_space<hbm>>) dst(%dma_wait3A_1258 : memref<32x128xf32, #tpu.memory_space<vmem>>)
      %slice3A_1262 = vector.extract_strided_slice %select_n3A_705 {offsets = [15], sizes = [1], strides = [1]} : vector<16xi32> to vector<1xi32>
      %squeeze3A_1263 = vector.extract %slice3A_1262[0] : i32 from vector<1xi32>
      %broadcast_in_dim3A_1264 = vector.broadcast %squeeze3A_1263 : i32 to vector<16xi32>
      %add3A_1265 = arith.constant 15 : i32
      %add3A_1266 = arith.addi %multiple_of3A_675, %add3A_1265 : i32
      %broadcast_in_dim3A_1267 = vector.broadcast %add3A_1266 : i32 to vector<16xi32>
      %gather3A_1268 = arith.constant 15 : i32
      %gather3A_1269 = arith.constant 0 : i32
      %gather3A_1270 = arith.constant 0 : i32
      %gather3A_1271 = tpu.memref_slice %arg6[%gather3A_1268, %gather3A_1269, %gather3A_1270] : memref<16x32x128xf32, #tpu.memory_space<vmem>> -> memref<1x32x128xf32, #tpu.memory_space<vmem>>
      %gather3A_1272 = tpu.memref_squeeze %gather3A_1271 : memref<1x32x128xf32, #tpu.memory_space<vmem>> -> memref<32x128xf32, #tpu.memory_space<vmem>>
      %gather3A_1273 = tpu.vector_load_idx %gather3A_1272[%iota3A, %broadcast_in_dim3A_1264] : memref<32x128xf32, #tpu.memory_space<vmem>>[vector<16xi32>, vector<16xi32>], vector<16xf32>,
      %gather3A_1274 = arith.constant 15 : i32
      %gather3A_1275 = arith.constant 0 : i32
      %gather3A_1276 = arith.constant 0 : i32
      %gather3A_1277 = tpu.memref_slice %arg6[%gather3A_1274, %gather3A_1275, %gather3A_1276] : memref<16x32x128xf32, #tpu.memory_space<vmem>> -> memref<1x32x128xf32, #tpu.memory_space<vmem>>
      %gather3A_1278 = tpu.memref_squeeze %gather3A_1277 : memref<1x32x128xf32, #tpu.memory_space<vmem>> -> memref<32x128xf32, #tpu.memory_space<vmem>>
      %gather3A_1279 = tpu.vector_load_idx %gather3A_1278[%add3A_5, %broadcast_in_dim3A_1264] : memref<32x128xf32, #tpu.memory_space<vmem>>[vector<16xi32>, vector<16xi32>], vector<16xf32>,
      tpu.vector_store_idx %arg7[%iota3A, %broadcast_in_dim3A_1267], %gather3A_1273 : memref<32x512xf32, #tpu.memory_space<vmem>>[vector<16xi32>, vector<16xi32>], vector<16xf32>,
      tpu.vector_store_idx %arg7[%add3A_5, %broadcast_in_dim3A_1267], %gather3A_1279 : memref<32x512xf32, #tpu.memory_space<vmem>>[vector<16xi32>, vector<16xi32>], vector<16xf32>,
      %convert_element_type3A_1280 = arith.extui %lt3A_711 : i1 to i32
      %cond3A_1281 = arith.constant 0 : i32
      %cond3A_1282 = arith.cmpi ne, %convert_element_type3A_1280, %cond3A_1281 : i32
      scf.if %cond3A_1282 {
        %slice3A_1283 = vector.extract_strided_slice %get3A_685 {offsets = [15], sizes = [1], strides = [1]} : vector<16xi32> to vector<1xi32>
        %squeeze3A_1284 = vector.extract %slice3A_1283[0] : i32 from vector<1xi32>
        %jit3A_1285 = arith.constant 128 : i32
        %div3A_1286 = arith.divsi %squeeze3A_1284, %jit3A_1285 : i32
        %sign3A_1287 = arith.constant 0 : i32
        %sign3A_1288 = arith.cmpi sgt, %squeeze3A_1284, %sign3A_1287 : i32
        %sign3A_1289 = arith.extui %sign3A_1288 : i1 to i32
        %sign3A_1290 = arith.constant 0 : i32
        %sign3A_1291 = arith.cmpi slt, %squeeze3A_1284, %sign3A_1290 : i32
        %sign3A_1292 = arith.extui %sign3A_1291 : i1 to i32
        %sign3A_1293 = arith.subi %sign3A_1289, %sign3A_1292 : i32
        %sign3A_1294 = arith.constant 0 : i32
        %sign3A_1295 = arith.cmpi sgt, %jit3A_1285, %sign3A_1294 : i32
        %sign3A_1296 = arith.extui %sign3A_1295 : i1 to i32
        %sign3A_1297 = arith.constant 0 : i32
        %sign3A_1298 = arith.cmpi slt, %jit3A_1285, %sign3A_1297 : i32
        %sign3A_1299 = arith.extui %sign3A_1298 : i1 to i32
        %sign3A_1300 = arith.subi %sign3A_1296, %sign3A_1299 : i32
        %ne3A_1301 = arith.cmpi ne, %sign3A_1293, %sign3A_1300 : i32
        %rem3A_1302 = arith.remsi %squeeze3A_1284, %jit3A_1285 : i32
        %ne3A_1303 = arith.constant 0 : i32
        %ne3A_1304 = arith.cmpi ne, %rem3A_1302, %ne3A_1303 : i32
        %and3A_1305 = arith.andi %ne3A_1301, %ne3A_1304 : i1
        %sub3A_1306 = arith.constant 1 : i32
        %sub3A_1307 = arith.subi %div3A_1286, %sub3A_1306 : i32
        %select_n3A_1308 = arith.select %and3A_1305, %sub3A_1307, %div3A_1286 : i32
        %mul3A_1309 = arith.constant 128 : i32
        %mul3A_1310 = arith.muli %select_n3A_1308, %mul3A_1309 : i32
        %multiple_of3A_1311 = tpu.assume_multiple %mul3A_1310, 128 : i32
        %dma_start3A_1312 = arith.constant 15 : i32
        %dma_start3A_1313 = arith.constant 0 : i32
        %dma_start3A_1314 = arith.constant 0 : i32
        %dma_start3A_1315 = tpu.memref_slice %arg6[%dma_start3A_1312, %dma_start3A_1313, %dma_start3A_1314] : memref<16x32x128xf32, #tpu.memory_space<vmem>> -> memref<1x32x128xf32, #tpu.memory_space<vmem>>
        %dma_start3A_1316 = tpu.memref_squeeze %dma_start3A_1315 : memref<1x32x128xf32, #tpu.memory_space<vmem>> -> memref<32x128xf32, #tpu.memory_space<vmem>>
        %dma_start3A_1317 = arith.constant 0 : i32
        %dma_start3A_1318 = tpu.memref_slice %arg3[%dma_start3A_1317, %multiple_of3A_1311] : memref<32x1000000xf32, #tpu.memory_space<hbm>> -> memref<32x128xf32, #tpu.memory_space<hbm>>
        %dma_start3A_1319 = arith.constant 0 : i32
        %dma_start3A_1320 = arith.constant 0 : i32
        %dma_start3A_1321 = tpu.memref_slice %arg6[%dma_start3A_1312, %dma_start3A_1319, %dma_start3A_1320] : memref<16x32x128xf32, #tpu.memory_space<vmem>> -> memref<1x32x128xf32, #tpu.memory_space<vmem>>
        %dma_start3A_1322 = tpu.memref_squeeze %dma_start3A_1321 : memref<1x32x128xf32, #tpu.memory_space<vmem>> -> memref<32x128xf32, #tpu.memory_space<vmem>>
        %dma_start3A_1323 = arith.constant 0 : i32
        %dma_start3A_1324 = tpu.memref_slice %arg3[%dma_start3A_1323, %multiple_of3A_1311] : memref<32x1000000xf32, #tpu.memory_space<hbm>> -> memref<32x128xf32, #tpu.memory_space<hbm>>
        tpu.enqueue_dma source(%dma_start3A_1324 : memref<32x128xf32, #tpu.memory_space<hbm>>) target(%dma_start3A_1322 : memref<32x128xf32, #tpu.memory_space<vmem>>) target_semaphore(%arg8 : memref<!tpu.dma_semaphore, #tpu.memory_space<semaphore_mem>>)
      } else {
      }
    }
    %scan3A_671 = arith.constant 32 : i32
    "tpu.region"() ({
      %run_scoped3A = tpu.sem_alloc : memref<!tpu.dma_semaphore, #tpu.memory_space<semaphore_mem>>
      %dma_start3A_672 = arith.constant 0 : i32
      %dma_start3A_673 = tpu.memref_slice %arg4[%dma_start3A_672, %mul3A_2] : memref<32x16384xf32, #tpu.memory_space<hbm>> -> memref<32x512xf32, #tpu.memory_space<hbm>>
      %dma_start3A_674 = arith.constant 0 : i32
      %dma_start3A_675 = tpu.memref_slice %arg4[%dma_start3A_674, %mul3A_2] : memref<32x16384xf32, #tpu.memory_space<hbm>> -> memref<32x512xf32, #tpu.memory_space<hbm>>
      tpu.enqueue_dma source(%arg7 : memref<32x512xf32, #tpu.memory_space<vmem>>) target(%dma_start3A_675 : memref<32x512xf32, #tpu.memory_space<hbm>>) target_semaphore(%run_scoped3A : memref<!tpu.dma_semaphore, #tpu.memory_space<semaphore_mem>>)
      %dma_wait3A = arith.constant 0 : i32
      %dma_wait3A_676 = tpu.memref_slice %arg4[%dma_wait3A, %mul3A_2] : memref<32x16384xf32, #tpu.memory_space<hbm>> -> memref<32x512xf32, #tpu.memory_space<hbm>>
      %dma_wait3A_677 = arith.constant 0 : i32
      %dma_wait3A_678 = tpu.memref_slice %arg4[%dma_wait3A_677, %mul3A_2] : memref<32x16384xf32, #tpu.memory_space<hbm>> -> memref<32x512xf32, #tpu.memory_space<hbm>>
      tpu.wait_dma2 semaphore(%run_scoped3A : memref<!tpu.dma_semaphore, #tpu.memory_space<semaphore_mem>>) src(%arg7 : memref<32x512xf32, #tpu.memory_space<vmem>>) dst(%dma_wait3A_678 : memref<32x512xf32, #tpu.memory_space<hbm>>)
      tpu.yield
    }) : () -> ()
    return
  }
}

</mosaic_0001>

<sc_bundles>
// kernel: kernel.3.cloned.1.call-start
scs
__scs_entry_jumppad:
0x0: {  	(pc) =	sbr.rel $0x88, $3  }
0x1: {  	(tag) =	ssettag $0x0;
	lr =	simm.s32 $0x1  }
0x2: {  	[smem:$0x3F9F] =	sst lr;
	_ =	strace $0xD0000000  }
0x3: {  	_ = 	snop  }
0x4: {  	_ = 	snop  }
0x5: {  	_ = 	snop  }
0x6: {  	_ = 	snop  }
0x7: {  	_ = 	snop  }
__scs_overlays_trampoline_lowered:
0x8: {  	[smem:$0x3FAE] =	sst s0  }
0x9: {  	[smem:$0x3FAF] =	sst s1  }
0xa: {  	[smem:$0x3FB0] =	sst s2  }
0xb: {  	[smem:$0x3FB1] =	sst s3  }
0xc: {  	[smem:$0x3FB2] =	sst s4  }
0xd: {  	[smem:$0x3FB3] =	sst s5  }
0xe: {  	[smem:$0x3FB4] =	sst s6  }
0xf: {  	[smem:$0x3FB5] =	sst s7  }
0x10: {  	[smem:$0x3FB6] =	sst s8  }
0x11: {  	[smem:$0x3FB7] =	sst s9;
	s0 =	simm.s32 @!p0 $0x0  }
0x12: {  	s1 =	sld [smem:$0x3F9D];
	s0 =	simm.s32 @p0 $0x1  }
0x13: {  	[smem:$0x3FB8] =	sst s0;
	s0 =	simm.s32 @!p1 $0x0  }
0x14: {  	s2 =	sld [smem:$0x3F9C];
	s0 =	simm.s32 @p1 $0x1  }
0x15: {  	[smem:$0x3FB9] =	sst s0;
	s0 =	simm.s32 @!p2 $0x0  }
0x16: {  	s3 =	sld [smem:$0x3FDB];
	s0 =	simm.s32 @p2 $0x1  }
0x17: {  	s4 =	simm.s32 $0x1BF5;
	[smem:$0x3FBB] =	sst s0  }
0x18: {  	s0 =	sld [smem:$0x3F9E];
	_ =	swait.ge [sflag:s4], $0x0  }
0x19: {  	s7 =	sld [smem:$0x3F9F]  }
0x1a: {  	s8 =	sadd.s32 $0xFFFFE003, lr  }
0x1b: {  	s9 =	sadd.s32 $0xFFFFFEF7, lr;
	s5 =	simm.s32 $0xFFFFFFFF;
	p2 =	slt.u32 s8, $0xFFFFF086  }
0x1c: {  	p1 =	slt.u32 s9, $0xF7A;
	s5 =	simm.s32 @!p2 $0x0  }
0x1d: {  	s5 =	simm.s32 @p1 $0x1;
	p0 =	seq.s32 s7, s2  }
0x1e: {  	s7 =	smul.u32 @!p0 $0xF7A, s2;
	p2 =	seq.s32 @!p0 s5, $0x0  }
0x1f: {  	s9 =	smul.u32 $0xF7A, s1;
	s8 =	simm.s32 @!p0 $0x1BF5;
	p2 =	por !p2, p0  }
0x20: {  	[sflag:s8] =	ssyncset.s32 @!p0 $0xFFFFF086;
	s6 =	sadd.s32 @!p0 s3, s7;
	s7 =	simm.s32 @!p0 $0x108  }
0x21: {  	s3 =	sadd.s32 s3, s9;
	s6 =	sadd.s32 @!p0 $0x88, s6;
	s7 =	simm.s32 @p2 $0x1082  }
0x22: {  	[simem:s7], [sflag:s8] =	dma.local @!p0 [hbm:s6], $0xF7A  }
0x23: {  	s9 =	sor.u32 $0xD0000000, s2;
	s6 =	simm.s32 $0x108;
	_ =	swait.ge @!p0 [sflag:s8], $0x0  }
0x24: {  	s3 =	sadd.s32 $0x88, s3;
	s6 =	simm.s32 @!p1 $0x1082;
	[sflag:s4] =	ssyncset.s32 $0xFFFFF086  }
0x25: {  	[simem:s6], [sflag:s4] =	dma.local [hbm:s3], $0xF7A  }
0x26: {  	[smem:$0x3F9F] =	sst s1;
	(tag) =	ssettag s2;
	_ =	strace s9  }
0x27: {  	s1 =	sld [smem:$0x3FAF]  }
0x28: {  	s2 =	sld [smem:$0x3FB0]  }
0x29: {  	s4 =	sld [smem:$0x3FB2]  }
0x2a: {  	p0 =	seq.s32 s5, $0x0;
	s5 =	sld [smem:$0x3FB3]  }
0x2b: {  	s6 =	sld [smem:$0x3FB4]  }
0x2c: {  	s7 =	sld [smem:$0x3FB5]  }
0x2d: {  	s3 =	simm.s32 $0x108;
	s8 =	sld [smem:$0x3FB6]  }
0x2e: {  	s3 =	simm.s32 @!p0 $0x1082;
	s9 =	sld [smem:$0x3FB7]  }
0x2f: {  	lr =	sadd.s32 s0, s3;
	s0 =	sld [smem:$0x3FAE]  }
0x30: {  	s3 =	sld [smem:$0x3FB1]  }
0x31: {  	[smem:$0x3FBA] =	sst s10  }
0x32: {  	s10 =	sld [smem:$0x3FB8];
	_ =	sdelay $0x3  }
0x33: {  	p0 =	seq.s32 s10, $0x1;
	s10 =	sld [smem:$0x3FBA];
	_ =	sdelay $0x3  }
0x34: {  	[smem:$0x3FBA] =	sst s10  }
0x35: {  	s10 =	sld [smem:$0x3FB9];
	_ =	sdelay $0x3  }
0x36: {  	p1 =	seq.s32 s10, $0x1;
	s10 =	sld [smem:$0x3FBA];
	_ =	sdelay $0x3  }
0x37: {  	[smem:$0x3FBA] =	sst s10  }
0x38: {  	s10 =	sld [smem:$0x3FBB]  }
0x39: {  	_ = 	snop;
	(pc) =	sbr.ind lr, $3  }
0x3a: {  	_ = 	snop  }
0x3b: {  	_ = 	snop  }
0x3c: {  	p2 =	seq.s32 s10, $0x1;
	s10 =	sld [smem:$0x3FBA]  }
0x3d: {  	_ =	shalt  }
0x3e: {  	_ =	shalt  }
0x3f: {  	_ =	shalt  }
0x40: {  	_ =	shalt  }
0x41: {  	_ =	shalt  }
0x42: {  	_ =	shalt  }
0x43: {  	_ =	shalt  }
0x44: {  	_ =	shalt  }
0x45: {  	_ =	shalt  }
0x46: {  	_ =	shalt  }
0x47: {  	_ =	shalt  }
0x48: {  	_ =	shalt  }
0x49: {  	_ =	shalt  }
0x4a: {  	_ =	shalt  }
0x4b: {  	_ =	shalt  }
0x4c: {  	_ =	shalt  }
0x4d: {  	_ =	shalt  }
0x4e: {  	_ =	shalt  }
0x4f: {  	_ =	shalt  }
0x50: {  	_ =	shalt  }
0x51: {  	_ =	shalt  }
0x52: {  	_ =	shalt  }
0x53: {  	_ =	shalt  }
0x54: {  	_ =	shalt  }
0x55: {  	_ =	shalt  }
0x56: {  	_ =	shalt  }
0x57: {  	_ =	shalt  }
0x58: {  	_ =	shalt  }
0x59: {  	_ =	shalt  }
0x5a: {  	_ =	shalt  }
0x5b: {  	_ =	shalt  }
0x5c: {  	_ =	shalt  }
0x5d: {  	_ =	shalt  }
0x5e: {  	_ =	shalt  }
0x5f: {  	_ =	shalt  }
0x60: {  	_ =	shalt  }
0x61: {  	_ =	shalt  }
0x62: {  	_ =	shalt  }
0x63: {  	_ =	shalt  }
0x64: {  	_ =	shalt  }
0x65: {  	_ =	shalt  }
0x66: {  	_ =	shalt  }
0x67: {  	_ =	shalt  }
0x68: {  	_ =	shalt  }
0x69: {  	_ =	shalt  }
0x6a: {  	_ =	shalt  }
0x6b: {  	_ =	shalt  }
0x6c: {  	_ =	shalt  }
0x6d: {  	_ =	shalt  }
0x6e: {  	_ =	shalt  }
0x6f: {  	_ =	shalt  }
0x70: {  	_ =	shalt  }
0x71: {  	_ =	shalt  }
0x72: {  	_ =	shalt  }
0x73: {  	_ =	shalt  }
0x74: {  	_ =	shalt  }
0x75: {  	_ =	shalt  }
0x76: {  	_ =	shalt  }
0x77: {  	_ =	shalt  }
0x78: {  	_ =	shalt  }
0x79: {  	_ =	shalt  }
0x7a: {  	_ =	shalt  }
0x7b: {  	_ =	shalt  }
0x7c: {  	_ =	shalt  }
0x7d: {  	_ =	shalt  }
0x7e: {  	_ =	shalt  }
0x7f: {  	_ =	shalt  }
0x80: {  	_ =	shalt  }
0x81: {  	_ =	shalt  }
0x82: {  	_ =	shalt  }
0x83: {  	_ =	shalt  }
0x84: {  	_ =	shalt  }
0x85: {  	_ =	shalt  }
0x86: {  	_ =	shalt  }
0x87: {  	_ =	shalt  }
.Lfunc_end0:
.L_simem_size_0:
called_computation_lowered:
.L_overlay_start_0:
0x88: {  	s2 =	sld [smem:$0x3FD9]  }
0x89: {  	s3 =	sld [smem:$0x3FFE];
	_ =	sdelay $0x1  }
0x8a: {  	s1 =	srdreg.scid  }
0x8b: {  	s0 =	sand.u32 $0x1, s1  }
0x8c: {  	s18 =	sshll.u32 s0, $0xA;
	s2 =	sadd.s32 s3, s2  }
0x8d: {  	s2 =	sadd.s32 s2, s18  }
0x8e: {  	[smem:$0x3FC6] =	sst s2  }
0x8f: {  	_ = 	snop  }
0x90: {  	s2 =	sld [smem:$0x3FC9]  }
0x91: {  	s19 =	sld [smem:$0x3FC8]  }
0x92: {  	s4 =	sld [smem:$0x3FD0];
	(tm) =	ssettm $0x1  }
0x93: {  	s5 =	sld [smem:$0x3FFB];
	_ =	sdelay $0x3  }
0x94: {  	_ =	strace s5  }
0x95: {  	s5 =	sld [smem:$0x3FFC];
	_ =	sdelay $0x3  }
0x96: {  	_ =	strace s5  }
0x97: {  	s5 =	sld [smem:$0x3FFD];
	_ =	sdelay $0x3  }
0x98: {  	_ =	strace s5  }
0x99: {  	_ =	strace $0x8FFFFFFF  }
0x9a: {  	s20 =	sld [smem:$0x3FDB];
	_ =	sdelay $0x1  }
0x9b: {  	s6 =	simm.s32 $_scs_section_size  }
0x9c: {  	s7 =	simm.s32 $_size__tile_overlayer_lowered;
	s8 =	simm.s32 $_tile_overlayer_lowered  }
0x9d: {  	s23 =	simm.s32 $0x1BFF;
	s22 =	sshll.u32 s8, $0x1;
	s5 =	sadd.s32 s6, s20  }
0x9e: {  	s9 =	simm.s32 $0x0;
	s21 =	sshll.u32 s7, $0x1;
	s7 =	sadd.s32 s22, s5  }
0x9f: {  	[timem:s9], [sflag:s23] =	dma.local [hbm:s7], s21  }
0xa0: {  	_ =	swait.ge [sflag:s23], s21  }
0xa1: {  	s6 =	ssub.s32 $0x0, s21;
	[sflag:s23] =	ssyncset.done $0x0  }
0xa2: {  	[sflag:s23] =	ssyncadd.s32 s6;
	_ =	sdelay $0x1  }
0xa3: {  	s24 =	simm.s32 $0x1B8B  }
0xa4: {  	_ =	swait.ge [sflag:s24], $0x1  }
0xa5: {  	[sflag:s24] =	ssyncset.done $0x0  }
0xa6: {  	s25 =	simm.s32 $0x1B8E;
	[sflag:s24] =	ssyncadd.s32 $0xFFFFFFFF  }
0xa7: {  	s26 =	simm.s32 $execute0_lowered;
	[smem:$0x3FD2] =	sst s25  }
0xa8: {  	s6 =	sshll.u32 s26, $0x1;
	_ =	strace $0x80000046;
	[dreg:$0x1] =	wrdreg $0xFFFFFFFF  }
0xa9: {  	s28 =	simm.s32 $_size_execute0_lowered;
	s5 =	sadd.s32 s5, s6;
	[dreg:$0x0] =	wrdreg $0x0  }
0xaa: {  	s6 =	sshll.u32 s28, $0x1;
	[dreg:$0x2] =	wrdreg s5  }
0xab: {  	[dreg:$0x3] =	wrdreg s6  }
0xac: {  	[dreg:$0x4] =	wrdreg $0xC0  }
0xad: {  	_ =	task [dreg:s9], $0x5FFFF  }
0xae: {  	[dreg:$0x1] =	wrdreg $0xFFFFFFFF  }
0xaf: {  	[dreg:$0x0] =	wrdreg $0x60  }
0xb0: {  	[dreg:$0x2] =	wrdreg s2  }
0xb1: {  	[dreg:$0x3] =	wrdreg s19  }
0xb2: {  	[dreg:$0x4] =	wrdreg s4  }
0xb3: {  	[dreg:$0x5] =	wrdreg $0x9  }
0xb4: {  	_ =	task.clear_ibuf [dreg:s9], $0x6FFFF;
	_ =	strace $0x90000046  }
0xb5: {  	s29 =	simm.s32 $0x9;
	_ =	strace $0x80000048  }
0xb6: {  	_ =	swait.ge [sflag:s29], $0x1  }
0xb7: {  	[sflag:s29] =	ssyncadd.s32 $0xFFFFFFFF  }
0xb8: {  	_ =	strace $0x90000048  }
0xb9: {  	_ =	sfence  }
0xba: {  	s30 =	sld [smem:$0x0];
	_ =	sdelay $0x2  }
0xbb: {  	s31 =	sshll.u32 s1, $0xD;
	s1 =	sshrl.u32 s1, $0x2  }
0xbc: {  	s3 =	sand.u32 $0x4000, s31;
	s1 =	sadd.s32 s1, s30  }
0xbd: {  	s0 =	sor.u32 s3, s0;
	s1 =	sshll.u32 s1, $0x11  }
0xbe: {  	s0 =	sor.u32 s1, s0  }
0xbf: {  	s0 =	sadd.s32 $0x8F2B, s0  }
0xc0: {  	[sflag:s0] =	ssyncadd.remote.s32 $0x1  }
0xc1: {  	_ =	sfence.sel $0xFFFF  }
0xc2: {  	[dreg:$0x0] =	wrdreg $0xFFFFFFFF;
	(pc) =	sbr.abs _section_cstart, $3  }
0xc3: {  	[dreg:$0x1] =	wrdreg $0xFFFFFFFF  }
0xc4: {  	_ =	task.clear_ibuf [dreg:s9], $0x2FFFF;
	_ =	strace $0x9FFFFFFF  }
0xc5: {  	(tm) =	ssettm $0x7FFFFFFF  }
tec
execute0_lowered:
.L_overlay_start_1:
0x0: {  	(tag) =	ssettag $0x1  }
0x1: {  	v0 =	vlaneseq.u32;
	v1 =	vimm.s32 $0x1380  }
0x2: {  	s1 =	rddreg [dreg:$0x0];
	vm0 =	vcmask $0x300;
	v2 =	vimm.s32 $0x3380;
	vm1 =	vcmask $0x704  }
0x3: {  	s0 =	rddreg [dreg:$0x1];
	vm15 =	vcmask $0xB08;
	v1 =	vsel vm0, $0x0, v1;
	v2 =	vsel vm0, $0x2000, v2  }
0x4: {  	s2 =	rddreg [dreg:$0x2];
	s3 =	srdreg.scid;
	vm4 =	vcmask $0xF0C;
	v1 =	vsel vm1, $0x80, v1;
	v2 =	vsel vm1, $0x2080, v2  }
0x5: {  	s6 =	simm.s32 $0x0;
	s5 =	stileid.u32;
	vm5 =	vcmask $0x1310;
	s7 =	simm.s32 $0x2;
	v1 =	vsel vm15, $0x100, v1;
	v2 =	vsel vm15, $0x2100, v2  }
0x6: {  	vm6 =	vcmask $0x1714;
	s8 =	simm.s32 $0x1;
	s9 =	simm.s32 $0x7A1400;
	s10 =	simm.s32 $0x400;
	v1 =	vsel vm4, $0x180, v1;
	v2 =	vsel vm4, $0x2180, v2  }
0x7: {  	vm7 =	vcmask $0x1B18;
	s11 =	simm.s32 $0x200;
	s12 =	simm.s32 $0x1200;
	s13 =	simm.s32 $0x2200;
	v1 =	vsel vm5, $0x200, v1;
	v2 =	vsel vm5, $0x2200, v2  }
0x8: {  	vm8 =	vcmask $0x1F1C;
	s14 =	simm.s32 $0x3200;
	s15 =	simm.s32 $0x4200;
	s16 =	simm.s32 $0x5200;
	v1 =	vsel vm6, $0x280, v1;
	v2 =	vsel vm6, $0x2280, v2  }
0x9: {  	vm9 =	vcmask $0x2320;
	s17 =	simm.s32 $0x6200;
	s18 =	simm.s32 $0x7200;
	s19 =	simm.s32 $0x8200;
	v1 =	vsel vm7, $0x300, v1;
	v2 =	vsel vm7, $0x2300, v2  }
0xa: {  	vm10 =	vcmask $0x2724;
	s20 =	simm.s32 $0x9200;
	s21 =	simm.s32 $0xA200;
	s22 =	simm.s32 $0xB200;
	v1 =	vsel vm8, $0x380, v1;
	v2 =	vsel vm8, $0x2380, v2  }
0xb: {  	vm11 =	vcmask $0x2B28;
	s23 =	simm.s32 $0xC200;
	s24 =	simm.s32 $0xD200;
	s25 =	simm.s32 $0xE200;
	v1 =	vsel vm9, $0x1000, v1;
	v2 =	vsel vm9, $0x3000, v2  }
0xc: {  	vm12 =	vcmask $0x2F2C;
	s28 =	simm.s32 $0x10200;
	s3 =	sand.u32 $0x1, s3;
	s5 =	sshll.u32 s5, $0xA;
	v1 =	vsel vm10, $0x1080, v1;
	v2 =	vsel vm10, $0x3080, v2  }
0xd: {  	vm13 =	vcmask $0x3330;
	[smem:$0x7FF] =	sst s6;
	s4 =	ssub.s32 $0x2, s3;
	s3 =	sshll.u32 s3, $0x9;
	v1 =	vsel vm11, $0x1100, v1;
	v2 =	vsel vm11, $0x3100, v2  }
0xe: {  	vm14 =	vcmask $0x3734;
	s31 =	simm.s32 $0x0;
	_ =	strace $0x80000047;
	s3 =	sor.u32 s3, s5;
	v1 =	vsel vm12, $0x1180, v1;
	v2 =	vsel vm12, $0x3180, v2  }
0xf: {  	v0 =	vmul.u32 $0x80, v0;
	s26 =	sshrl.u32 s4, $0x1;
	s29 =	sshrl.u32 s3, $0x3;
	s30 =	sadd.s32 s2, s3;
	v1 =	vsel vm13, $0x1200, v1;
	v2 =	vsel vm13, $0x3200, v2  }
0x10: {  	vm15 =	vcmask $0x3B38;
	s6 =	ssub.s32 s4, s26;
	s1 =	sadd.s32 s1, s29;
	[dreg:$0x5] =	wrdreg s30;
	v3 =	vsel vm14, $0x1280, v1;
	v4 =	vsel vm14, $0x3280, v2  }
0x11: {  	s26 =	simm.s32 $0xF200;
	s6 =	smax.u32 s6, $0x1;
	[dreg:$0x4] =	wrdreg s1;
	v1 =	vor.u32 $0x800, v0;
	v2 =	vsel vm15, $0x1300, v3;
	v3 =	vsel vm15, $0x3300, v4  }
.LBB2_1:
0x12: {  	s1 =	simm.s32 $0x0;
	s2 =	rddreg [dreg:$0x4]  }
0x13: {  	[tilespmem:s1], [sflag:$0x2] =	stream.linear.gather [hbm4b:s2+s1], $0x200, $0x38;
	[tilespmem:$0x14200] =	vst v63  }
0x14: {  	_ =	swait.ge [sflag:s7], $0x200  }
0x15: {  	[sflag:s7] =	ssyncset.done $0x0  }
0x16: {  	[sflag:s7] =	ssyncadd.s32 $0xFFFFFE00  }
0x17: {  	v4 =	vld [tilespmem:$0x0];
	_ =	sdelay $0x4  }
0x18: {  	(v2sf) =	vpush v4, $0x0;
	_ =	sdelay $0x5  }
0x19: {  	(v2sf) =	vpush v4, $0x1;
	_ =	sdelay $0x8  }
0x1a: {  	s5 =	spop (v2sf)  }
0x1b: {  	(v2sf) =	vpush v4, $0x2;
	s29 =	sand.u32 $0x7F, s5  }
0x1c: {  	s30 =	sshra.s32 s5, $0x1F;
	p1 =	slt.s32 s5, $0x1;
	p0 =	sne.s32 s29, $0x0  }
0x1d: {  	s2 =	sshrl.u32 s30, $0x19;
	p0 =	por !p1, !p0  }
0x1e: {  	s1 =	sadd.s32 s2, s5;
	s2 =	simm.s32 $0x1;
	p0 =	por !p0, !p0  }
0x1f: {  	s1 =	sshrl.u32 s1, $0x7;
	s2 =	simm.s32 @!p0 $0x0  }
0x20: {  	s3 =	spop (v2sf);
	s1 =	ssub.s32 s1, s2  }
0x21: {  	s4 =	sand.u32 $0x7F, s3;
	p2 =	slt.s32 s3, $0x1;
	s1 =	sshll.u32 s1, $0x7  }
0x22: {  	(v2sf) =	vpush v4, $0x3;
	p1 =	sne.s32 s4, $0x0;
	s5 =	sshra.s32 s3, $0x1F;
	s1 =	sand.u32 $0x1FFFFF80, s1  }
0x23: {  	p0 =	por !p2, !p1;
	s2 =	sshrl.u32 s5, $0x19;
	s1 =	sadd.s32 s0, s1  }
0x24: {  	[tilespmem:s11], [sflag:$0x1] =	stream.strided.gather [hbm4b:s1+s10], $0x1000, s9, s10, $0x38;
	[tilespmem:$0x14200] =	vst v63  }
0x25: {  	p0 =	por !p0, !p0;
	s1 =	sadd.s32 s2, s3;
	s2 =	simm.s32 $0x1  }
0x26: {  	s1 =	sshrl.u32 s1, $0x7;
	s2 =	simm.s32 @!p0 $0x0  }
0x27: {  	s1 =	ssub.s32 s1, s2  }
0x28: {  	s1 =	sshll.u32 s1, $0x7  }
0x29: {  	s1 =	sand.u32 $0x1FFFFF80, s1  }
0x2a: {  	s1 =	sadd.s32 s0, s1;
	s29 =	spop (v2sf)  }
0x2b: {  	[tilespmem:s12], [sflag:$0x1] =	stream.strided.gather [hbm4b:s1+s10], $0x1000, s9, s10, $0x38;
	[tilespmem:$0x14200] =	vst v63  }
0x2c: {  	(v2sf) =	vpush v4, $0x4;
	s30 =	sand.u32 $0x7F, s29  }
0x2d: {  	s3 =	sshra.s32 s29, $0x1F;
	p4 =	slt.s32 s29, $0x1;
	p3 =	sne.s32 s30, $0x0  }
0x2e: {  	s2 =	sshrl.u32 s3, $0x19;
	p0 =	por !p4, !p3  }
0x2f: {  	s1 =	sadd.s32 s2, s29;
	s2 =	simm.s32 $0x1;
	p0 =	por !p0, !p0  }
0x30: {  	s1 =	sshrl.u32 s1, $0x7;
	s2 =	simm.s32 @!p0 $0x0  }
0x31: {  	s4 =	spop (v2sf);
	s1 =	ssub.s32 s1, s2  }
0x32: {  	s5 =	sand.u32 $0x7F, s4;
	p6 =	slt.s32 s4, $0x1;
	s1 =	sshll.u32 s1, $0x7  }
0x33: {  	(v2sf) =	vpush v4, $0x5;
	p5 =	sne.s32 s5, $0x0;
	s29 =	sshra.s32 s4, $0x1F;
	s1 =	sand.u32 $0x1FFFFF80, s1  }
0x34: {  	p0 =	por !p6, !p5;
	s2 =	sshrl.u32 s29, $0x19;
	s1 =	sadd.s32 s0, s1  }
0x35: {  	[tilespmem:s13], [sflag:$0x1] =	stream.strided.gather [hbm4b:s1+s10], $0x1000, s9, s10, $0x38;
	[tilespmem:$0x14200] =	vst v63  }
0x36: {  	p0 =	por !p0, !p0;
	s1 =	sadd.s32 s2, s4;
	s2 =	simm.s32 $0x1  }
0x37: {  	s1 =	sshrl.u32 s1, $0x7;
	s2 =	simm.s32 @!p0 $0x0  }
0x38: {  	s1 =	ssub.s32 s1, s2  }
0x39: {  	s1 =	sshll.u32 s1, $0x7  }
0x3a: {  	s1 =	sand.u32 $0x1FFFFF80, s1  }
0x3b: {  	s1 =	sadd.s32 s0, s1;
	s30 =	spop (v2sf)  }
0x3c: {  	[tilespmem:s14], [sflag:$0x1] =	stream.strided.gather [hbm4b:s1+s10], $0x1000, s9, s10, $0x38;
	[tilespmem:$0x14200] =	vst v63  }
0x3d: {  	(v2sf) =	vpush v4, $0x6;
	s3 =	sand.u32 $0x7F, s30  }
0x3e: {  	s4 =	sshra.s32 s30, $0x1F;
	p2 =	slt.s32 s30, $0x1;
	p1 =	sne.s32 s3, $0x0  }
0x3f: {  	s2 =	sshrl.u32 s4, $0x19;
	p0 =	por !p2, !p1  }
0x40: {  	s1 =	sadd.s32 s2, s30;
	s2 =	simm.s32 $0x1;
	p0 =	por !p0, !p0  }
0x41: {  	s1 =	sshrl.u32 s1, $0x7;
	s2 =	simm.s32 @!p0 $0x0  }
0x42: {  	s5 =	spop (v2sf);
	s1 =	ssub.s32 s1, s2  }
0x43: {  	s29 =	sand.u32 $0x7F, s5;
	p4 =	slt.s32 s5, $0x1;
	s1 =	sshll.u32 s1, $0x7  }
0x44: {  	(v2sf) =	vpush v4, $0x7;
	p3 =	sne.s32 s29, $0x0;
	s30 =	sshra.s32 s5, $0x1F;
	s1 =	sand.u32 $0x1FFFFF80, s1  }
0x45: {  	p0 =	por !p4, !p3;
	s2 =	sshrl.u32 s30, $0x19;
	s1 =	sadd.s32 s0, s1  }
0x46: {  	[tilespmem:s15], [sflag:$0x1] =	stream.strided.gather [hbm4b:s1+s10], $0x1000, s9, s10, $0x38;
	[tilespmem:$0x14200] =	vst v63  }
0x47: {  	p0 =	por !p0, !p0;
	s1 =	sadd.s32 s2, s5;
	s2 =	simm.s32 $0x1  }
0x48: {  	s1 =	sshrl.u32 s1, $0x7;
	s2 =	simm.s32 @!p0 $0x0  }
0x49: {  	s1 =	ssub.s32 s1, s2  }
0x4a: {  	s1 =	sshll.u32 s1, $0x7  }
0x4b: {  	s1 =	sand.u32 $0x1FFFFF80, s1  }
0x4c: {  	s1 =	sadd.s32 s0, s1;
	s3 =	spop (v2sf)  }
0x4d: {  	[tilespmem:s16], [sflag:$0x1] =	stream.strided.gather [hbm4b:s1+s10], $0x1000, s9, s10, $0x38;
	[tilespmem:$0x14200] =	vst v63  }
0x4e: {  	(v2sf) =	vpush v4, $0x8;
	s4 =	sand.u32 $0x7F, s3  }
0x4f: {  	s5 =	sshra.s32 s3, $0x1F;
	p6 =	slt.s32 s3, $0x1;
	p5 =	sne.s32 s4, $0x0  }
0x50: {  	s2 =	sshrl.u32 s5, $0x19;
	p0 =	por !p6, !p5  }
0x51: {  	s1 =	sadd.s32 s2, s3;
	s2 =	simm.s32 $0x1;
	p0 =	por !p0, !p0  }
0x52: {  	s1 =	sshrl.u32 s1, $0x7;
	s2 =	simm.s32 @!p0 $0x0  }
0x53: {  	s29 =	spop (v2sf);
	s1 =	ssub.s32 s1, s2  }
0x54: {  	s30 =	sand.u32 $0x7F, s29;
	p2 =	slt.s32 s29, $0x1;
	s1 =	sshll.u32 s1, $0x7  }
0x55: {  	(v2sf) =	vpush v4, $0x9;
	p1 =	sne.s32 s30, $0x0;
	s3 =	sshra.s32 s29, $0x1F;
	s1 =	sand.u32 $0x1FFFFF80, s1  }
0x56: {  	p0 =	por !p2, !p1;
	s2 =	sshrl.u32 s3, $0x19;
	s1 =	sadd.s32 s0, s1  }
0x57: {  	[tilespmem:s17], [sflag:$0x1] =	stream.strided.gather [hbm4b:s1+s10], $0x1000, s9, s10, $0x38;
	[tilespmem:$0x14200] =	vst v63  }
0x58: {  	p0 =	por !p0, !p0;
	s1 =	sadd.s32 s2, s29;
	s2 =	simm.s32 $0x1  }
0x59: {  	s1 =	sshrl.u32 s1, $0x7;
	s2 =	simm.s32 @!p0 $0x0  }
0x5a: {  	s1 =	ssub.s32 s1, s2  }
0x5b: {  	s1 =	sshll.u32 s1, $0x7  }
0x5c: {  	s1 =	sand.u32 $0x1FFFFF80, s1  }
0x5d: {  	s1 =	sadd.s32 s0, s1;
	s4 =	spop (v2sf)  }
0x5e: {  	[tilespmem:s18], [sflag:$0x1] =	stream.strided.gather [hbm4b:s1+s10], $0x1000, s9, s10, $0x38;
	[tilespmem:$0x14200] =	vst v63  }
0x5f: {  	(v2sf) =	vpush v4, $0xA;
	s5 =	sand.u32 $0x7F, s4  }
0x60: {  	s29 =	sshra.s32 s4, $0x1F;
	p4 =	slt.s32 s4, $0x1;
	p3 =	sne.s32 s5, $0x0  }
0x61: {  	s2 =	sshrl.u32 s29, $0x19;
	p0 =	por !p4, !p3  }
0x62: {  	s1 =	sadd.s32 s2, s4;
	s2 =	simm.s32 $0x1;
	p0 =	por !p0, !p0  }
0x63: {  	s1 =	sshrl.u32 s1, $0x7;
	s2 =	simm.s32 @!p0 $0x0  }
0x64: {  	s30 =	spop (v2sf);
	s1 =	ssub.s32 s1, s2  }
0x65: {  	s3 =	sand.u32 $0x7F, s30;
	p6 =	slt.s32 s30, $0x1;
	s1 =	sshll.u32 s1, $0x7  }
0x66: {  	(v2sf) =	vpush v4, $0xB;
	p5 =	sne.s32 s3, $0x0;
	s4 =	sshra.s32 s30, $0x1F;
	s1 =	sand.u32 $0x1FFFFF80, s1  }
0x67: {  	p0 =	por !p6, !p5;
	s2 =	sshrl.u32 s4, $0x19;
	s1 =	sadd.s32 s0, s1  }
0x68: {  	[tilespmem:s19], [sflag:$0x1] =	stream.strided.gather [hbm4b:s1+s10], $0x1000, s9, s10, $0x38;
	[tilespmem:$0x14200] =	vst v63  }
0x69: {  	p0 =	por !p0, !p0;
	s1 =	sadd.s32 s2, s30;
	s2 =	simm.s32 $0x1  }
0x6a: {  	s1 =	sshrl.u32 s1, $0x7;
	s2 =	simm.s32 @!p0 $0x0  }
0x6b: {  	s1 =	ssub.s32 s1, s2  }
0x6c: {  	s1 =	sshll.u32 s1, $0x7  }
0x6d: {  	s1 =	sand.u32 $0x1FFFFF80, s1  }
0x6e: {  	s1 =	sadd.s32 s0, s1;
	s5 =	spop (v2sf)  }
0x6f: {  	[tilespmem:s20], [sflag:$0x1] =	stream.strided.gather [hbm4b:s1+s10], $0x1000, s9, s10, $0x38;
	[tilespmem:$0x14200] =	vst v63  }
0x70: {  	(v2sf) =	vpush v4, $0xC;
	s29 =	sand.u32 $0x7F, s5  }
0x71: {  	s30 =	sshra.s32 s5, $0x1F;
	p2 =	slt.s32 s5, $0x1;
	p1 =	sne.s32 s29, $0x0  }
0x72: {  	s2 =	sshrl.u32 s30, $0x19;
	p0 =	por !p2, !p1  }
0x73: {  	s1 =	sadd.s32 s2, s5;
	s2 =	simm.s32 $0x1;
	p0 =	por !p0, !p0  }
0x74: {  	s1 =	sshrl.u32 s1, $0x7;
	s2 =	simm.s32 @!p0 $0x0  }
0x75: {  	s3 =	spop (v2sf);
	s1 =	ssub.s32 s1, s2  }
0x76: {  	s4 =	sand.u32 $0x7F, s3;
	p4 =	slt.s32 s3, $0x1;
	s1 =	sshll.u32 s1, $0x7  }
0x77: {  	(v2sf) =	vpush v4, $0xD;
	p3 =	sne.s32 s4, $0x0;
	s5 =	sshra.s32 s3, $0x1F;
	s1 =	sand.u32 $0x1FFFFF80, s1  }
0x78: {  	p0 =	por !p4, !p3;
	s2 =	sshrl.u32 s5, $0x19;
	s1 =	sadd.s32 s0, s1  }
0x79: {  	[tilespmem:s21], [sflag:$0x1] =	stream.strided.gather [hbm4b:s1+s10], $0x1000, s9, s10, $0x38;
	[tilespmem:$0x14200] =	vst v63  }
0x7a: {  	p0 =	por !p0, !p0;
	s1 =	sadd.s32 s2, s3;
	s2 =	simm.s32 $0x1  }
0x7b: {  	s1 =	sshrl.u32 s1, $0x7;
	s2 =	simm.s32 @!p0 $0x0  }
0x7c: {  	s1 =	ssub.s32 s1, s2  }
0x7d: {  	s1 =	sshll.u32 s1, $0x7  }
0x7e: {  	s1 =	sand.u32 $0x1FFFFF80, s1  }
0x7f: {  	s1 =	sadd.s32 s0, s1;
	s29 =	spop (v2sf)  }
0x80: {  	[tilespmem:s22], [sflag:$0x1] =	stream.strided.gather [hbm4b:s1+s10], $0x1000, s9, s10, $0x38;
	[tilespmem:$0x14200] =	vst v63  }
0x81: {  	(v2sf) =	vpush v4, $0xE;
	s30 =	sand.u32 $0x7F, s29  }
0x82: {  	s3 =	sshra.s32 s29, $0x1F;
	p6 =	slt.s32 s29, $0x1;
	p5 =	sne.s32 s30, $0x0  }
0x83: {  	s2 =	sshrl.u32 s3, $0x19;
	p0 =	por !p6, !p5  }
0x84: {  	s1 =	sadd.s32 s2, s29;
	s2 =	simm.s32 $0x1;
	p0 =	por !p0, !p0  }
0x85: {  	s1 =	sshrl.u32 s1, $0x7;
	s2 =	simm.s32 @!p0 $0x0  }
0x86: {  	s4 =	spop (v2sf);
	s1 =	ssub.s32 s1, s2  }
0x87: {  	s5 =	sand.u32 $0x7F, s4;
	p2 =	slt.s32 s4, $0x1;
	s1 =	sshll.u32 s1, $0x7  }
0x88: {  	(v2sf) =	vpush v4, $0xF;
	p1 =	sne.s32 s5, $0x0;
	s29 =	sshra.s32 s4, $0x1F;
	s1 =	sand.u32 $0x1FFFFF80, s1  }
0x89: {  	p0 =	por !p2, !p1;
	s2 =	sshrl.u32 s29, $0x19;
	s1 =	sadd.s32 s0, s1  }
0x8a: {  	[tilespmem:s23], [sflag:$0x1] =	stream.strided.gather [hbm4b:s1+s10], $0x1000, s9, s10, $0x38;
	[tilespmem:$0x14200] =	vst v63  }
0x8b: {  	p0 =	por !p0, !p0;
	s1 =	sadd.s32 s2, s4;
	s2 =	simm.s32 $0x1  }
0x8c: {  	s1 =	sshrl.u32 s1, $0x7;
	s2 =	simm.s32 @!p0 $0x0  }
0x8d: {  	s1 =	ssub.s32 s1, s2  }
0x8e: {  	s1 =	sshll.u32 s1, $0x7  }
0x8f: {  	s1 =	sand.u32 $0x1FFFFF80, s1  }
0x90: {  	s30 =	spop (v2sf);
	s1 =	sadd.s32 s0, s1  }
0x91: {  	[tilespmem:s24], [sflag:$0x1] =	stream.strided.gather [hbm4b:s1+s10], $0x1000, s9, s10, $0x38;
	[tilespmem:$0x14200] =	vst v63  }
0x92: {  	s3 =	sand.u32 $0x7F, s30  }
0x93: {  	s4 =	sshra.s32 s30, $0x1F;
	p4 =	slt.s32 s30, $0x1;
	p3 =	sne.s32 s3, $0x0  }
0x94: {  	s1 =	sshrl.u32 s4, $0x19;
	p0 =	por !p4, !p3  }
0x95: {  	s2 =	simm.s32 $0x1;
	s1 =	sadd.s32 s1, s30;
	p0 =	por !p0, !p0  }
0x96: {  	s1 =	sshrl.u32 s1, $0x7;
	s2 =	simm.s32 @!p0 $0x0  }
0x97: {  	s5 =	spop (v2sf);
	s1 =	ssub.s32 s1, s2  }
0x98: {  	s29 =	sand.u32 $0x7F, s5;
	p6 =	slt.s32 s5, $0x1;
	s1 =	sshll.u32 s1, $0x7  }
0x99: {  	p5 =	sne.s32 s29, $0x0;
	s30 =	sshra.s32 s5, $0x1F;
	s1 =	sand.u32 $0x1FFFFF80, s1  }
0x9a: {  	p0 =	por !p6, !p5;
	s2 =	sshrl.u32 s30, $0x19;
	s1 =	sadd.s32 s0, s1  }
0x9b: {  	[tilespmem:s25], [sflag:$0x1] =	stream.strided.gather [hbm4b:s1+s10], $0x1000, s9, s10, $0x38;
	[tilespmem:$0x14200] =	vst v63  }
0x9c: {  	p0 =	por !p0, !p0;
	s1 =	sadd.s32 s2, s5;
	s2 =	simm.s32 $0x1  }
0x9d: {  	s1 =	sshrl.u32 s1, $0x7;
	s2 =	simm.s32 @!p0 $0x0  }
0x9e: {  	s1 =	ssub.s32 s1, s2  }
0x9f: {  	s1 =	sshll.u32 s1, $0x7  }
0xa0: {  	s1 =	sand.u32 $0x1FFFFF80, s1  }
0xa1: {  	s1 =	sadd.s32 s0, s1  }
0xa2: {  	[tilespmem:s26], [sflag:$0x1] =	stream.strided.gather [hbm4b:s1+s10], $0x1000, s9, s10, $0x38;
	[tilespmem:$0x14200] =	vst v63  }
0xa3: {  	s2 =	simm.s32 $0x0;
	s1 =	simm.s32 $0x10  }
.LBB2_2:
0xa4: {  	s3 =	smin.u32 s1, $0x1F0  }
0xa5: {  	v4 =	vld [tilespmem:s3+$0x0];
	_ =	sdelay $0x3  }
0xa6: {  	v5 =	vld [tilespmem:s2+$0x0];
	p0 =	seq.s32 s1, $0x200;
	_ =	swait.ge [sflag:s8], $0x1000  }
0xa7: {  	(v2sf) =	vpush @!p0 v4, $0x0;
	_ =	sdelay $0xa  }
0xa8: {  	v5 =	vand.u32 $0x7F, v5  }
0xa9: {  	v6 =	vbroadcast v5, $0x0;
	_ =	sdelay $0x1  }
0xaa: {  	s5 =	sadd.s32 $0xFFFFFFF0, s1;
	v7 =	vor.u32 v0, v6  }
0xab: {  	v8 =	vmov s5;
	v6 =	vor.u32 v1, v6;
	s29 =	spop @!p0 (v2sf)  }
0xac: {  	v9 =	vshll.u32 v8, $0x3;
	s3 =	sand.u32 @!p0 $0x7F, s29  }
0xad: {  	[sflag:s8] =	ssyncset.done $0x0;
	v8 =	vand.u32 $0x70, v8;
	v9 =	vand.u32 $0xC00, v9;
	p1 =	slt.s32 @!p0 s29, $0x1;
	p2 =	sne.s32 @!p0 s3, $0x0  }
0xae: {  	[sflag:s8] =	ssyncadd.s32 $0xFFFFF000;
	v8 =	vor.u32 v8, v9;
	s3 =	sshra.s32 @!p0 s29, $0x1F;
	p1 =	por @!p0 !p1, !p2  }
0xaf: {  	v9 =	vor.u32 v2, v8;
	v7 =	vld.idx.msk [tilespmem:v7+s11+$0x0], $0xffff;
	s3 =	sshrl.u32 @!p0 s3, $0x19;
	p1 =	por @!p0 !p1, !p1  }
0xb0: {  	v8 =	vor.u32 v3, v8;
	v6 =	vld.idx.msk [tilespmem:v6+s11+$0x0], $0xffff;
	s3 =	sadd.s32 @!p0 s3, s29;
	s29 =	simm.s32 @!p0 $0x1;
	p1 =	por !p1, p0  }
0xb1: {  	s3 =	sshrl.u32 @!p0 s3, $0x7;
	s29 =	simm.s32 @p1 $0x0  }
0xb2: {  	s3 =	ssub.s32 @!p0 s3, s29  }
0xb3: {  	s3 =	sshll.u32 @!p0 s3, $0x7  }
0xb4: {  	s4 =	simm.s32 @!p0 $0x200;
	[tilespmem:v9+s28+$0x0] =	vst.idx.msk $0xffff, v7;
	s3 =	sand.u32 @!p0 $0x1FFFFF80, s3  }
0xb5: {  	[tilespmem:v8+s28+$0x0] =	vst.idx.msk $0xffff, v6;
	s29 =	simm.s32 @!p0 $0x7A1400;
	s30 =	sadd.s32 @!p0 s0, s3;
	s3 =	simm.s32 @!p0 $0x400  }
0xb6: {  	[tilespmem:s4], [sflag:$0x1] =	stream.strided.gather @!p0 [hbm4b:s30+s3], $0x1000, s29, s3, $0x38;
	[tilespmem:$0x14200] =	vst v63  }
0xb7: {  	_ =	swait.ge [sflag:s8], $0x1000  }
0xb8: {  	(v2sf) =	vpush @!p0 v4, $0x1;
	_ =	sdelay $0xb  }
0xb9: {  	v58 =	vbroadcast v5, $0x1;
	_ =	sdelay $0x1  }
0xba: {  	v59 =	vor.u32 v0, v58;
	s30 =	sadd.s32 $0xFFFFFFF1, s1  }
0xbb: {  	v6 =	vor.u32 v1, v58;
	v60 =	vmov s30;
	s4 =	spop @!p0 (v2sf)  }
0xbc: {  	v61 =	vshll.u32 v60, $0x3;
	s30 =	sand.u32 @!p0 $0x7F, s4  }
0xbd: {  	[sflag:s8] =	ssyncset.done $0x0;
	v8 =	vand.u32 $0x71, v60;
	v9 =	vand.u32 $0xC00, v61;
	p1 =	slt.s32 @!p0 s4, $0x1;
	p2 =	sne.s32 @!p0 s30, $0x0  }
0xbe: {  	[sflag:s8] =	ssyncadd.s32 $0xFFFFF000;
	v8 =	vor.u32 v8, v9;
	s30 =	sshra.s32 @!p0 s4, $0x1F;
	p1 =	por @!p0 !p1, !p2  }
0xbf: {  	v7 =	vld.idx.msk [tilespmem:v59+s12+$0x0], $0xffff;
	v9 =	vor.u32 v2, v8;
	s30 =	sshrl.u32 @!p0 s30, $0x19;
	p1 =	por @!p0 !p1, !p1  }
0xc0: {  	v6 =	vld.idx.msk [tilespmem:v6+s12+$0x0], $0xffff;
	v8 =	vor.u32 v3, v8;
	s4 =	sadd.s32 @!p0 s30, s4;
	s30 =	simm.s32 @!p0 $0x1;
	p1 =	por !p1, p0  }
0xc1: {  	s4 =	sshrl.u32 @!p0 s4, $0x7;
	s30 =	simm.s32 @p1 $0x0  }
0xc2: {  	s4 =	ssub.s32 @!p0 s4, s30  }
0xc3: {  	s4 =	sshll.u32 @!p0 s4, $0x7  }
0xc4: {  	[tilespmem:v9+s28+$0x0] =	vst.idx.msk $0xffff, v7;
	s4 =	sand.u32 @!p0 $0x1FFFFF80, s4  }
0xc5: {  	[tilespmem:v8+s28+$0x0] =	vst.idx.msk $0xffff, v6;
	s30 =	simm.s32 @!p0 $0x1200;
	s4 =	sadd.s32 @!p0 s0, s4  }
0xc6: {  	[tilespmem:s30], [sflag:$0x1] =	stream.strided.gather @!p0 [hbm4b:s4+s3], $0x1000, s29, s3, $0x38;
	[tilespmem:$0x14200] =	vst v63  }
0xc7: {  	_ =	swait.ge [sflag:s8], $0x1000  }
0xc8: {  	(v2sf) =	vpush @!p0 v4, $0x2;
	_ =	sdelay $0xb  }
0xc9: {  	v62 =	vbroadcast v5, $0x2;
	_ =	sdelay $0x1  }
0xca: {  	s5 =	sadd.s32 $0xFFFFFFF2, s1;
	v63 =	vor.u32 v0, v62  }
0xcb: {  	v12 =	vmov s5;
	v6 =	vor.u32 v1, v62;
	s4 =	spop @!p0 (v2sf)  }
0xcc: {  	v13 =	vshll.u32 v12, $0x3;
	s30 =	sand.u32 @!p0 $0x7F, s4  }
0xcd: {  	v9 =	vand.u32 $0xC00, v13;
	v8 =	vand.u32 $0x72, v12;
	[sflag:s8] =	ssyncset.done $0x0;
	p1 =	slt.s32 @!p0 s4, $0x1;
	p2 =	sne.s32 @!p0 s30, $0x0  }
0xce: {  	v8 =	vor.u32 v8, v9;
	[sflag:s8] =	ssyncadd.s32 $0xFFFFF000;
	s30 =	sshra.s32 @!p0 s4, $0x1F;
	p1 =	por @!p0 !p1, !p2  }
0xcf: {  	v9 =	vor.u32 v2, v8;
	v7 =	vld.idx.msk [tilespmem:v63+s13+$0x0], $0xffff;
	s30 =	sshrl.u32 @!p0 s30, $0x19;
	p1 =	por @!p0 !p1, !p1  }
0xd0: {  	v8 =	vor.u32 v3, v8;
	v6 =	vld.idx.msk [tilespmem:v6+s13+$0x0], $0xffff;
	s4 =	sadd.s32 @!p0 s30, s4;
	s30 =	simm.s32 @!p0 $0x1;
	p1 =	por !p1, p0  }
0xd1: {  	s4 =	sshrl.u32 @!p0 s4, $0x7;
	s30 =	simm.s32 @p1 $0x0  }
0xd2: {  	s4 =	ssub.s32 @!p0 s4, s30  }
0xd3: {  	s4 =	sshll.u32 @!p0 s4, $0x7  }
0xd4: {  	[tilespmem:v9+s28+$0x0] =	vst.idx.msk $0xffff, v7;
	s4 =	sand.u32 @!p0 $0x1FFFFF80, s4  }
0xd5: {  	[tilespmem:v8+s28+$0x0] =	vst.idx.msk $0xffff, v6;
	s30 =	simm.s32 @!p0 $0x2200;
	s4 =	sadd.s32 @!p0 s0, s4  }
0xd6: {  	[tilespmem:s30], [sflag:$0x1] =	stream.strided.gather @!p0 [hbm4b:s4+s3], $0x1000, s29, s3, $0x38;
	[tilespmem:$0x14200] =	vst v63  }
0xd7: {  	_ =	swait.ge [sflag:s8], $0x1000  }
0xd8: {  	(v2sf) =	vpush @!p0 v4, $0x3;
	_ =	sdelay $0xb  }
0xd9: {  	v14 =	vbroadcast v5, $0x3;
	_ =	sdelay $0x1  }
0xda: {  	v15 =	vor.u32 v0, v14;
	s30 =	sadd.s32 $0xFFFFFFF3, s1  }
0xdb: {  	v6 =	vor.u32 v1, v14;
	v16 =	vmov s30;
	s4 =	spop @!p0 (v2sf)  }
0xdc: {  	v17 =	vshll.u32 v16, $0x3;
	s30 =	sand.u32 @!p0 $0x7F, s4  }
0xdd: {  	[sflag:s8] =	ssyncset.done $0x0;
	v8 =	vand.u32 $0x73, v16;
	v9 =	vand.u32 $0xC00, v17;
	p1 =	slt.s32 @!p0 s4, $0x1;
	p2 =	sne.s32 @!p0 s30, $0x0  }
0xde: {  	[sflag:s8] =	ssyncadd.s32 $0xFFFFF000;
	v8 =	vor.u32 v8, v9;
	s30 =	sshra.s32 @!p0 s4, $0x1F;
	p1 =	por @!p0 !p1, !p2  }
0xdf: {  	v7 =	vld.idx.msk [tilespmem:v15+s14+$0x0], $0xffff;
	v9 =	vor.u32 v2, v8;
	s30 =	sshrl.u32 @!p0 s30, $0x19;
	p1 =	por @!p0 !p1, !p1  }
0xe0: {  	v6 =	vld.idx.msk [tilespmem:v6+s14+$0x0], $0xffff;
	v8 =	vor.u32 v3, v8;
	s4 =	sadd.s32 @!p0 s30, s4;
	s30 =	simm.s32 @!p0 $0x1;
	p1 =	por !p1, p0  }
0xe1: {  	s4 =	sshrl.u32 @!p0 s4, $0x7;
	s30 =	simm.s32 @p1 $0x0  }
0xe2: {  	s4 =	ssub.s32 @!p0 s4, s30  }
0xe3: {  	s4 =	sshll.u32 @!p0 s4, $0x7  }
0xe4: {  	[tilespmem:v9+s28+$0x0] =	vst.idx.msk $0xffff, v7;
	s4 =	sand.u32 @!p0 $0x1FFFFF80, s4  }
0xe5: {  	[tilespmem:v8+s28+$0x0] =	vst.idx.msk $0xffff, v6;
	s30 =	simm.s32 @!p0 $0x3200;
	s4 =	sadd.s32 @!p0 s0, s4  }
0xe6: {  	[tilespmem:s30], [sflag:$0x1] =	stream.strided.gather @!p0 [hbm4b:s4+s3], $0x1000, s29, s3, $0x38;
	[tilespmem:$0x14200] =	vst v63  }
0xe7: {  	_ =	swait.ge [sflag:s8], $0x1000  }
0xe8: {  	(v2sf) =	vpush @!p0 v4, $0x4;
	_ =	sdelay $0xb  }
0xe9: {  	v18 =	vbroadcast v5, $0x4;
	_ =	sdelay $0x1  }
0xea: {  	s5 =	sadd.s32 $0xFFFFFFF4, s1;
	v19 =	vor.u32 v0, v18  }
0xeb: {  	v20 =	vmov s5;
	v6 =	vor.u32 v1, v18;
	s4 =	spop @!p0 (v2sf)  }
0xec: {  	v21 =	vshll.u32 v20, $0x3;
	s30 =	sand.u32 @!p0 $0x7F, s4  }
0xed: {  	v9 =	vand.u32 $0xC00, v21;
	v8 =	vand.u32 $0x74, v20;
	[sflag:s8] =	ssyncset.done $0x0;
	p1 =	slt.s32 @!p0 s4, $0x1;
	p2 =	sne.s32 @!p0 s30, $0x0  }
0xee: {  	v8 =	vor.u32 v8, v9;
	[sflag:s8] =	ssyncadd.s32 $0xFFFFF000;
	s30 =	sshra.s32 @!p0 s4, $0x1F;
	p1 =	por @!p0 !p1, !p2  }
0xef: {  	v9 =	vor.u32 v2, v8;
	v7 =	vld.idx.msk [tilespmem:v19+s15+$0x0], $0xffff;
	s30 =	sshrl.u32 @!p0 s30, $0x19;
	p1 =	por @!p0 !p1, !p1  }
0xf0: {  	v8 =	vor.u32 v3, v8;
	v6 =	vld.idx.msk [tilespmem:v6+s15+$0x0], $0xffff;
	s4 =	sadd.s32 @!p0 s30, s4;
	s30 =	simm.s32 @!p0 $0x1;
	p1 =	por !p1, p0  }
0xf1: {  	s4 =	sshrl.u32 @!p0 s4, $0x7;
	s30 =	simm.s32 @p1 $0x0  }
0xf2: {  	s4 =	ssub.s32 @!p0 s4, s30  }
0xf3: {  	s4 =	sshll.u32 @!p0 s4, $0x7  }
0xf4: {  	[tilespmem:v9+s28+$0x0] =	vst.idx.msk $0xffff, v7;
	s4 =	sand.u32 @!p0 $0x1FFFFF80, s4  }
0xf5: {  	[tilespmem:v8+s28+$0x0] =	vst.idx.msk $0xffff, v6;
	s30 =	simm.s32 @!p0 $0x4200;
	s4 =	sadd.s32 @!p0 s0, s4  }
0xf6: {  	[tilespmem:s30], [sflag:$0x1] =	stream.strided.gather @!p0 [hbm4b:s4+s3], $0x1000, s29, s3, $0x38;
	[tilespmem:$0x14200] =	vst v63  }
0xf7: {  	_ =	swait.ge [sflag:s8], $0x1000  }
0xf8: {  	(v2sf) =	vpush @!p0 v4, $0x5;
	_ =	sdelay $0xb  }
0xf9: {  	v22 =	vbroadcast v5, $0x5;
	_ =	sdelay $0x1  }
0xfa: {  	v23 =	vor.u32 v0, v22;
	s30 =	sadd.s32 $0xFFFFFFF5, s1  }
0xfb: {  	v6 =	vor.u32 v1, v22;
	v24 =	vmov s30;
	s4 =	spop @!p0 (v2sf)  }
0xfc: {  	v25 =	vshll.u32 v24, $0x3;
	s30 =	sand.u32 @!p0 $0x7F, s4  }
0xfd: {  	[sflag:s8] =	ssyncset.done $0x0;
	v8 =	vand.u32 $0x75, v24;
	v9 =	vand.u32 $0xC00, v25;
	p1 =	slt.s32 @!p0 s4, $0x1;
	p2 =	sne.s32 @!p0 s30, $0x0  }
0xfe: {  	[sflag:s8] =	ssyncadd.s32 $0xFFFFF000;
	v8 =	vor.u32 v8, v9;
	s30 =	sshra.s32 @!p0 s4, $0x1F;
	p1 =	por @!p0 !p1, !p2  }
0xff: {  	v7 =	vld.idx.msk [tilespmem:v23+s16+$0x0], $0xffff;
	v9 =	vor.u32 v2, v8;
	s30 =	sshrl.u32 @!p0 s30, $0x19;
	p1 =	por @!p0 !p1, !p1  }
0x100: {  	v6 =	vld.idx.msk [tilespmem:v6+s16+$0x0], $0xffff;
	v8 =	vor.u32 v3, v8;
	s4 =	sadd.s32 @!p0 s30, s4;
	s30 =	simm.s32 @!p0 $0x1;
	p1 =	por !p1, p0  }
0x101: {  	s4 =	sshrl.u32 @!p0 s4, $0x7;
	s30 =	simm.s32 @p1 $0x0  }
0x102: {  	s4 =	ssub.s32 @!p0 s4, s30  }
0x103: {  	s4 =	sshll.u32 @!p0 s4, $0x7  }
0x104: {  	[tilespmem:v9+s28+$0x0] =	vst.idx.msk $0xffff, v7;
	s4 =	sand.u32 @!p0 $0x1FFFFF80, s4  }
0x105: {  	[tilespmem:v8+s28+$0x0] =	vst.idx.msk $0xffff, v6;
	s30 =	simm.s32 @!p0 $0x5200;
	s4 =	sadd.s32 @!p0 s0, s4  }
0x106: {  	[tilespmem:s30], [sflag:$0x1] =	stream.strided.gather @!p0 [hbm4b:s4+s3], $0x1000, s29, s3, $0x38;
	[tilespmem:$0x14200] =	vst v63  }
0x107: {  	_ =	swait.ge [sflag:s8], $0x1000  }
0x108: {  	(v2sf) =	vpush @!p0 v4, $0x6;
	_ =	sdelay $0xb  }
0x109: {  	v26 =	vbroadcast v5, $0x6;
	_ =	sdelay $0x1  }
0x10a: {  	s5 =	sadd.s32 $0xFFFFFFF6, s1;
	v27 =	vor.u32 v0, v26  }
0x10b: {  	v28 =	vmov s5;
	v6 =	vor.u32 v1, v26;
	s4 =	spop @!p0 (v2sf)  }
0x10c: {  	v29 =	vshll.u32 v28, $0x3;
	s30 =	sand.u32 @!p0 $0x7F, s4  }
0x10d: {  	v9 =	vand.u32 $0xC00, v29;
	v8 =	vand.u32 $0x76, v28;
	[sflag:s8] =	ssyncset.done $0x0;
	p1 =	slt.s32 @!p0 s4, $0x1;
	p2 =	sne.s32 @!p0 s30, $0x0  }
0x10e: {  	v8 =	vor.u32 v8, v9;
	[sflag:s8] =	ssyncadd.s32 $0xFFFFF000;
	s30 =	sshra.s32 @!p0 s4, $0x1F;
	p1 =	por @!p0 !p1, !p2  }
0x10f: {  	v9 =	vor.u32 v2, v8;
	v7 =	vld.idx.msk [tilespmem:v27+s17+$0x0], $0xffff;
	s30 =	sshrl.u32 @!p0 s30, $0x19;
	p1 =	por @!p0 !p1, !p1  }
0x110: {  	v8 =	vor.u32 v3, v8;
	v6 =	vld.idx.msk [tilespmem:v6+s17+$0x0], $0xffff;
	s4 =	sadd.s32 @!p0 s30, s4;
	s30 =	simm.s32 @!p0 $0x1;
	p1 =	por !p1, p0  }
0x111: {  	s4 =	sshrl.u32 @!p0 s4, $0x7;
	s30 =	simm.s32 @p1 $0x0  }
0x112: {  	s4 =	ssub.s32 @!p0 s4, s30  }
0x113: {  	s4 =	sshll.u32 @!p0 s4, $0x7  }
0x114: {  	[tilespmem:v9+s28+$0x0] =	vst.idx.msk $0xffff, v7;
	s4 =	sand.u32 @!p0 $0x1FFFFF80, s4  }
0x115: {  	[tilespmem:v8+s28+$0x0] =	vst.idx.msk $0xffff, v6;
	s30 =	simm.s32 @!p0 $0x6200;
	s4 =	sadd.s32 @!p0 s0, s4  }
0x116: {  	[tilespmem:s30], [sflag:$0x1] =	stream.strided.gather @!p0 [hbm4b:s4+s3], $0x1000, s29, s3, $0x38;
	[tilespmem:$0x14200] =	vst v63  }
0x117: {  	_ =	swait.ge [sflag:s8], $0x1000  }
0x118: {  	(v2sf) =	vpush @!p0 v4, $0x7;
	_ =	sdelay $0xb  }
0x119: {  	v30 =	vbroadcast v5, $0x7;
	_ =	sdelay $0x1  }
0x11a: {  	v31 =	vor.u32 v0, v30;
	s30 =	sadd.s32 $0xFFFFFFF7, s1  }
0x11b: {  	v6 =	vor.u32 v1, v30;
	v32 =	vmov s30;
	s4 =	spop @!p0 (v2sf)  }
0x11c: {  	v33 =	vshll.u32 v32, $0x3;
	s30 =	sand.u32 @!p0 $0x7F, s4  }
0x11d: {  	[sflag:s8] =	ssyncset.done $0x0;
	v8 =	vand.u32 $0x77, v32;
	v9 =	vand.u32 $0xC00, v33;
	p1 =	slt.s32 @!p0 s4, $0x1;
	p2 =	sne.s32 @!p0 s30, $0x0  }
0x11e: {  	[sflag:s8] =	ssyncadd.s32 $0xFFFFF000;
	v8 =	vor.u32 v8, v9;
	s30 =	sshra.s32 @!p0 s4, $0x1F;
	p1 =	por @!p0 !p1, !p2  }
0x11f: {  	v7 =	vld.idx.msk [tilespmem:v31+s18+$0x0], $0xffff;
	v9 =	vor.u32 v2, v8;
	s30 =	sshrl.u32 @!p0 s30, $0x19;
	p1 =	por @!p0 !p1, !p1  }
0x120: {  	v6 =	vld.idx.msk [tilespmem:v6+s18+$0x0], $0xffff;
	v8 =	vor.u32 v3, v8;
	s4 =	sadd.s32 @!p0 s30, s4;
	s30 =	simm.s32 @!p0 $0x1;
	p1 =	por !p1, p0  }
0x121: {  	s4 =	sshrl.u32 @!p0 s4, $0x7;
	s30 =	simm.s32 @p1 $0x0  }
0x122: {  	s4 =	ssub.s32 @!p0 s4, s30  }
0x123: {  	s4 =	sshll.u32 @!p0 s4, $0x7  }
0x124: {  	[tilespmem:v9+s28+$0x0] =	vst.idx.msk $0xffff, v7;
	s4 =	sand.u32 @!p0 $0x1FFFFF80, s4  }
0x125: {  	[tilespmem:v8+s28+$0x0] =	vst.idx.msk $0xffff, v6;
	s30 =	simm.s32 @!p0 $0x7200;
	s4 =	sadd.s32 @!p0 s0, s4  }
0x126: {  	[tilespmem:s30], [sflag:$0x1] =	stream.strided.gather @!p0 [hbm4b:s4+s3], $0x1000, s29, s3, $0x38;
	[tilespmem:$0x14200] =	vst v63  }
0x127: {  	_ =	swait.ge [sflag:s8], $0x1000  }
0x128: {  	(v2sf) =	vpush @!p0 v4, $0x8;
	_ =	sdelay $0xb  }
0x129: {  	v34 =	vbroadcast v5, $0x8;
	_ =	sdelay $0x1  }
0x12a: {  	s5 =	sadd.s32 $0xFFFFFFF8, s1;
	v35 =	vor.u32 v0, v34  }
0x12b: {  	v36 =	vmov s5;
	v6 =	vor.u32 v1, v34;
	s4 =	spop @!p0 (v2sf)  }
0x12c: {  	v37 =	vshll.u32 v36, $0x3;
	s30 =	sand.u32 @!p0 $0x7F, s4  }
0x12d: {  	v9 =	vand.u32 $0xC00, v37;
	v8 =	vand.u32 $0x78, v36;
	[sflag:s8] =	ssyncset.done $0x0;
	p1 =	slt.s32 @!p0 s4, $0x1;
	p2 =	sne.s32 @!p0 s30, $0x0  }
0x12e: {  	v8 =	vor.u32 v8, v9;
	[sflag:s8] =	ssyncadd.s32 $0xFFFFF000;
	s30 =	sshra.s32 @!p0 s4, $0x1F;
	p1 =	por @!p0 !p1, !p2  }
0x12f: {  	v9 =	vor.u32 v2, v8;
	v7 =	vld.idx.msk [tilespmem:v35+s19+$0x0], $0xffff;
	s30 =	sshrl.u32 @!p0 s30, $0x19;
	p1 =	por @!p0 !p1, !p1  }
0x130: {  	v8 =	vor.u32 v3, v8;
	v6 =	vld.idx.msk [tilespmem:v6+s19+$0x0], $0xffff;
	s4 =	sadd.s32 @!p0 s30, s4;
	s30 =	simm.s32 @!p0 $0x1;
	p1 =	por !p1, p0  }
0x131: {  	s4 =	sshrl.u32 @!p0 s4, $0x7;
	s30 =	simm.s32 @p1 $0x0  }
0x132: {  	s4 =	ssub.s32 @!p0 s4, s30  }
0x133: {  	s4 =	sshll.u32 @!p0 s4, $0x7  }
0x134: {  	[tilespmem:v9+s28+$0x0] =	vst.idx.msk $0xffff, v7;
	s4 =	sand.u32 @!p0 $0x1FFFFF80, s4  }
0x135: {  	[tilespmem:v8+s28+$0x0] =	vst.idx.msk $0xffff, v6;
	s30 =	simm.s32 @!p0 $0x8200;
	s4 =	sadd.s32 @!p0 s0, s4  }
0x136: {  	[tilespmem:s30], [sflag:$0x1] =	stream.strided.gather @!p0 [hbm4b:s4+s3], $0x1000, s29, s3, $0x38;
	[tilespmem:$0x14200] =	vst v63  }
0x137: {  	_ =	swait.ge [sflag:s8], $0x1000  }
0x138: {  	(v2sf) =	vpush @!p0 v4, $0x9;
	_ =	sdelay $0xb  }
0x139: {  	v38 =	vbroadcast v5, $0x9;
	_ =	sdelay $0x1  }
0x13a: {  	v39 =	vor.u32 v0, v38;
	s30 =	sadd.s32 $0xFFFFFFF9, s1  }
0x13b: {  	v6 =	vor.u32 v1, v38;
	v40 =	vmov s30;
	s4 =	spop @!p0 (v2sf)  }
0x13c: {  	v41 =	vshll.u32 v40, $0x3;
	s30 =	sand.u32 @!p0 $0x7F, s4  }
0x13d: {  	[sflag:s8] =	ssyncset.done $0x0;
	v8 =	vand.u32 $0x79, v40;
	v9 =	vand.u32 $0xC00, v41;
	p1 =	slt.s32 @!p0 s4, $0x1;
	p2 =	sne.s32 @!p0 s30, $0x0  }
0x13e: {  	[sflag:s8] =	ssyncadd.s32 $0xFFFFF000;
	v8 =	vor.u32 v8, v9;
	s30 =	sshra.s32 @!p0 s4, $0x1F;
	p1 =	por @!p0 !p1, !p2  }
0x13f: {  	v7 =	vld.idx.msk [tilespmem:v39+s20+$0x0], $0xffff;
	v9 =	vor.u32 v2, v8;
	s30 =	sshrl.u32 @!p0 s30, $0x19;
	p1 =	por @!p0 !p1, !p1  }
0x140: {  	v6 =	vld.idx.msk [tilespmem:v6+s20+$0x0], $0xffff;
	v8 =	vor.u32 v3, v8;
	s4 =	sadd.s32 @!p0 s30, s4;
	s30 =	simm.s32 @!p0 $0x1;
	p1 =	por !p1, p0  }
0x141: {  	s4 =	sshrl.u32 @!p0 s4, $0x7;
	s30 =	simm.s32 @p1 $0x0  }
0x142: {  	s4 =	ssub.s32 @!p0 s4, s30  }
0x143: {  	s4 =	sshll.u32 @!p0 s4, $0x7  }
0x144: {  	[tilespmem:v9+s28+$0x0] =	vst.idx.msk $0xffff, v7;
	s4 =	sand.u32 @!p0 $0x1FFFFF80, s4  }
0x145: {  	[tilespmem:v8+s28+$0x0] =	vst.idx.msk $0xffff, v6;
	s30 =	simm.s32 @!p0 $0x9200;
	s4 =	sadd.s32 @!p0 s0, s4  }
0x146: {  	[tilespmem:s30], [sflag:$0x1] =	stream.strided.gather @!p0 [hbm4b:s4+s3], $0x1000, s29, s3, $0x38;
	[tilespmem:$0x14200] =	vst v63  }
0x147: {  	_ =	swait.ge [sflag:s8], $0x1000  }
0x148: {  	(v2sf) =	vpush @!p0 v4, $0xA;
	_ =	sdelay $0xb  }
0x149: {  	v42 =	vbroadcast v5, $0xA;
	_ =	sdelay $0x1  }
0x14a: {  	s5 =	sadd.s32 $0xFFFFFFFA, s1;
	v43 =	vor.u32 v0, v42  }
0x14b: {  	v44 =	vmov s5;
	v6 =	vor.u32 v1, v42;
	s4 =	spop @!p0 (v2sf)  }
0x14c: {  	v45 =	vshll.u32 v44, $0x3;
	s30 =	sand.u32 @!p0 $0x7F, s4  }
0x14d: {  	v9 =	vand.u32 $0xC00, v45;
	v8 =	vand.u32 $0x7A, v44;
	[sflag:s8] =	ssyncset.done $0x0;
	p1 =	slt.s32 @!p0 s4, $0x1;
	p2 =	sne.s32 @!p0 s30, $0x0  }
0x14e: {  	v8 =	vor.u32 v8, v9;
	[sflag:s8] =	ssyncadd.s32 $0xFFFFF000;
	s30 =	sshra.s32 @!p0 s4, $0x1F;
	p1 =	por @!p0 !p1, !p2  }
0x14f: {  	v9 =	vor.u32 v2, v8;
	v7 =	vld.idx.msk [tilespmem:v43+s21+$0x0], $0xffff;
	s30 =	sshrl.u32 @!p0 s30, $0x19;
	p1 =	por @!p0 !p1, !p1  }
0x150: {  	v8 =	vor.u32 v3, v8;
	v6 =	vld.idx.msk [tilespmem:v6+s21+$0x0], $0xffff;
	s4 =	sadd.s32 @!p0 s30, s4;
	s30 =	simm.s32 @!p0 $0x1;
	p1 =	por !p1, p0  }
0x151: {  	s4 =	sshrl.u32 @!p0 s4, $0x7;
	s30 =	simm.s32 @p1 $0x0  }
0x152: {  	s4 =	ssub.s32 @!p0 s4, s30  }
0x153: {  	s4 =	sshll.u32 @!p0 s4, $0x7  }
0x154: {  	[tilespmem:v9+s28+$0x0] =	vst.idx.msk $0xffff, v7;
	s4 =	sand.u32 @!p0 $0x1FFFFF80, s4  }
0x155: {  	[tilespmem:v8+s28+$0x0] =	vst.idx.msk $0xffff, v6;
	s30 =	simm.s32 @!p0 $0xA200;
	s4 =	sadd.s32 @!p0 s0, s4  }
0x156: {  	[tilespmem:s30], [sflag:$0x1] =	stream.strided.gather @!p0 [hbm4b:s4+s3], $0x1000, s29, s3, $0x38;
	[tilespmem:$0x14200] =	vst v63  }
0x157: {  	_ =	swait.ge [sflag:s8], $0x1000  }
0x158: {  	(v2sf) =	vpush @!p0 v4, $0xB;
	_ =	sdelay $0xb  }
0x159: {  	v46 =	vbroadcast v5, $0xB;
	_ =	sdelay $0x1  }
0x15a: {  	v47 =	vor.u32 v0, v46;
	s30 =	sadd.s32 $0xFFFFFFFB, s1  }
0x15b: {  	v6 =	vor.u32 v1, v46;
	v48 =	vmov s30;
	s4 =	spop @!p0 (v2sf)  }
0x15c: {  	v49 =	vshll.u32 v48, $0x3;
	s30 =	sand.u32 @!p0 $0x7F, s4  }
0x15d: {  	[sflag:s8] =	ssyncset.done $0x0;
	v8 =	vand.u32 $0x7B, v48;
	v9 =	vand.u32 $0xC00, v49;
	p1 =	slt.s32 @!p0 s4, $0x1;
	p2 =	sne.s32 @!p0 s30, $0x0  }
0x15e: {  	[sflag:s8] =	ssyncadd.s32 $0xFFFFF000;
	v8 =	vor.u32 v8, v9;
	s30 =	sshra.s32 @!p0 s4, $0x1F;
	p1 =	por @!p0 !p1, !p2  }
0x15f: {  	v7 =	vld.idx.msk [tilespmem:v47+s22+$0x0], $0xffff;
	v9 =	vor.u32 v2, v8;
	s30 =	sshrl.u32 @!p0 s30, $0x19;
	p1 =	por @!p0 !p1, !p1  }
0x160: {  	v6 =	vld.idx.msk [tilespmem:v6+s22+$0x0], $0xffff;
	v8 =	vor.u32 v3, v8;
	s4 =	sadd.s32 @!p0 s30, s4;
	s30 =	simm.s32 @!p0 $0x1;
	p1 =	por !p1, p0  }
0x161: {  	s4 =	sshrl.u32 @!p0 s4, $0x7;
	s30 =	simm.s32 @p1 $0x0  }
0x162: {  	s4 =	ssub.s32 @!p0 s4, s30  }
0x163: {  	s4 =	sshll.u32 @!p0 s4, $0x7  }
0x164: {  	[tilespmem:v9+s28+$0x0] =	vst.idx.msk $0xffff, v7;
	s4 =	sand.u32 @!p0 $0x1FFFFF80, s4  }
0x165: {  	[tilespmem:v8+s28+$0x0] =	vst.idx.msk $0xffff, v6;
	s30 =	simm.s32 @!p0 $0xB200;
	s4 =	sadd.s32 @!p0 s0, s4  }
0x166: {  	[tilespmem:s30], [sflag:$0x1] =	stream.strided.gather @!p0 [hbm4b:s4+s3], $0x1000, s29, s3, $0x38;
	[tilespmem:$0x14200] =	vst v63  }
0x167: {  	_ =	swait.ge [sflag:s8], $0x1000  }
0x168: {  	(v2sf) =	vpush @!p0 v4, $0xC;
	_ =	sdelay $0xb  }
0x169: {  	v50 =	vbroadcast v5, $0xC;
	_ =	sdelay $0x1  }
0x16a: {  	s5 =	sadd.s32 $0xFFFFFFFC, s1;
	v51 =	vor.u32 v0, v50  }
0x16b: {  	v52 =	vmov s5;
	v6 =	vor.u32 v1, v50;
	s4 =	spop @!p0 (v2sf)  }
0x16c: {  	v53 =	vshll.u32 v52, $0x3;
	s30 =	sand.u32 @!p0 $0x7F, s4  }
0x16d: {  	v9 =	vand.u32 $0xC00, v53;
	v8 =	vand.u32 $0x7C, v52;
	[sflag:s8] =	ssyncset.done $0x0;
	p1 =	slt.s32 @!p0 s4, $0x1;
	p2 =	sne.s32 @!p0 s30, $0x0  }
0x16e: {  	v8 =	vor.u32 v8, v9;
	[sflag:s8] =	ssyncadd.s32 $0xFFFFF000;
	s30 =	sshra.s32 @!p0 s4, $0x1F;
	p1 =	por @!p0 !p1, !p2  }
0x16f: {  	v9 =	vor.u32 v2, v8;
	v7 =	vld.idx.msk [tilespmem:v51+s23+$0x0], $0xffff;
	s30 =	sshrl.u32 @!p0 s30, $0x19;
	p1 =	por @!p0 !p1, !p1  }
0x170: {  	v8 =	vor.u32 v3, v8;
	v6 =	vld.idx.msk [tilespmem:v6+s23+$0x0], $0xffff;
	s4 =	sadd.s32 @!p0 s30, s4;
	s30 =	simm.s32 @!p0 $0x1;
	p1 =	por !p1, p0  }
0x171: {  	s4 =	sshrl.u32 @!p0 s4, $0x7;
	s30 =	simm.s32 @p1 $0x0  }
0x172: {  	s4 =	ssub.s32 @!p0 s4, s30  }
0x173: {  	s4 =	sshll.u32 @!p0 s4, $0x7  }
0x174: {  	[tilespmem:v9+s28+$0x0] =	vst.idx.msk $0xffff, v7;
	s4 =	sand.u32 @!p0 $0x1FFFFF80, s4  }
0x175: {  	[tilespmem:v8+s28+$0x0] =	vst.idx.msk $0xffff, v6;
	s30 =	simm.s32 @!p0 $0xC200;
	s4 =	sadd.s32 @!p0 s0, s4  }
0x176: {  	[tilespmem:s30], [sflag:$0x1] =	stream.strided.gather @!p0 [hbm4b:s4+s3], $0x1000, s29, s3, $0x38;
	[tilespmem:$0x14200] =	vst v63  }
0x177: {  	_ =	swait.ge [sflag:s8], $0x1000  }
0x178: {  	(v2sf) =	vpush @!p0 v4, $0xD;
	_ =	sdelay $0xb  }
0x179: {  	v54 =	vbroadcast v5, $0xD;
	_ =	sdelay $0x1  }
0x17a: {  	v55 =	vor.u32 v0, v54;
	s30 =	sadd.s32 $0xFFFFFFFD, s1  }
0x17b: {  	v6 =	vor.u32 v1, v54;
	v56 =	vmov s30;
	s4 =	spop @!p0 (v2sf)  }
0x17c: {  	v57 =	vshll.u32 v56, $0x3;
	s30 =	sand.u32 @!p0 $0x7F, s4  }
0x17d: {  	[sflag:s8] =	ssyncset.done $0x0;
	v8 =	vand.u32 $0x7D, v56;
	v9 =	vand.u32 $0xC00, v57;
	p1 =	slt.s32 @!p0 s4, $0x1;
	p2 =	sne.s32 @!p0 s30, $0x0  }
0x17e: {  	[sflag:s8] =	ssyncadd.s32 $0xFFFFF000;
	v8 =	vor.u32 v8, v9;
	s30 =	sshra.s32 @!p0 s4, $0x1F;
	p1 =	por @!p0 !p1, !p2  }
0x17f: {  	v7 =	vld.idx.msk [tilespmem:v55+s24+$0x0], $0xffff;
	v9 =	vor.u32 v2, v8;
	s30 =	sshrl.u32 @!p0 s30, $0x19;
	p1 =	por @!p0 !p1, !p1  }
0x180: {  	v6 =	vld.idx.msk [tilespmem:v6+s24+$0x0], $0xffff;
	v8 =	vor.u32 v3, v8;
	s4 =	sadd.s32 @!p0 s30, s4;
	s30 =	simm.s32 @!p0 $0x1;
	p1 =	por !p1, p0  }
0x181: {  	s4 =	sshrl.u32 @!p0 s4, $0x7;
	s30 =	simm.s32 @p1 $0x0  }
0x182: {  	s4 =	ssub.s32 @!p0 s4, s30  }
0x183: {  	s4 =	sshll.u32 @!p0 s4, $0x7  }
0x184: {  	[tilespmem:v9+s28+$0x0] =	vst.idx.msk $0xffff, v7;
	s4 =	sand.u32 @!p0 $0x1FFFFF80, s4  }
0x185: {  	[tilespmem:v8+s28+$0x0] =	vst.idx.msk $0xffff, v6;
	s30 =	simm.s32 @!p0 $0xD200;
	s4 =	sadd.s32 @!p0 s0, s4  }
0x186: {  	[tilespmem:s30], [sflag:$0x1] =	stream.strided.gather @!p0 [hbm4b:s4+s3], $0x1000, s29, s3, $0x38;
	[tilespmem:$0x14200] =	vst v63  }
0x187: {  	_ =	swait.ge [sflag:s8], $0x1000  }
0x188: {  	(v2sf) =	vpush @!p0 v4, $0xE;
	_ =	sdelay $0xb  }
0x189: {  	v58 =	vbroadcast v5, $0xE;
	_ =	sdelay $0x1  }
0x18a: {  	s5 =	sadd.s32 $0xFFFFFFFE, s1;
	v59 =	vor.u32 v0, v58  }
0x18b: {  	v60 =	vmov s5;
	v6 =	vor.u32 v1, v58;
	s4 =	spop @!p0 (v2sf)  }
0x18c: {  	v61 =	vshll.u32 v60, $0x3;
	s30 =	sand.u32 @!p0 $0x7F, s4  }
0x18d: {  	v9 =	vand.u32 $0xC00, v61;
	v8 =	vand.u32 $0x7E, v60;
	[sflag:s8] =	ssyncset.done $0x0;
	p1 =	slt.s32 @!p0 s4, $0x1;
	p2 =	sne.s32 @!p0 s30, $0x0  }
0x18e: {  	v8 =	vor.u32 v8, v9;
	[sflag:s8] =	ssyncadd.s32 $0xFFFFF000;
	s30 =	sshra.s32 @!p0 s4, $0x1F;
	p1 =	por @!p0 !p1, !p2  }
0x18f: {  	v9 =	vor.u32 v2, v8;
	v7 =	vld.idx.msk [tilespmem:v59+s25+$0x0], $0xffff;
	s30 =	sshrl.u32 @!p0 s30, $0x19;
	p1 =	por @!p0 !p1, !p1  }
0x190: {  	v8 =	vor.u32 v3, v8;
	v6 =	vld.idx.msk [tilespmem:v6+s25+$0x0], $0xffff;
	s4 =	sadd.s32 @!p0 s30, s4;
	s30 =	simm.s32 @!p0 $0x1;
	p1 =	por !p1, p0  }
0x191: {  	s4 =	sshrl.u32 @!p0 s4, $0x7;
	s30 =	simm.s32 @p1 $0x0  }
0x192: {  	s4 =	ssub.s32 @!p0 s4, s30  }
0x193: {  	s4 =	sshll.u32 @!p0 s4, $0x7  }
0x194: {  	[tilespmem:v9+s28+$0x0] =	vst.idx.msk $0xffff, v7;
	s4 =	sand.u32 @!p0 $0x1FFFFF80, s4  }
0x195: {  	[tilespmem:v8+s28+$0x0] =	vst.idx.msk $0xffff, v6;
	s30 =	simm.s32 @!p0 $0xE200;
	s4 =	sadd.s32 @!p0 s0, s4  }
0x196: {  	[tilespmem:s30], [sflag:$0x1] =	stream.strided.gather @!p0 [hbm4b:s4+s3], $0x1000, s29, s3, $0x38;
	[tilespmem:$0x14200] =	vst v63  }
0x197: {  	_ =	swait.ge [sflag:s8], $0x1000  }
0x198: {  	(v2sf) =	vpush @!p0 v4, $0xF;
	_ =	sdelay $0xc  }
0x199: {  	v4 =	vbroadcast v5, $0xF;
	_ =	sdelay $0x1  }
0x19a: {  	s30 =	sadd.s32 $0xFFFFFFFF, s1;
	v5 =	vor.u32 v0, v4;
	s4 =	spop @!p0 (v2sf)  }
0x19b: {  	v62 =	vmov s30;
	v4 =	vor.u32 v1, v4;
	s30 =	sand.u32 @!p0 $0x7F, s4  }
0x19c: {  	v63 =	vshll.u32 v62, $0x3;
	p1 =	slt.s32 @!p0 s4, $0x1;
	p2 =	sne.s32 @!p0 s30, $0x0  }
0x19d: {  	s5 =	simm.s32 @!p0 $0x1;
	[sflag:s8] =	ssyncset.done $0x0;
	v6 =	vand.u32 $0x7F, v62;
	v7 =	vand.u32 $0xC00, v63;
	p1 =	por @!p0 !p1, !p2  }
0x19e: {  	[sflag:s8] =	ssyncadd.s32 $0xFFFFF000;
	v6 =	vor.u32 v6, v7;
	s30 =	sshra.s32 @!p0 s4, $0x1F;
	p1 =	por @!p0 !p1, !p1  }
0x19f: {  	s1 =	sadd.s32 @!p0 $0x10, s1;
	v7 =	vor.u32 v2, v6;
	v5 =	vld.idx.msk [tilespmem:v5+s26+$0x0], $0xffff;
	s30 =	sshrl.u32 @!p0 s30, $0x19;
	p1 =	por !p1, p0  }
0x1a0: {  	v6 =	vor.u32 v3, v6;
	v4 =	vld.idx.msk [tilespmem:v4+s26+$0x0], $0xffff;
	s4 =	sadd.s32 @!p0 s30, s4;
	s5 =	simm.s32 @p1 $0x0;
	p1 =	sne.s32 @!p0 s1, $0x210  }
0x1a1: {  	s4 =	sshrl.u32 @!p0 s4, $0x7;
	p1 =	por p0, !p1  }
.Ltmp0:
0x1a2: {  	s4 =	ssub.s32 @!p0 s4, s5;
	(pc) =	sbr.rel @!p1 .LBB2_2-.Ltmp0, $4  }
0x1a3: {  	s4 =	sshll.u32 @!p0 s4, $0x7  }
0x1a4: {  	[tilespmem:v7+s28+$0x0] =	vst.idx.msk $0xffff, v5;
	s4 =	sand.u32 @!p0 $0x1FFFFF80, s4  }
0x1a5: {  	s2 =	sadd.s32 @!p0 $0x10, s2;
	[tilespmem:v6+s28+$0x0] =	vst.idx.msk $0xffff, v4;
	s5 =	simm.s32 @!p0 $0xF200;
	s4 =	sadd.s32 @!p0 s0, s4  }
0x1a6: {  	[tilespmem:s5], [sflag:$0x1] =	stream.strided.gather @!p0 [hbm4b:s4+s3], $0x1000, s29, s3, $0x38;
	[tilespmem:$0x14200] =	vst v63  }
0x1a7: {  	s31 =	sadd.s32 $0x1, s31  }
0x1a8: {  	s1 =	rddreg [dreg:$0x5];
	p0 =	sne.s32 s31, s6  }
.Ltmp1:
0x1a9: {  	s2 =	simm.s32 $0x1000;
	s3 =	simm.s32 $0x20000;
	(pc) =	sbr.rel @p0 .LBB2_1-.Ltmp1, $4  }
0x1aa: {  	[hbm4b:s1+s2] =	stream.strided.scatter [tilespmem:s28], [sflag:$0x2], $0x4000, s3, s2, $0x38;
	[tilespmem:$0x14200] =	vst v63  }
0x1ab: {  	_ =	swait.ge [sflag:s7], $0x4000  }
0x1ac: {  	[sflag:s7] =	ssyncset.done $0x0  }
0x1ad: {  	[sflag:s7] =	ssyncadd.s32 $0xFFFFC000  }
0x1ae: {  	_ =	sfence.sel $0x180000  }
0x1af: {  	[bflag:$0x0] =	sbarrier.arrive $0xFFFF  }
0x1b0: {  	_ =	strace $0x90000047  }
0x1b1: {  	s0 =	stileid.u32;
	[bflag:$0x2] =	sbarrier.arrive $0xFFFF  }
0x1b2: {  	p0 =	sne.s32 s0, $0x0;
	s0 =	rddreg [dreg:$0x3]  }
0x1b3: {  	s0 =	sadd.s32 @!p0 $0x100000, s0  }
0x1b4: {  	[sflag:s0] =	ssyncadd.tile.s32 @!p0 $0x1;
	_ =	shalt  }
.Lfunc_end2:
_tile_overlayer_lowered:
.L_overlay_start_2:
0x1b5: {  	(tag) =	ssettag $0x2  }
0x1b6: {  	s0 =	rddreg [dreg:$0x0];
	s2 =	stileid.u32  }
0x1b7: {  	s1 =	rddreg [dreg:$0x1];
	p0 =	sne.s32 s2, $0x0  }
0x1b8: {  	s3 =	rddreg [dreg:$0x2];
	[bflag:$0x3] =	sbarrier.arrive $0xFFFF;
	s2 =	simm.s32 @!p0 $0x1C02  }
0x1b9: {  	[timem:s3], [sflag:s2] =	dma.local @!p0 [hbm:s0], s1  }
0x1ba: {  	s0 =	simm.s32 @!p0 $0x2  }
0x1bb: {  	_ =	swait.ge @!p0 [sflag:s0], s1  }
0x1bc: {  	s1 =	ssub.s32 @!p0 $0x0, s1;
	[sflag:s0] =	ssyncset.done @!p0 $0x0  }
0x1bd: {  	[sflag:s0] =	ssyncadd.s32 @!p0 s1  }
0x1be: {  	[bflag:$0x3] =	sbarrier.arrive $0xFFFF  }
0x1bf: {  	_ =	shalt  }

</sc_bundles>
